<compile_context>
chip_gen: v7x
topology: tpu7x:2x2x1
jax: 0.10.2.dev20260603
libtpu: 0.0.44.dev20260713+nightly
codegen_flags: <defaults>
</compile_context>

<pallas_src>
import functools

import jax
import jax.numpy as jnp
from jax import lax
from jax.experimental import pallas as pl
from jax.experimental.pallas import tpu as pltpu
from jax.experimental.pallas import tpu_sc as plsc

_V = 10000
_VPAD = 10240
_D = 128
_H = 512
_W = 512
_P = _H * _W

_NC = 2
_NS = 16
_NW = _NC * _NS
_CPW = 8
_NCG = _D // _CPW
_NPH = _NW // _NCG
_PPW = _P // _NPH
_CHUNK = 2048
_NCHUNK = _PPW // _CHUNK
_ROWS = _CHUNK // _W
_LANES = 16
_UNROLL = 8


def _transpose_body(x_ref, o_ref):
    o_ref[...] = jnp.pad(x_ref[...], ((0, _VPAD - _V), (0, 0))).T


def _table_transpose(table):
    return pl.pallas_call(
        _transpose_body,
        out_shape=jax.ShapeDtypeStruct((_D, _VPAD), jnp.float32),
    )(table)


def _gather_body(table_t_hbm, idx_hbm, out_hbm, rows_v, idx_v, out_v,
                 sem_idx0, sem_idx1, sem_out0, sem_out1):
    wid = lax.axis_index("s") * _NC + lax.axis_index("c")
    c0 = (wid // _NPH) * _CPW
    p0 = (wid % _NPH) * _PPW
    r0 = (wid % _NPH) * (_PPW // _W)
    sem_idx = (sem_idx0, sem_idx1)
    sem_out = (sem_out0, sem_out1)

    def idx_copy(t, tb):
        return pltpu.make_async_copy(
            idx_hbm.at[pl.ds(r0 + t * 2 * _ROWS, 2 * _ROWS)],
            idx_v.at[tb], sem_idx[tb])

    def out_copy(t, b):
        return pltpu.make_async_copy(
            out_v.at[b],
            out_hbm.at[pl.ds(c0, _CPW), pl.ds(r0 + t * 8, 8),
                       pl.ds(b * (_W // 2), _W // 2)],
            sem_out[b])

    def gather_chunk(tb, b):
        @plsc.parallel_loop(0, _CHUNK // _LANES, unroll=_UNROLL)
        def vec_body(i):
            h = i // (_W // 2 // _LANES)
            w = (i % (_W // 2 // _LANES)) * _LANES
            idx16 = idx_v[tb, h, pl.ds(b * (_W // 2) + w, _LANES)]
            for c in range(_CPW):
                cvec = jnp.full((_LANES,), c, jnp.int32)
                out_v[b, c, h, pl.ds(w, _LANES)] = (
                    plsc.load_gather(rows_v, [cvec, idx16]))

    idx_copy(0, 0).start()
    idx_copy(1, 1).start()
    pltpu.sync_copy(table_t_hbm.at[pl.ds(c0, _CPW)], rows_v)

    def quad_body(t2, carry):
        for tb in range(2):
            t = 2 * t2 + tb
            idx_copy(t, tb).wait()
            for b in range(2):
                if tb == 0:
                    @pl.when(t2 > 0)
                    def _wait_out():
                        out_copy(t - 1, b).wait()
                else:
                    out_copy(t - 1, b).wait()

                gather_chunk(tb, b)
                out_copy(t, b).start()

            @pl.when(t + 2 < _NCHUNK // 2)
            def _next_idx():
                idx_copy(t + 2, tb).start()
        return carry

    lax.fori_loop(0, _NCHUNK // 4, quad_body, 0)
    for b in range(2):
        out_copy(_NCHUNK // 2 - 1, b).wait()


_gather_call = functools.partial(
    pl.kernel,
    out_type=jax.ShapeDtypeStruct((_D, _H, _W), jnp.float32),
    mesh=plsc.VectorSubcoreMesh(core_axis_name="c", subcore_axis_name="s"),
    scratch_types=[
        pltpu.VMEM((_CPW, _VPAD), jnp.float32),
        pltpu.VMEM((2, 2 * _ROWS, _W), jnp.int32),
        pltpu.VMEM((2, _CPW, 8, _W // 2), jnp.float32),
        pltpu.SemaphoreType.DMA,
        pltpu.SemaphoreType.DMA,
        pltpu.SemaphoreType.DMA,
        pltpu.SemaphoreType.DMA,
    ],
    compiler_params=pltpu.CompilerParams(
        needs_layout_passes=False, use_tc_tiling_on_sc=True),
)(_gather_body)


def kernel(graph_nodes, spx_image):
    table_t = _table_transpose(graph_nodes)
    return _gather_call(table_t, spx_image.astype(jnp.int32))

# --- scband reference (transcript-rebuilt; emitter-appended) ---
"""Pipeline reference for scband-graph2-image-features-3169685865053 (READ-ONLY COPY).

The authoritative reference and input builder live on the scoring server;
editing this copy changes nothing except your own understanding.
"""

import jax, jax.numpy as jnp
import numpy as np


def setup_inputs(seed: int = 0) -> dict:
    key = jax.random.key(seed)
    k1, k2 = jax.random.split(key)
    graph_nodes = jax.random.normal(k1, (10000, 128), dtype=jnp.float32)
    spx_image = jax.random.randint(k2, (512, 512), 0, 10000, dtype=jnp.int64)
    return {"graph_nodes": graph_nodes, "spx_image": spx_image}


def reference(graph_nodes, spx_image):
    # flat_spx = spx_image.view(-1, 1).expand(-1, d); torch.gather(graph_nodes, 0, flat_spx)
    # is equivalent to a row-gather of graph_nodes by the flattened index image.
    flat_spx = spx_image.reshape(-1)
    out = jnp.take(graph_nodes, flat_spx, axis=0)  # [H*W, d]
    out = out.reshape(spx_image.shape + (graph_nodes.shape[1],))  # [H, W, d]
    return jnp.transpose(out, (2, 0, 1))  # [d, H, W]

if __name__ == "__main__":
    import jax
    _d = setup_inputs()
    print(jax.jit(kernel)(*tuple(_d.values())))

</pallas_src>

<mosaic_0001>
#map = affine_map<(d0, d1) -> (0, 0)>
#map1 = affine_map<(d0, d1) -> (0, 0, 0)>
module attributes {stable_mosaic.version = 14 : i64} {
  func.func @_gather_body(%arg0: i32, %arg1: i32, %arg2: memref<128x10240xf32, #tpu.memory_space<hbm>>, %arg3: memref<512x512xi32, #tpu.memory_space<hbm>>, %arg4: memref<128x512x512xf32, #tpu.memory_space<hbm>>, %arg5: memref<8x10240xf32, #tpu.memory_space<vmem>>, %arg6: memref<2x8x512xi32, #tpu.memory_space<vmem>>, %arg7: memref<2x8x8x256xf32, #tpu.memory_space<vmem>>, %arg8: memref<!tpu.dma_semaphore, #tpu.memory_space<semaphore_mem>>, %arg9: memref<!tpu.dma_semaphore, #tpu.memory_space<semaphore_mem>>, %arg10: memref<!tpu.dma_semaphore, #tpu.memory_space<semaphore_mem>>, %arg11: memref<!tpu.dma_semaphore, #tpu.memory_space<semaphore_mem>>) attributes {dimension_semantics = [#tpu.dimension_semantics<core_parallel>, #tpu.dimension_semantics<subcore_parallel>], iteration_bounds = array<i64: 2, 16>, scalar_prefetch = 0 : i64, scratch_operands = 7 : i64, tpu.core_type = #tpu.core_type<sc_vector_subcore>, window_params = [{transform_indices = #map}, {transform_indices = #map}, {transform_indices = #map1}]} {
    %mul3A = arith.constant 2 : i32
    %mul3A_0 = arith.muli %arg1, %mul3A : i32
    %add3A = arith.addi %mul3A_0, %arg0 : i32
    %jit3A = arith.constant 2 : i32
    %div3A = arith.divsi %add3A, %jit3A : i32
    %sign3A = arith.constant 0 : i32
    %sign3A_1 = arith.cmpi sgt, %add3A, %sign3A : i32
    %sign3A_2 = arith.extui %sign3A_1 : i1 to i32
    %sign3A_3 = arith.constant 0 : i32
    %sign3A_4 = arith.cmpi slt, %add3A, %sign3A_3 : i32
    %sign3A_5 = arith.extui %sign3A_4 : i1 to i32
    %sign3A_6 = arith.subi %sign3A_2, %sign3A_5 : i32
    %sign3A_7 = arith.constant 0 : i32
    %sign3A_8 = arith.cmpi sgt, %jit3A, %sign3A_7 : i32
    %sign3A_9 = arith.extui %sign3A_8 : i1 to i32
    %sign3A_10 = arith.constant 0 : i32
    %sign3A_11 = arith.cmpi slt, %jit3A, %sign3A_10 : i32
    %sign3A_12 = arith.extui %sign3A_11 : i1 to i32
    %sign3A_13 = arith.subi %sign3A_9, %sign3A_12 : i32
    %ne3A = arith.cmpi ne, %sign3A_6, %sign3A_13 : i32
    %rem3A = arith.remsi %add3A, %jit3A : i32
    %ne3A_14 = arith.constant 0 : i32
    %ne3A_15 = arith.cmpi ne, %rem3A, %ne3A_14 : i32
    %and3A = arith.andi %ne3A, %ne3A_15 : i1
    %sub3A = arith.constant 1 : i32
    %sub3A_16 = arith.subi %div3A, %sub3A : i32
    %select_n3A = arith.select %and3A, %sub3A_16, %div3A : i32
    %mul3A_17 = arith.constant 8 : i32
    %mul3A_18 = arith.muli %select_n3A, %mul3A_17 : i32
    %jit3A_19 = arith.constant 2 : i32
    %eq3A = arith.constant 0 : i32
    %eq3A_20 = arith.cmpi eq, %jit3A_19, %eq3A : i32
    %jit3A_21 = arith.constant 1 : i32
    %select_n3A_22 = arith.select %eq3A_20, %jit3A_21, %jit3A_19 : i32
    %rem3A_23 = arith.remsi %add3A, %select_n3A_22 : i32
    %ne3A_24 = arith.constant 0 : i32
    %ne3A_25 = arith.cmpi ne, %rem3A_23, %ne3A_24 : i32
    %lt3A = arith.constant 0 : i32
    %lt3A_26 = arith.cmpi slt, %rem3A_23, %lt3A : i32
    %lt3A_27 = arith.constant 0 : i32
    %lt3A_28 = arith.cmpi slt, %select_n3A_22, %lt3A_27 : i32
    %ne3A_29 = arith.xori %lt3A_26, %lt3A_28 : i1
    %and3A_30 = arith.andi %ne3A_29, %ne3A_25 : i1
    %add3A_31 = arith.addi %rem3A_23, %select_n3A_22 : i32
    %select_n3A_32 = arith.select %and3A_30, %add3A_31, %rem3A_23 : i32
    %mul3A_33 = arith.constant 131072 : i32
    %mul3A_34 = arith.muli %select_n3A_32, %mul3A_33 : i32
    %jit3A_35 = arith.constant 2 : i32
    %eq3A_36 = arith.constant 0 : i32
    %eq3A_37 = arith.cmpi eq, %jit3A_35, %eq3A_36 : i32
    %jit3A_38 = arith.constant 1 : i32
    %select_n3A_39 = arith.select %eq3A_37, %jit3A_38, %jit3A_35 : i32
    %rem3A_40 = arith.remsi %add3A, %select_n3A_39 : i32
    %ne3A_41 = arith.constant 0 : i32
    %ne3A_42 = arith.cmpi ne, %rem3A_40, %ne3A_41 : i32
    %lt3A_43 = arith.constant 0 : i32
    %lt3A_44 = arith.cmpi slt, %rem3A_40, %lt3A_43 : i32
    %lt3A_45 = arith.constant 0 : i32
    %lt3A_46 = arith.cmpi slt, %select_n3A_39, %lt3A_45 : i32
    %ne3A_47 = arith.xori %lt3A_44, %lt3A_46 : i1
    %and3A_48 = arith.andi %ne3A_47, %ne3A_42 : i1
    %add3A_49 = arith.addi %rem3A_40, %select_n3A_39 : i32
    %select_n3A_50 = arith.select %and3A_48, %add3A_49, %rem3A_40 : i32
    %mul3A_51 = arith.constant 256 : i32
    %mul3A_52 = arith.muli %select_n3A_50, %mul3A_51 : i32
    %add3A_53 = arith.constant 0 : i32
    %add3A_54 = arith.addi %mul3A_52, %add3A_53 : i32
    %dma_start3A = arith.constant 0 : i32
    %dma_start3A_55 = arith.constant 0 : i32
    %dma_start3A_56 = arith.constant 0 : i32
    %dma_start3A_57 = tpu.memref_slice %arg6[%dma_start3A, %dma_start3A_55, %dma_start3A_56] : memref<2x8x512xi32, #tpu.memory_space<vmem>> -> memref<1x8x512xi32, #tpu.memory_space<vmem>>
    %dma_start3A_58 = tpu.memref_squeeze %dma_start3A_57 : memref<1x8x512xi32, #tpu.memory_space<vmem>> -> memref<8x512xi32, #tpu.memory_space<vmem>>
    %dma_start3A_59 = arith.constant 0 : i32
    %dma_start3A_60 = tpu.memref_slice %arg3[%add3A_54, %dma_start3A_59] : memref<512x512xi32, #tpu.memory_space<hbm>> -> memref<8x512xi32, #tpu.memory_space<hbm>>
    %dma_start3A_61 = arith.constant 0 : i32
    %dma_start3A_62 = arith.constant 0 : i32
    %dma_start3A_63 = tpu.memref_slice %arg6[%dma_start3A, %dma_start3A_61, %dma_start3A_62] : memref<2x8x512xi32, #tpu.memory_space<vmem>> -> memref<1x8x512xi32, #tpu.memory_space<vmem>>
    %dma_start3A_64 = tpu.memref_squeeze %dma_start3A_63 : memref<1x8x512xi32, #tpu.memory_space<vmem>> -> memref<8x512xi32, #tpu.memory_space<vmem>>
    %dma_start3A_65 = arith.constant 0 : i32
    %dma_start3A_66 = tpu.memref_slice %arg3[%add3A_54, %dma_start3A_65] : memref<512x512xi32, #tpu.memory_space<hbm>> -> memref<8x512xi32, #tpu.memory_space<hbm>>
    tpu.enqueue_dma source(%dma_start3A_66 : memref<8x512xi32, #tpu.memory_space<hbm>>) target(%dma_start3A_64 : memref<8x512xi32, #tpu.memory_space<vmem>>) target_semaphore(%arg8 : memref<!tpu.dma_semaphore, #tpu.memory_space<semaphore_mem>>)
    %add3A_67 = arith.constant 8 : i32
    %add3A_68 = arith.addi %mul3A_52, %add3A_67 : i32
    %dma_start3A_69 = arith.constant 1 : i32
    %dma_start3A_70 = arith.constant 0 : i32
    %dma_start3A_71 = arith.constant 0 : i32
    %dma_start3A_72 = tpu.memref_slice %arg6[%dma_start3A_69, %dma_start3A_70, %dma_start3A_71] : memref<2x8x512xi32, #tpu.memory_space<vmem>> -> memref<1x8x512xi32, #tpu.memory_space<vmem>>
    %dma_start3A_73 = tpu.memref_squeeze %dma_start3A_72 : memref<1x8x512xi32, #tpu.memory_space<vmem>> -> memref<8x512xi32, #tpu.memory_space<vmem>>
    %dma_start3A_74 = arith.constant 0 : i32
    %dma_start3A_75 = tpu.memref_slice %arg3[%add3A_68, %dma_start3A_74] : memref<512x512xi32, #tpu.memory_space<hbm>> -> memref<8x512xi32, #tpu.memory_space<hbm>>
    %dma_start3A_76 = arith.constant 0 : i32
    %dma_start3A_77 = arith.constant 0 : i32
    %dma_start3A_78 = tpu.memref_slice %arg6[%dma_start3A_69, %dma_start3A_76, %dma_start3A_77] : memref<2x8x512xi32, #tpu.memory_space<vmem>> -> memref<1x8x512xi32, #tpu.memory_space<vmem>>
    %dma_start3A_79 = tpu.memref_squeeze %dma_start3A_78 : memref<1x8x512xi32, #tpu.memory_space<vmem>> -> memref<8x512xi32, #tpu.memory_space<vmem>>
    %dma_start3A_80 = arith.constant 0 : i32
    %dma_start3A_81 = tpu.memref_slice %arg3[%add3A_68, %dma_start3A_80] : memref<512x512xi32, #tpu.memory_space<hbm>> -> memref<8x512xi32, #tpu.memory_space<hbm>>
    tpu.enqueue_dma source(%dma_start3A_81 : memref<8x512xi32, #tpu.memory_space<hbm>>) target(%dma_start3A_79 : memref<8x512xi32, #tpu.memory_space<vmem>>) target_semaphore(%arg9 : memref<!tpu.dma_semaphore, #tpu.memory_space<semaphore_mem>>)
    "tpu.region"() ({
      %run_scoped3A = tpu.sem_alloc : memref<!tpu.dma_semaphore, #tpu.memory_space<semaphore_mem>>
      %dma_start3A_120 = arith.constant 0 : i32
      %dma_start3A_121 = tpu.memref_slice %arg2[%mul3A_18, %dma_start3A_120] : memref<128x10240xf32, #tpu.memory_space<hbm>> -> memref<8x10240xf32, #tpu.memory_space<hbm>>
      %dma_start3A_122 = arith.constant 0 : i32
      %dma_start3A_123 = tpu.memref_slice %arg2[%mul3A_18, %dma_start3A_122] : memref<128x10240xf32, #tpu.memory_space<hbm>> -> memref<8x10240xf32, #tpu.memory_space<hbm>>
      tpu.enqueue_dma source(%dma_start3A_123 : memref<8x10240xf32, #tpu.memory_space<hbm>>) target(%arg5 : memref<8x10240xf32, #tpu.memory_space<vmem>>) target_semaphore(%run_scoped3A : memref<!tpu.dma_semaphore, #tpu.memory_space<semaphore_mem>>)
      %dma_wait3A_124 = arith.constant 0 : i32
      %dma_wait3A_125 = tpu.memref_slice %arg2[%mul3A_18, %dma_wait3A_124] : memref<128x10240xf32, #tpu.memory_space<hbm>> -> memref<8x10240xf32, #tpu.memory_space<hbm>>
      %dma_wait3A_126 = arith.constant 0 : i32
      %dma_wait3A_127 = tpu.memref_slice %arg2[%mul3A_18, %dma_wait3A_126] : memref<128x10240xf32, #tpu.memory_space<hbm>> -> memref<8x10240xf32, #tpu.memory_space<hbm>>
      tpu.wait_dma2 semaphore(%run_scoped3A : memref<!tpu.dma_semaphore, #tpu.memory_space<semaphore_mem>>) src(%dma_wait3A_127 : memref<8x10240xf32, #tpu.memory_space<hbm>>) dst(%arg5 : memref<8x10240xf32, #tpu.memory_space<vmem>>)
      tpu.yield
    }) : () -> ()
    %scan3A = arith.constant 0 : i32
    %scan3A_82 = arith.constant 0 : i32
    %scan3A_83 = arith.constant 16 : i32
    %scan3A_84 = arith.addi %scan3A_82, %scan3A_83 : i32
    %scan3A_85 = arith.constant 1 : i32
    scf.for %scan3A_120 = %scan3A_82 to %scan3A_84 step %scan3A_85  : i32 {
      %mul3A_121 = arith.constant 2 : i32
      %mul3A_122 = arith.muli %mul3A_121, %scan3A_120 : i32
      %add3A_123 = arith.constant 0 : i32
      %add3A_124 = arith.addi %mul3A_122, %add3A_123 : i32
      %mul3A_125 = arith.constant 2 : i32
      %mul3A_126 = arith.muli %add3A_124, %mul3A_125 : i32
      %mul3A_127 = arith.constant 4 : i32
      %mul3A_128 = arith.muli %mul3A_126, %mul3A_127 : i32
      %add3A_129 = arith.addi %mul3A_52, %mul3A_128 : i32
      %dma_wait3A_130 = arith.constant 0 : i32
      %dma_wait3A_131 = arith.constant 0 : i32
      %dma_wait3A_132 = arith.constant 0 : i32
      %dma_wait3A_133 = tpu.memref_slice %arg6[%dma_wait3A_130, %dma_wait3A_131, %dma_wait3A_132] : memref<2x8x512xi32, #tpu.memory_space<vmem>> -> memref<1x8x512xi32, #tpu.memory_space<vmem>>
      %dma_wait3A_134 = tpu.memref_squeeze %dma_wait3A_133 : memref<1x8x512xi32, #tpu.memory_space<vmem>> -> memref<8x512xi32, #tpu.memory_space<vmem>>
      %dma_wait3A_135 = arith.constant 0 : i32
      %dma_wait3A_136 = tpu.memref_slice %arg3[%add3A_129, %dma_wait3A_135] : memref<512x512xi32, #tpu.memory_space<hbm>> -> memref<8x512xi32, #tpu.memory_space<hbm>>
      %dma_wait3A_137 = arith.constant 0 : i32
      %dma_wait3A_138 = arith.constant 0 : i32
      %dma_wait3A_139 = tpu.memref_slice %arg6[%dma_wait3A_130, %dma_wait3A_137, %dma_wait3A_138] : memref<2x8x512xi32, #tpu.memory_space<vmem>> -> memref<1x8x512xi32, #tpu.memory_space<vmem>>
      %dma_wait3A_140 = tpu.memref_squeeze %dma_wait3A_139 : memref<1x8x512xi32, #tpu.memory_space<vmem>> -> memref<8x512xi32, #tpu.memory_space<vmem>>
      %dma_wait3A_141 = arith.constant 0 : i32
      %dma_wait3A_142 = tpu.memref_slice %arg3[%add3A_129, %dma_wait3A_141] : memref<512x512xi32, #tpu.memory_space<hbm>> -> memref<8x512xi32, #tpu.memory_space<hbm>>
      tpu.wait_dma2 semaphore(%arg8 : memref<!tpu.dma_semaphore, #tpu.memory_space<semaphore_mem>>) src(%dma_wait3A_142 : memref<8x512xi32, #tpu.memory_space<hbm>>) dst(%dma_wait3A_140 : memref<8x512xi32, #tpu.memory_space<vmem>>)
      %gt3A = arith.constant 0 : i32
      %gt3A_143 = arith.cmpi sgt, %scan3A_120, %gt3A : i32
      %convert_element_type3A = arith.extui %gt3A_143 : i1 to i32
      %cond3A = arith.constant 0 : i32
      %cond3A_144 = arith.cmpi ne, %convert_element_type3A, %cond3A : i32
      scf.if %cond3A_144 {
        %sub3A_309 = arith.constant 1 : i32
        %sub3A_310 = arith.subi %add3A_124, %sub3A_309 : i32
        %mul3A_311 = arith.constant 8 : i32
        %mul3A_312 = arith.muli %sub3A_310, %mul3A_311 : i32
        %add3A_313 = arith.addi %mul3A_52, %mul3A_312 : i32
        %dma_wait3A_314 = arith.constant 0 : i32
        %dma_wait3A_315 = arith.constant 0 : i32
        %dma_wait3A_316 = arith.constant 0 : i32
        %dma_wait3A_317 = arith.constant 0 : i32
        %dma_wait3A_318 = tpu.memref_slice %arg7[%dma_wait3A_314, %dma_wait3A_315, %dma_wait3A_316, %dma_wait3A_317] : memref<2x8x8x256xf32, #tpu.memory_space<vmem>> -> memref<1x8x8x256xf32, #tpu.memory_space<vmem>>
        %dma_wait3A_319 = tpu.memref_squeeze %dma_wait3A_318 : memref<1x8x8x256xf32, #tpu.memory_space<vmem>> -> memref<8x8x256xf32, #tpu.memory_space<vmem>>
        %dma_wait3A_320 = arith.constant 0 : i32
        %dma_wait3A_321 = tpu.memref_slice %arg4[%mul3A_18, %add3A_313, %dma_wait3A_320] : memref<128x512x512xf32, #tpu.memory_space<hbm>> -> memref<8x8x256xf32, #tpu.memory_space<hbm>>
        %dma_wait3A_322 = arith.constant 0 : i32
        %dma_wait3A_323 = tpu.memref_slice %arg4[%mul3A_18, %add3A_313, %dma_wait3A_322] : memref<128x512x512xf32, #tpu.memory_space<hbm>> -> memref<8x8x256xf32, #tpu.memory_space<hbm>>
        %dma_wait3A_324 = arith.constant 0 : i32
        %dma_wait3A_325 = arith.constant 0 : i32
        %dma_wait3A_326 = arith.constant 0 : i32
        %dma_wait3A_327 = tpu.memref_slice %arg7[%dma_wait3A_314, %dma_wait3A_324, %dma_wait3A_325, %dma_wait3A_326] : memref<2x8x8x256xf32, #tpu.memory_space<vmem>> -> memref<1x8x8x256xf32, #tpu.memory_space<vmem>>
        %dma_wait3A_328 = tpu.memref_squeeze %dma_wait3A_327 : memref<1x8x8x256xf32, #tpu.memory_space<vmem>> -> memref<8x8x256xf32, #tpu.memory_space<vmem>>
        tpu.wait_dma2 semaphore(%arg10 : memref<!tpu.dma_semaphore, #tpu.memory_space<semaphore_mem>>) src(%dma_wait3A_328 : memref<8x8x256xf32, #tpu.memory_space<vmem>>) dst(%dma_wait3A_323 : memref<8x8x256xf32, #tpu.memory_space<hbm>>)
      } else {
      }
      %parallel_loop3A = arith.constant 0 : i32
      %parallel_loop3A_145 = arith.constant 128 : i32
      %parallel_loop3A_146 = arith.constant 1 : i32
      scf.for %parallel_loop3A_309 = %parallel_loop3A to %parallel_loop3A_145 step %parallel_loop3A_146  : i32 {
        %parallel_loop3A_310 = arith.constant 16 : i32
        %parallel_loop3A_311 = arith.divsi %parallel_loop3A_309, %parallel_loop3A_310 : i32
        %parallel_loop3A_312 = arith.constant 0 : i32
        %parallel_loop3A_313 = arith.cmpi sgt, %parallel_loop3A_309, %parallel_loop3A_312 : i32
        %parallel_loop3A_314 = arith.extui %parallel_loop3A_313 : i1 to i32
        %parallel_loop3A_315 = arith.constant 0 : i32
        %parallel_loop3A_316 = arith.cmpi slt, %parallel_loop3A_309, %parallel_loop3A_315 : i32
        %parallel_loop3A_317 = arith.extui %parallel_loop3A_316 : i1 to i32
        %parallel_loop3A_318 = arith.subi %parallel_loop3A_314, %parallel_loop3A_317 : i32
        %parallel_loop3A_319 = arith.constant 0 : i32
        %parallel_loop3A_320 = arith.cmpi sgt, %parallel_loop3A_310, %parallel_loop3A_319 : i32
        %parallel_loop3A_321 = arith.extui %parallel_loop3A_320 : i1 to i32
        %parallel_loop3A_322 = arith.constant 0 : i32
        %parallel_loop3A_323 = arith.cmpi slt, %parallel_loop3A_310, %parallel_loop3A_322 : i32
        %parallel_loop3A_324 = arith.extui %parallel_loop3A_323 : i1 to i32
        %parallel_loop3A_325 = arith.subi %parallel_loop3A_321, %parallel_loop3A_324 : i32
        %parallel_loop3A_326 = arith.cmpi ne, %parallel_loop3A_318, %parallel_loop3A_325 : i32
        %parallel_loop3A_327 = arith.remsi %parallel_loop3A_309, %parallel_loop3A_310 : i32
        %parallel_loop3A_328 = arith.constant 0 : i32
        %parallel_loop3A_329 = arith.cmpi ne, %parallel_loop3A_327, %parallel_loop3A_328 : i32
        %parallel_loop3A_330 = arith.andi %parallel_loop3A_326, %parallel_loop3A_329 : i1
        %parallel_loop3A_331 = arith.constant 1 : i32
        %parallel_loop3A_332 = arith.subi %parallel_loop3A_311, %parallel_loop3A_331 : i32
        %parallel_loop3A_333 = arith.select %parallel_loop3A_330, %parallel_loop3A_332, %parallel_loop3A_311 : i32
        %parallel_loop3A_334 = arith.constant 16 : i32
        %parallel_loop3A_335 = arith.constant 0 : i32
        %parallel_loop3A_336 = arith.cmpi eq, %parallel_loop3A_334, %parallel_loop3A_335 : i32
        %parallel_loop3A_337 = arith.constant 1 : i32
        %parallel_loop3A_338 = arith.select %parallel_loop3A_336, %parallel_loop3A_337, %parallel_loop3A_334 : i32
        %parallel_loop3A_339 = arith.remsi %parallel_loop3A_309, %parallel_loop3A_338 : i32
        %parallel_loop3A_340 = arith.constant 0 : i32
        %parallel_loop3A_341 = arith.cmpi ne, %parallel_loop3A_339, %parallel_loop3A_340 : i32
        %parallel_loop3A_342 = arith.constant 0 : i32
        %parallel_loop3A_343 = arith.cmpi slt, %parallel_loop3A_339, %parallel_loop3A_342 : i32
        %parallel_loop3A_344 = arith.constant 0 : i32
        %parallel_loop3A_345 = arith.cmpi slt, %parallel_loop3A_338, %parallel_loop3A_344 : i32
        %parallel_loop3A_346 = arith.xori %parallel_loop3A_343, %parallel_loop3A_345 : i1
        %parallel_loop3A_347 = arith.andi %parallel_loop3A_346, %parallel_loop3A_341 : i1
        %parallel_loop3A_348 = arith.addi %parallel_loop3A_339, %parallel_loop3A_338 : i32
        %parallel_loop3A_349 = arith.select %parallel_loop3A_347, %parallel_loop3A_348, %parallel_loop3A_339 : i32
        %parallel_loop3A_350 = arith.constant 16 : i32
        %parallel_loop3A_351 = arith.muli %parallel_loop3A_349, %parallel_loop3A_350 : i32
        %parallel_loop3A_352 = arith.constant 0 : i32
        %parallel_loop3A_353 = arith.addi %parallel_loop3A_352, %parallel_loop3A_351 : i32
        %parallel_loop3A_354 = arith.constant 0 : i32
        %parallel_loop3A_355 = arith.index_cast %parallel_loop3A_354 : i32 to index
        %parallel_loop3A_356 = arith.index_cast %parallel_loop3A_333 : i32 to index
        %parallel_loop3A_357 = arith.index_cast %parallel_loop3A_353 : i32 to index
        %parallel_loop3A_358 = tpu.vector_load %arg6[%parallel_loop3A_355, %parallel_loop3A_356, %parallel_loop3A_357] {strides = array<i32>} : memref<2x8x512xi32, #tpu.memory_space<vmem>>, vector<16xi32>,
        %parallel_loop3A_359 = arith.constant 0 : i32
        %parallel_loop3A_360 = vector.broadcast %parallel_loop3A_359 : i32 to vector<16xi32>
        %parallel_loop3A_361 = tpu.vector_load_idx %arg5[%parallel_loop3A_360, %parallel_loop3A_358] : memref<8x10240xf32, #tpu.memory_space<vmem>>[vector<16xi32>, vector<16xi32>], vector<16xf32>,
        %parallel_loop3A_362 = arith.constant 0 : i32
        %parallel_loop3A_363 = arith.constant 0 : i32
        %parallel_loop3A_364 = arith.index_cast %parallel_loop3A_362 : i32 to index
        %parallel_loop3A_365 = arith.index_cast %parallel_loop3A_363 : i32 to index
        %parallel_loop3A_366 = arith.index_cast %parallel_loop3A_333 : i32 to index
        %parallel_loop3A_367 = arith.index_cast %parallel_loop3A_351 : i32 to index
        %parallel_loop3A_368 = tpu.vector_load %arg7[%parallel_loop3A_364, %parallel_loop3A_365, %parallel_loop3A_366, %parallel_loop3A_367] {strides = array<i32>} : memref<2x8x8x256xf32, #tpu.memory_space<vmem>>, vector<16xf32>,
        tpu.vector_store %arg7[%parallel_loop3A_364, %parallel_loop3A_365, %parallel_loop3A_366, %parallel_loop3A_367], %parallel_loop3A_361 {strides = array<i32>} : memref<2x8x8x256xf32, #tpu.memory_space<vmem>>, vector<16xf32>,
        %parallel_loop3A_369 = arith.constant 1 : i32
        %parallel_loop3A_370 = vector.broadcast %parallel_loop3A_369 : i32 to vector<16xi32>
        %parallel_loop3A_371 = tpu.vector_load_idx %arg5[%parallel_loop3A_370, %parallel_loop3A_358] : memref<8x10240xf32, #tpu.memory_space<vmem>>[vector<16xi32>, vector<16xi32>], vector<16xf32>,
        %parallel_loop3A_372 = arith.constant 0 : i32
        %parallel_loop3A_373 = arith.constant 1 : i32
        %parallel_loop3A_374 = arith.index_cast %parallel_loop3A_372 : i32 to index
        %parallel_loop3A_375 = arith.index_cast %parallel_loop3A_373 : i32 to index
        %parallel_loop3A_376 = arith.index_cast %parallel_loop3A_333 : i32 to index
        %parallel_loop3A_377 = arith.index_cast %parallel_loop3A_351 : i32 to index
        %parallel_loop3A_378 = tpu.vector_load %arg7[%parallel_loop3A_374, %parallel_loop3A_375, %parallel_loop3A_376, %parallel_loop3A_377] {strides = array<i32>} : memref<2x8x8x256xf32, #tpu.memory_space<vmem>>, vector<16xf32>,
        tpu.vector_store %arg7[%parallel_loop3A_374, %parallel_loop3A_375, %parallel_loop3A_376, %parallel_loop3A_377], %parallel_loop3A_371 {strides = array<i32>} : memref<2x8x8x256xf32, #tpu.memory_space<vmem>>, vector<16xf32>,
        %parallel_loop3A_379 = arith.constant 2 : i32
        %parallel_loop3A_380 = vector.broadcast %parallel_loop3A_379 : i32 to vector<16xi32>
        %parallel_loop3A_381 = tpu.vector_load_idx %arg5[%parallel_loop3A_380, %parallel_loop3A_358] : memref<8x10240xf32, #tpu.memory_space<vmem>>[vector<16xi32>, vector<16xi32>], vector<16xf32>,
        %parallel_loop3A_382 = arith.constant 0 : i32
        %parallel_loop3A_383 = arith.constant 2 : i32
        %parallel_loop3A_384 = arith.index_cast %parallel_loop3A_382 : i32 to index
        %parallel_loop3A_385 = arith.index_cast %parallel_loop3A_383 : i32 to index
        %parallel_loop3A_386 = arith.index_cast %parallel_loop3A_333 : i32 to index
        %parallel_loop3A_387 = arith.index_cast %parallel_loop3A_351 : i32 to index
        %parallel_loop3A_388 = tpu.vector_load %arg7[%parallel_loop3A_384, %parallel_loop3A_385, %parallel_loop3A_386, %parallel_loop3A_387] {strides = array<i32>} : memref<2x8x8x256xf32, #tpu.memory_space<vmem>>, vector<16xf32>,
        tpu.vector_store %arg7[%parallel_loop3A_384, %parallel_loop3A_385, %parallel_loop3A_386, %parallel_loop3A_387], %parallel_loop3A_381 {strides = array<i32>} : memref<2x8x8x256xf32, #tpu.memory_space<vmem>>, vector<16xf32>,
        %parallel_loop3A_389 = arith.constant 3 : i32
        %parallel_loop3A_390 = vector.broadcast %parallel_loop3A_389 : i32 to vector<16xi32>
        %parallel_loop3A_391 = tpu.vector_load_idx %arg5[%parallel_loop3A_390, %parallel_loop3A_358] : memref<8x10240xf32, #tpu.memory_space<vmem>>[vector<16xi32>, vector<16xi32>], vector<16xf32>,
        %parallel_loop3A_392 = arith.constant 0 : i32
        %parallel_loop3A_393 = arith.constant 3 : i32
        %parallel_loop3A_394 = arith.index_cast %parallel_loop3A_392 : i32 to index
        %parallel_loop3A_395 = arith.index_cast %parallel_loop3A_393 : i32 to index
        %parallel_loop3A_396 = arith.index_cast %parallel_loop3A_333 : i32 to index
        %parallel_loop3A_397 = arith.index_cast %parallel_loop3A_351 : i32 to index
        %parallel_loop3A_398 = tpu.vector_load %arg7[%parallel_loop3A_394, %parallel_loop3A_395, %parallel_loop3A_396, %parallel_loop3A_397] {strides = array<i32>} : memref<2x8x8x256xf32, #tpu.memory_space<vmem>>, vector<16xf32>,
        tpu.vector_store %arg7[%parallel_loop3A_394, %parallel_loop3A_395, %parallel_loop3A_396, %parallel_loop3A_397], %parallel_loop3A_391 {strides = array<i32>} : memref<2x8x8x256xf32, #tpu.memory_space<vmem>>, vector<16xf32>,
        %parallel_loop3A_399 = arith.constant 4 : i32
        %parallel_loop3A_400 = vector.broadcast %parallel_loop3A_399 : i32 to vector<16xi32>
        %parallel_loop3A_401 = tpu.vector_load_idx %arg5[%parallel_loop3A_400, %parallel_loop3A_358] : memref<8x10240xf32, #tpu.memory_space<vmem>>[vector<16xi32>, vector<16xi32>], vector<16xf32>,
        %parallel_loop3A_402 = arith.constant 0 : i32
        %parallel_loop3A_403 = arith.constant 4 : i32
        %parallel_loop3A_404 = arith.index_cast %parallel_loop3A_402 : i32 to index
        %parallel_loop3A_405 = arith.index_cast %parallel_loop3A_403 : i32 to index
        %parallel_loop3A_406 = arith.index_cast %parallel_loop3A_333 : i32 to index
        %parallel_loop3A_407 = arith.index_cast %parallel_loop3A_351 : i32 to index
        %parallel_loop3A_408 = tpu.vector_load %arg7[%parallel_loop3A_404, %parallel_loop3A_405, %parallel_loop3A_406, %parallel_loop3A_407] {strides = array<i32>} : memref<2x8x8x256xf32, #tpu.memory_space<vmem>>, vector<16xf32>,
        tpu.vector_store %arg7[%parallel_loop3A_404, %parallel_loop3A_405, %parallel_loop3A_406, %parallel_loop3A_407], %parallel_loop3A_401 {strides = array<i32>} : memref<2x8x8x256xf32, #tpu.memory_space<vmem>>, vector<16xf32>,
        %parallel_loop3A_409 = arith.constant 5 : i32
        %parallel_loop3A_410 = vector.broadcast %parallel_loop3A_409 : i32 to vector<16xi32>
        %parallel_loop3A_411 = tpu.vector_load_idx %arg5[%parallel_loop3A_410, %parallel_loop3A_358] : memref<8x10240xf32, #tpu.memory_space<vmem>>[vector<16xi32>, vector<16xi32>], vector<16xf32>,
        %parallel_loop3A_412 = arith.constant 0 : i32
        %parallel_loop3A_413 = arith.constant 5 : i32
        %parallel_loop3A_414 = arith.index_cast %parallel_loop3A_412 : i32 to index
        %parallel_loop3A_415 = arith.index_cast %parallel_loop3A_413 : i32 to index
        %parallel_loop3A_416 = arith.index_cast %parallel_loop3A_333 : i32 to index
        %parallel_loop3A_417 = arith.index_cast %parallel_loop3A_351 : i32 to index
        %parallel_loop3A_418 = tpu.vector_load %arg7[%parallel_loop3A_414, %parallel_loop3A_415, %parallel_loop3A_416, %parallel_loop3A_417] {strides = array<i32>} : memref<2x8x8x256xf32, #tpu.memory_space<vmem>>, vector<16xf32>,
        tpu.vector_store %arg7[%parallel_loop3A_414, %parallel_loop3A_415, %parallel_loop3A_416, %parallel_loop3A_417], %parallel_loop3A_411 {strides = array<i32>} : memref<2x8x8x256xf32, #tpu.memory_space<vmem>>, vector<16xf32>,
        %parallel_loop3A_419 = arith.constant 6 : i32
        %parallel_loop3A_420 = vector.broadcast %parallel_loop3A_419 : i32 to vector<16xi32>
        %parallel_loop3A_421 = tpu.vector_load_idx %arg5[%parallel_loop3A_420, %parallel_loop3A_358] : memref<8x10240xf32, #tpu.memory_space<vmem>>[vector<16xi32>, vector<16xi32>], vector<16xf32>,
        %parallel_loop3A_422 = arith.constant 0 : i32
        %parallel_loop3A_423 = arith.constant 6 : i32
        %parallel_loop3A_424 = arith.index_cast %parallel_loop3A_422 : i32 to index
        %parallel_loop3A_425 = arith.index_cast %parallel_loop3A_423 : i32 to index
        %parallel_loop3A_426 = arith.index_cast %parallel_loop3A_333 : i32 to index
        %parallel_loop3A_427 = arith.index_cast %parallel_loop3A_351 : i32 to index
        %parallel_loop3A_428 = tpu.vector_load %arg7[%parallel_loop3A_424, %parallel_loop3A_425, %parallel_loop3A_426, %parallel_loop3A_427] {strides = array<i32>} : memref<2x8x8x256xf32, #tpu.memory_space<vmem>>, vector<16xf32>,
        tpu.vector_store %arg7[%parallel_loop3A_424, %parallel_loop3A_425, %parallel_loop3A_426, %parallel_loop3A_427], %parallel_loop3A_421 {strides = array<i32>} : memref<2x8x8x256xf32, #tpu.memory_space<vmem>>, vector<16xf32>,
        %parallel_loop3A_429 = arith.constant 7 : i32
        %parallel_loop3A_430 = vector.broadcast %parallel_loop3A_429 : i32 to vector<16xi32>
        %parallel_loop3A_431 = tpu.vector_load_idx %arg5[%parallel_loop3A_430, %parallel_loop3A_358] : memref<8x10240xf32, #tpu.memory_space<vmem>>[vector<16xi32>, vector<16xi32>], vector<16xf32>,
        %parallel_loop3A_432 = arith.constant 0 : i32
        %parallel_loop3A_433 = arith.constant 7 : i32
        %parallel_loop3A_434 = arith.index_cast %parallel_loop3A_432 : i32 to index
        %parallel_loop3A_435 = arith.index_cast %parallel_loop3A_433 : i32 to index
        %parallel_loop3A_436 = arith.index_cast %parallel_loop3A_333 : i32 to index
        %parallel_loop3A_437 = arith.index_cast %parallel_loop3A_351 : i32 to index
        %parallel_loop3A_438 = tpu.vector_load %arg7[%parallel_loop3A_434, %parallel_loop3A_435, %parallel_loop3A_436, %parallel_loop3A_437] {strides = array<i32>} : memref<2x8x8x256xf32, #tpu.memory_space<vmem>>, vector<16xf32>,
        tpu.vector_store %arg7[%parallel_loop3A_434, %parallel_loop3A_435, %parallel_loop3A_436, %parallel_loop3A_437], %parallel_loop3A_431 {strides = array<i32>} : memref<2x8x8x256xf32, #tpu.memory_space<vmem>>, vector<16xf32>,
      } {sc.loop_unroll_factor = 8 : i64, sc.parallel_access}
      %mul3A_147 = arith.constant 8 : i32
      %mul3A_148 = arith.muli %add3A_124, %mul3A_147 : i32
      %add3A_149 = arith.addi %mul3A_52, %mul3A_148 : i32
      %dma_start3A_150 = arith.constant 0 : i32
      %dma_start3A_151 = arith.constant 0 : i32
      %dma_start3A_152 = arith.constant 0 : i32
      %dma_start3A_153 = arith.constant 0 : i32
      %dma_start3A_154 = tpu.memref_slice %arg7[%dma_start3A_150, %dma_start3A_151, %dma_start3A_152, %dma_start3A_153] : memref<2x8x8x256xf32, #tpu.memory_space<vmem>> -> memref<1x8x8x256xf32, #tpu.memory_space<vmem>>
      %dma_start3A_155 = tpu.memref_squeeze %dma_start3A_154 : memref<1x8x8x256xf32, #tpu.memory_space<vmem>> -> memref<8x8x256xf32, #tpu.memory_space<vmem>>
      %dma_start3A_156 = arith.constant 0 : i32
      %dma_start3A_157 = tpu.memref_slice %arg4[%mul3A_18, %add3A_149, %dma_start3A_156] : memref<128x512x512xf32, #tpu.memory_space<hbm>> -> memref<8x8x256xf32, #tpu.memory_space<hbm>>
      %dma_start3A_158 = arith.constant 0 : i32
      %dma_start3A_159 = tpu.memref_slice %arg4[%mul3A_18, %add3A_149, %dma_start3A_158] : memref<128x512x512xf32, #tpu.memory_space<hbm>> -> memref<8x8x256xf32, #tpu.memory_space<hbm>>
      %dma_start3A_160 = arith.constant 0 : i32
      %dma_start3A_161 = arith.constant 0 : i32
      %dma_start3A_162 = arith.constant 0 : i32
      %dma_start3A_163 = tpu.memref_slice %arg7[%dma_start3A_150, %dma_start3A_160, %dma_start3A_161, %dma_start3A_162] : memref<2x8x8x256xf32, #tpu.memory_space<vmem>> -> memref<1x8x8x256xf32, #tpu.memory_space<vmem>>
      %dma_start3A_164 = tpu.memref_squeeze %dma_start3A_163 : memref<1x8x8x256xf32, #tpu.memory_space<vmem>> -> memref<8x8x256xf32, #tpu.memory_space<vmem>>
      tpu.enqueue_dma source(%dma_start3A_164 : memref<8x8x256xf32, #tpu.memory_space<vmem>>) target(%dma_start3A_159 : memref<8x8x256xf32, #tpu.memory_space<hbm>>) target_semaphore(%arg10 : memref<!tpu.dma_semaphore, #tpu.memory_space<semaphore_mem>>)
      %gt3A_165 = arith.constant 0 : i32
      %gt3A_166 = arith.cmpi sgt, %scan3A_120, %gt3A_165 : i32
      %convert_element_type3A_167 = arith.extui %gt3A_166 : i1 to i32
      %cond3A_168 = arith.constant 0 : i32
      %cond3A_169 = arith.cmpi ne, %convert_element_type3A_167, %cond3A_168 : i32
      scf.if %cond3A_169 {
        %sub3A_309 = arith.constant 1 : i32
        %sub3A_310 = arith.subi %add3A_124, %sub3A_309 : i32
        %mul3A_311 = arith.constant 8 : i32
        %mul3A_312 = arith.muli %sub3A_310, %mul3A_311 : i32
        %add3A_313 = arith.addi %mul3A_52, %mul3A_312 : i32
        %dma_wait3A_314 = arith.constant 1 : i32
        %dma_wait3A_315 = arith.constant 0 : i32
        %dma_wait3A_316 = arith.constant 0 : i32
        %dma_wait3A_317 = arith.constant 0 : i32
        %dma_wait3A_318 = tpu.memref_slice %arg7[%dma_wait3A_314, %dma_wait3A_315, %dma_wait3A_316, %dma_wait3A_317] : memref<2x8x8x256xf32, #tpu.memory_space<vmem>> -> memref<1x8x8x256xf32, #tpu.memory_space<vmem>>
        %dma_wait3A_319 = tpu.memref_squeeze %dma_wait3A_318 : memref<1x8x8x256xf32, #tpu.memory_space<vmem>> -> memref<8x8x256xf32, #tpu.memory_space<vmem>>
        %dma_wait3A_320 = arith.constant 256 : i32
        %dma_wait3A_321 = tpu.memref_slice %arg4[%mul3A_18, %add3A_313, %dma_wait3A_320] : memref<128x512x512xf32, #tpu.memory_space<hbm>> -> memref<8x8x256xf32, #tpu.memory_space<hbm>>
        %dma_wait3A_322 = arith.constant 256 : i32
        %dma_wait3A_323 = tpu.memref_slice %arg4[%mul3A_18, %add3A_313, %dma_wait3A_322] : memref<128x512x512xf32, #tpu.memory_space<hbm>> -> memref<8x8x256xf32, #tpu.memory_space<hbm>>
        %dma_wait3A_324 = arith.constant 0 : i32
        %dma_wait3A_325 = arith.constant 0 : i32
        %dma_wait3A_326 = arith.constant 0 : i32
        %dma_wait3A_327 = tpu.memref_slice %arg7[%dma_wait3A_314, %dma_wait3A_324, %dma_wait3A_325, %dma_wait3A_326] : memref<2x8x8x256xf32, #tpu.memory_space<vmem>> -> memref<1x8x8x256xf32, #tpu.memory_space<vmem>>
        %dma_wait3A_328 = tpu.memref_squeeze %dma_wait3A_327 : memref<1x8x8x256xf32, #tpu.memory_space<vmem>> -> memref<8x8x256xf32, #tpu.memory_space<vmem>>
        tpu.wait_dma2 semaphore(%arg11 : memref<!tpu.dma_semaphore, #tpu.memory_space<semaphore_mem>>) src(%dma_wait3A_328 : memref<8x8x256xf32, #tpu.memory_space<vmem>>) dst(%dma_wait3A_323 : memref<8x8x256xf32, #tpu.memory_space<hbm>>)
      } else {
      }
      %parallel_loop3A_170 = arith.constant 0 : i32
      %parallel_loop3A_171 = arith.constant 128 : i32
      %parallel_loop3A_172 = arith.constant 1 : i32
      scf.for %parallel_loop3A_309 = %parallel_loop3A_170 to %parallel_loop3A_171 step %parallel_loop3A_172  : i32 {
        %parallel_loop3A_310 = arith.constant 16 : i32
        %parallel_loop3A_311 = arith.divsi %parallel_loop3A_309, %parallel_loop3A_310 : i32
        %parallel_loop3A_312 = arith.constant 0 : i32
        %parallel_loop3A_313 = arith.cmpi sgt, %parallel_loop3A_309, %parallel_loop3A_312 : i32
        %parallel_loop3A_314 = arith.extui %parallel_loop3A_313 : i1 to i32
        %parallel_loop3A_315 = arith.constant 0 : i32
        %parallel_loop3A_316 = arith.cmpi slt, %parallel_loop3A_309, %parallel_loop3A_315 : i32
        %parallel_loop3A_317 = arith.extui %parallel_loop3A_316 : i1 to i32
        %parallel_loop3A_318 = arith.subi %parallel_loop3A_314, %parallel_loop3A_317 : i32
        %parallel_loop3A_319 = arith.constant 0 : i32
        %parallel_loop3A_320 = arith.cmpi sgt, %parallel_loop3A_310, %parallel_loop3A_319 : i32
        %parallel_loop3A_321 = arith.extui %parallel_loop3A_320 : i1 to i32
        %parallel_loop3A_322 = arith.constant 0 : i32
        %parallel_loop3A_323 = arith.cmpi slt, %parallel_loop3A_310, %parallel_loop3A_322 : i32
        %parallel_loop3A_324 = arith.extui %parallel_loop3A_323 : i1 to i32
        %parallel_loop3A_325 = arith.subi %parallel_loop3A_321, %parallel_loop3A_324 : i32
        %parallel_loop3A_326 = arith.cmpi ne, %parallel_loop3A_318, %parallel_loop3A_325 : i32
        %parallel_loop3A_327 = arith.remsi %parallel_loop3A_309, %parallel_loop3A_310 : i32
        %parallel_loop3A_328 = arith.constant 0 : i32
        %parallel_loop3A_329 = arith.cmpi ne, %parallel_loop3A_327, %parallel_loop3A_328 : i32
        %parallel_loop3A_330 = arith.andi %parallel_loop3A_326, %parallel_loop3A_329 : i1
        %parallel_loop3A_331 = arith.constant 1 : i32
        %parallel_loop3A_332 = arith.subi %parallel_loop3A_311, %parallel_loop3A_331 : i32
        %parallel_loop3A_333 = arith.select %parallel_loop3A_330, %parallel_loop3A_332, %parallel_loop3A_311 : i32
        %parallel_loop3A_334 = arith.constant 16 : i32
        %parallel_loop3A_335 = arith.constant 0 : i32
        %parallel_loop3A_336 = arith.cmpi eq, %parallel_loop3A_334, %parallel_loop3A_335 : i32
        %parallel_loop3A_337 = arith.constant 1 : i32
        %parallel_loop3A_338 = arith.select %parallel_loop3A_336, %parallel_loop3A_337, %parallel_loop3A_334 : i32
        %parallel_loop3A_339 = arith.remsi %parallel_loop3A_309, %parallel_loop3A_338 : i32
        %parallel_loop3A_340 = arith.constant 0 : i32
        %parallel_loop3A_341 = arith.cmpi ne, %parallel_loop3A_339, %parallel_loop3A_340 : i32
        %parallel_loop3A_342 = arith.constant 0 : i32
        %parallel_loop3A_343 = arith.cmpi slt, %parallel_loop3A_339, %parallel_loop3A_342 : i32
        %parallel_loop3A_344 = arith.constant 0 : i32
        %parallel_loop3A_345 = arith.cmpi slt, %parallel_loop3A_338, %parallel_loop3A_344 : i32
        %parallel_loop3A_346 = arith.xori %parallel_loop3A_343, %parallel_loop3A_345 : i1
        %parallel_loop3A_347 = arith.andi %parallel_loop3A_346, %parallel_loop3A_341 : i1
        %parallel_loop3A_348 = arith.addi %parallel_loop3A_339, %parallel_loop3A_338 : i32
        %parallel_loop3A_349 = arith.select %parallel_loop3A_347, %parallel_loop3A_348, %parallel_loop3A_339 : i32
        %parallel_loop3A_350 = arith.constant 16 : i32
        %parallel_loop3A_351 = arith.muli %parallel_loop3A_349, %parallel_loop3A_350 : i32
        %parallel_loop3A_352 = arith.constant 256 : i32
        %parallel_loop3A_353 = arith.addi %parallel_loop3A_352, %parallel_loop3A_351 : i32
        %parallel_loop3A_354 = arith.constant 0 : i32
        %parallel_loop3A_355 = arith.index_cast %parallel_loop3A_354 : i32 to index
        %parallel_loop3A_356 = arith.index_cast %parallel_loop3A_333 : i32 to index
        %parallel_loop3A_357 = arith.index_cast %parallel_loop3A_353 : i32 to index
        %parallel_loop3A_358 = tpu.vector_load %arg6[%parallel_loop3A_355, %parallel_loop3A_356, %parallel_loop3A_357] {strides = array<i32>} : memref<2x8x512xi32, #tpu.memory_space<vmem>>, vector<16xi32>,
        %parallel_loop3A_359 = arith.constant 0 : i32
        %parallel_loop3A_360 = vector.broadcast %parallel_loop3A_359 : i32 to vector<16xi32>
        %parallel_loop3A_361 = tpu.vector_load_idx %arg5[%parallel_loop3A_360, %parallel_loop3A_358] : memref<8x10240xf32, #tpu.memory_space<vmem>>[vector<16xi32>, vector<16xi32>], vector<16xf32>,
        %parallel_loop3A_362 = arith.constant 1 : i32
        %parallel_loop3A_363 = arith.constant 0 : i32
        %parallel_loop3A_364 = arith.index_cast %parallel_loop3A_362 : i32 to index
        %parallel_loop3A_365 = arith.index_cast %parallel_loop3A_363 : i32 to index
        %parallel_loop3A_366 = arith.index_cast %parallel_loop3A_333 : i32 to index
        %parallel_loop3A_367 = arith.index_cast %parallel_loop3A_351 : i32 to index
        %parallel_loop3A_368 = tpu.vector_load %arg7[%parallel_loop3A_364, %parallel_loop3A_365, %parallel_loop3A_366, %parallel_loop3A_367] {strides = array<i32>} : memref<2x8x8x256xf32, #tpu.memory_space<vmem>>, vector<16xf32>,
        tpu.vector_store %arg7[%parallel_loop3A_364, %parallel_loop3A_365, %parallel_loop3A_366, %parallel_loop3A_367], %parallel_loop3A_361 {strides = array<i32>} : memref<2x8x8x256xf32, #tpu.memory_space<vmem>>, vector<16xf32>,
        %parallel_loop3A_369 = arith.constant 1 : i32
        %parallel_loop3A_370 = vector.broadcast %parallel_loop3A_369 : i32 to vector<16xi32>
        %parallel_loop3A_371 = tpu.vector_load_idx %arg5[%parallel_loop3A_370, %parallel_loop3A_358] : memref<8x10240xf32, #tpu.memory_space<vmem>>[vector<16xi32>, vector<16xi32>], vector<16xf32>,
        %parallel_loop3A_372 = arith.constant 1 : i32
        %parallel_loop3A_373 = arith.constant 1 : i32
        %parallel_loop3A_374 = arith.index_cast %parallel_loop3A_372 : i32 to index
        %parallel_loop3A_375 = arith.index_cast %parallel_loop3A_373 : i32 to index
        %parallel_loop3A_376 = arith.index_cast %parallel_loop3A_333 : i32 to index
        %parallel_loop3A_377 = arith.index_cast %parallel_loop3A_351 : i32 to index
        %parallel_loop3A_378 = tpu.vector_load %arg7[%parallel_loop3A_374, %parallel_loop3A_375, %parallel_loop3A_376, %parallel_loop3A_377] {strides = array<i32>} : memref<2x8x8x256xf32, #tpu.memory_space<vmem>>, vector<16xf32>,
        tpu.vector_store %arg7[%parallel_loop3A_374, %parallel_loop3A_375, %parallel_loop3A_376, %parallel_loop3A_377], %parallel_loop3A_371 {strides = array<i32>} : memref<2x8x8x256xf32, #tpu.memory_space<vmem>>, vector<16xf32>,
        %parallel_loop3A_379 = arith.constant 2 : i32
        %parallel_loop3A_380 = vector.broadcast %parallel_loop3A_379 : i32 to vector<16xi32>
        %parallel_loop3A_381 = tpu.vector_load_idx %arg5[%parallel_loop3A_380, %parallel_loop3A_358] : memref<8x10240xf32, #tpu.memory_space<vmem>>[vector<16xi32>, vector<16xi32>], vector<16xf32>,
        %parallel_loop3A_382 = arith.constant 1 : i32
        %parallel_loop3A_383 = arith.constant 2 : i32
        %parallel_loop3A_384 = arith.index_cast %parallel_loop3A_382 : i32 to index
        %parallel_loop3A_385 = arith.index_cast %parallel_loop3A_383 : i32 to index
        %parallel_loop3A_386 = arith.index_cast %parallel_loop3A_333 : i32 to index
        %parallel_loop3A_387 = arith.index_cast %parallel_loop3A_351 : i32 to index
        %parallel_loop3A_388 = tpu.vector_load %arg7[%parallel_loop3A_384, %parallel_loop3A_385, %parallel_loop3A_386, %parallel_loop3A_387] {strides = array<i32>} : memref<2x8x8x256xf32, #tpu.memory_space<vmem>>, vector<16xf32>,
        tpu.vector_store %arg7[%parallel_loop3A_384, %parallel_loop3A_385, %parallel_loop3A_386, %parallel_loop3A_387], %parallel_loop3A_381 {strides = array<i32>} : memref<2x8x8x256xf32, #tpu.memory_space<vmem>>, vector<16xf32>,
        %parallel_loop3A_389 = arith.constant 3 : i32
        %parallel_loop3A_390 = vector.broadcast %parallel_loop3A_389 : i32 to vector<16xi32>
        %parallel_loop3A_391 = tpu.vector_load_idx %arg5[%parallel_loop3A_390, %parallel_loop3A_358] : memref<8x10240xf32, #tpu.memory_space<vmem>>[vector<16xi32>, vector<16xi32>], vector<16xf32>,
        %parallel_loop3A_392 = arith.constant 1 : i32
        %parallel_loop3A_393 = arith.constant 3 : i32
        %parallel_loop3A_394 = arith.index_cast %parallel_loop3A_392 : i32 to index
        %parallel_loop3A_395 = arith.index_cast %parallel_loop3A_393 : i32 to index
        %parallel_loop3A_396 = arith.index_cast %parallel_loop3A_333 : i32 to index
        %parallel_loop3A_397 = arith.index_cast %parallel_loop3A_351 : i32 to index
        %parallel_loop3A_398 = tpu.vector_load %arg7[%parallel_loop3A_394, %parallel_loop3A_395, %parallel_loop3A_396, %parallel_loop3A_397] {strides = array<i32>} : memref<2x8x8x256xf32, #tpu.memory_space<vmem>>, vector<16xf32>,
        tpu.vector_store %arg7[%parallel_loop3A_394, %parallel_loop3A_395, %parallel_loop3A_396, %parallel_loop3A_397], %parallel_loop3A_391 {strides = array<i32>} : memref<2x8x8x256xf32, #tpu.memory_space<vmem>>, vector<16xf32>,
        %parallel_loop3A_399 = arith.constant 4 : i32
        %parallel_loop3A_400 = vector.broadcast %parallel_loop3A_399 : i32 to vector<16xi32>
        %parallel_loop3A_401 = tpu.vector_load_idx %arg5[%parallel_loop3A_400, %parallel_loop3A_358] : memref<8x10240xf32, #tpu.memory_space<vmem>>[vector<16xi32>, vector<16xi32>], vector<16xf32>,
        %parallel_loop3A_402 = arith.constant 1 : i32
        %parallel_loop3A_403 = arith.constant 4 : i32
        %parallel_loop3A_404 = arith.index_cast %parallel_loop3A_402 : i32 to index
        %parallel_loop3A_405 = arith.index_cast %parallel_loop3A_403 : i32 to index
        %parallel_loop3A_406 = arith.index_cast %parallel_loop3A_333 : i32 to index
        %parallel_loop3A_407 = arith.index_cast %parallel_loop3A_351 : i32 to index
        %parallel_loop3A_408 = tpu.vector_load %arg7[%parallel_loop3A_404, %parallel_loop3A_405, %parallel_loop3A_406, %parallel_loop3A_407] {strides = array<i32>} : memref<2x8x8x256xf32, #tpu.memory_space<vmem>>, vector<16xf32>,
        tpu.vector_store %arg7[%parallel_loop3A_404, %parallel_loop3A_405, %parallel_loop3A_406, %parallel_loop3A_407], %parallel_loop3A_401 {strides = array<i32>} : memref<2x8x8x256xf32, #tpu.memory_space<vmem>>, vector<16xf32>,
        %parallel_loop3A_409 = arith.constant 5 : i32
        %parallel_loop3A_410 = vector.broadcast %parallel_loop3A_409 : i32 to vector<16xi32>
        %parallel_loop3A_411 = tpu.vector_load_idx %arg5[%parallel_loop3A_410, %parallel_loop3A_358] : memref<8x10240xf32, #tpu.memory_space<vmem>>[vector<16xi32>, vector<16xi32>], vector<16xf32>,
        %parallel_loop3A_412 = arith.constant 1 : i32
        %parallel_loop3A_413 = arith.constant 5 : i32
        %parallel_loop3A_414 = arith.index_cast %parallel_loop3A_412 : i32 to index
        %parallel_loop3A_415 = arith.index_cast %parallel_loop3A_413 : i32 to index
        %parallel_loop3A_416 = arith.index_cast %parallel_loop3A_333 : i32 to index
        %parallel_loop3A_417 = arith.index_cast %parallel_loop3A_351 : i32 to index
        %parallel_loop3A_418 = tpu.vector_load %arg7[%parallel_loop3A_414, %parallel_loop3A_415, %parallel_loop3A_416, %parallel_loop3A_417] {strides = array<i32>} : memref<2x8x8x256xf32, #tpu.memory_space<vmem>>, vector<16xf32>,
        tpu.vector_store %arg7[%parallel_loop3A_414, %parallel_loop3A_415, %parallel_loop3A_416, %parallel_loop3A_417], %parallel_loop3A_411 {strides = array<i32>} : memref<2x8x8x256xf32, #tpu.memory_space<vmem>>, vector<16xf32>,
        %parallel_loop3A_419 = arith.constant 6 : i32
        %parallel_loop3A_420 = vector.broadcast %parallel_loop3A_419 : i32 to vector<16xi32>
        %parallel_loop3A_421 = tpu.vector_load_idx %arg5[%parallel_loop3A_420, %parallel_loop3A_358] : memref<8x10240xf32, #tpu.memory_space<vmem>>[vector<16xi32>, vector<16xi32>], vector<16xf32>,
        %parallel_loop3A_422 = arith.constant 1 : i32
        %parallel_loop3A_423 = arith.constant 6 : i32
        %parallel_loop3A_424 = arith.index_cast %parallel_loop3A_422 : i32 to index
        %parallel_loop3A_425 = arith.index_cast %parallel_loop3A_423 : i32 to index
        %parallel_loop3A_426 = arith.index_cast %parallel_loop3A_333 : i32 to index
        %parallel_loop3A_427 = arith.index_cast %parallel_loop3A_351 : i32 to index
        %parallel_loop3A_428 = tpu.vector_load %arg7[%parallel_loop3A_424, %parallel_loop3A_425, %parallel_loop3A_426, %parallel_loop3A_427] {strides = array<i32>} : memref<2x8x8x256xf32, #tpu.memory_space<vmem>>, vector<16xf32>,
        tpu.vector_store %arg7[%parallel_loop3A_424, %parallel_loop3A_425, %parallel_loop3A_426, %parallel_loop3A_427], %parallel_loop3A_421 {strides = array<i32>} : memref<2x8x8x256xf32, #tpu.memory_space<vmem>>, vector<16xf32>,
        %parallel_loop3A_429 = arith.constant 7 : i32
        %parallel_loop3A_430 = vector.broadcast %parallel_loop3A_429 : i32 to vector<16xi32>
        %parallel_loop3A_431 = tpu.vector_load_idx %arg5[%parallel_loop3A_430, %parallel_loop3A_358] : memref<8x10240xf32, #tpu.memory_space<vmem>>[vector<16xi32>, vector<16xi32>], vector<16xf32>,
        %parallel_loop3A_432 = arith.constant 1 : i32
        %parallel_loop3A_433 = arith.constant 7 : i32
        %parallel_loop3A_434 = arith.index_cast %parallel_loop3A_432 : i32 to index
        %parallel_loop3A_435 = arith.index_cast %parallel_loop3A_433 : i32 to index
        %parallel_loop3A_436 = arith.index_cast %parallel_loop3A_333 : i32 to index
        %parallel_loop3A_437 = arith.index_cast %parallel_loop3A_351 : i32 to index
        %parallel_loop3A_438 = tpu.vector_load %arg7[%parallel_loop3A_434, %parallel_loop3A_435, %parallel_loop3A_436, %parallel_loop3A_437] {strides = array<i32>} : memref<2x8x8x256xf32, #tpu.memory_space<vmem>>, vector<16xf32>,
        tpu.vector_store %arg7[%parallel_loop3A_434, %parallel_loop3A_435, %parallel_loop3A_436, %parallel_loop3A_437], %parallel_loop3A_431 {strides = array<i32>} : memref<2x8x8x256xf32, #tpu.memory_space<vmem>>, vector<16xf32>,
      } {sc.loop_unroll_factor = 8 : i64, sc.parallel_access}
      %mul3A_173 = arith.constant 8 : i32
      %mul3A_174 = arith.muli %add3A_124, %mul3A_173 : i32
      %add3A_175 = arith.addi %mul3A_52, %mul3A_174 : i32
      %dma_start3A_176 = arith.constant 1 : i32
      %dma_start3A_177 = arith.constant 0 : i32
      %dma_start3A_178 = arith.constant 0 : i32
      %dma_start3A_179 = arith.constant 0 : i32
      %dma_start3A_180 = tpu.memref_slice %arg7[%dma_start3A_176, %dma_start3A_177, %dma_start3A_178, %dma_start3A_179] : memref<2x8x8x256xf32, #tpu.memory_space<vmem>> -> memref<1x8x8x256xf32, #tpu.memory_space<vmem>>
      %dma_start3A_181 = tpu.memref_squeeze %dma_start3A_180 : memref<1x8x8x256xf32, #tpu.memory_space<vmem>> -> memref<8x8x256xf32, #tpu.memory_space<vmem>>
      %dma_start3A_182 = arith.constant 256 : i32
      %dma_start3A_183 = tpu.memref_slice %arg4[%mul3A_18, %add3A_175, %dma_start3A_182] : memref<128x512x512xf32, #tpu.memory_space<hbm>> -> memref<8x8x256xf32, #tpu.memory_space<hbm>>
      %dma_start3A_184 = arith.constant 256 : i32
      %dma_start3A_185 = tpu.memref_slice %arg4[%mul3A_18, %add3A_175, %dma_start3A_184] : memref<128x512x512xf32, #tpu.memory_space<hbm>> -> memref<8x8x256xf32, #tpu.memory_space<hbm>>
      %dma_start3A_186 = arith.constant 0 : i32
      %dma_start3A_187 = arith.constant 0 : i32
      %dma_start3A_188 = arith.constant 0 : i32
      %dma_start3A_189 = tpu.memref_slice %arg7[%dma_start3A_176, %dma_start3A_186, %dma_start3A_187, %dma_start3A_188] : memref<2x8x8x256xf32, #tpu.memory_space<vmem>> -> memref<1x8x8x256xf32, #tpu.memory_space<vmem>>
      %dma_start3A_190 = tpu.memref_squeeze %dma_start3A_189 : memref<1x8x8x256xf32, #tpu.memory_space<vmem>> -> memref<8x8x256xf32, #tpu.memory_space<vmem>>
      tpu.enqueue_dma source(%dma_start3A_190 : memref<8x8x256xf32, #tpu.memory_space<vmem>>) target(%dma_start3A_185 : memref<8x8x256xf32, #tpu.memory_space<hbm>>) target_semaphore(%arg11 : memref<!tpu.dma_semaphore, #tpu.memory_space<semaphore_mem>>)
      %add3A_191 = arith.constant 2 : i32
      %add3A_192 = arith.addi %add3A_124, %add3A_191 : i32
      %lt3A_193 = arith.constant 32 : i32
      %lt3A_194 = arith.cmpi slt, %add3A_192, %lt3A_193 : i32
      %convert_element_type3A_195 = arith.extui %lt3A_194 : i1 to i32
      %cond3A_196 = arith.constant 0 : i32
      %cond3A_197 = arith.cmpi ne, %convert_element_type3A_195, %cond3A_196 : i32
      scf.if %cond3A_197 {
        %add3A_309 = arith.constant 2 : i32
        %add3A_310 = arith.addi %add3A_124, %add3A_309 : i32
        %mul3A_311 = arith.constant 2 : i32
        %mul3A_312 = arith.muli %add3A_310, %mul3A_311 : i32
        %mul3A_313 = arith.constant 4 : i32
        %mul3A_314 = arith.muli %mul3A_312, %mul3A_313 : i32
        %add3A_315 = arith.addi %mul3A_52, %mul3A_314 : i32
        %dma_start3A_316 = arith.constant 0 : i32
        %dma_start3A_317 = arith.constant 0 : i32
        %dma_start3A_318 = arith.constant 0 : i32
        %dma_start3A_319 = tpu.memref_slice %arg6[%dma_start3A_316, %dma_start3A_317, %dma_start3A_318] : memref<2x8x512xi32, #tpu.memory_space<vmem>> -> memref<1x8x512xi32, #tpu.memory_space<vmem>>
        %dma_start3A_320 = tpu.memref_squeeze %dma_start3A_319 : memref<1x8x512xi32, #tpu.memory_space<vmem>> -> memref<8x512xi32, #tpu.memory_space<vmem>>
        %dma_start3A_321 = arith.constant 0 : i32
        %dma_start3A_322 = tpu.memref_slice %arg3[%add3A_315, %dma_start3A_321] : memref<512x512xi32, #tpu.memory_space<hbm>> -> memref<8x512xi32, #tpu.memory_space<hbm>>
        %dma_start3A_323 = arith.constant 0 : i32
        %dma_start3A_324 = arith.constant 0 : i32
        %dma_start3A_325 = tpu.memref_slice %arg6[%dma_start3A_316, %dma_start3A_323, %dma_start3A_324] : memref<2x8x512xi32, #tpu.memory_space<vmem>> -> memref<1x8x512xi32, #tpu.memory_space<vmem>>
        %dma_start3A_326 = tpu.memref_squeeze %dma_start3A_325 : memref<1x8x512xi32, #tpu.memory_space<vmem>> -> memref<8x512xi32, #tpu.memory_space<vmem>>
        %dma_start3A_327 = arith.constant 0 : i32
        %dma_start3A_328 = tpu.memref_slice %arg3[%add3A_315, %dma_start3A_327] : memref<512x512xi32, #tpu.memory_space<hbm>> -> memref<8x512xi32, #tpu.memory_space<hbm>>
        tpu.enqueue_dma source(%dma_start3A_328 : memref<8x512xi32, #tpu.memory_space<hbm>>) target(%dma_start3A_326 : memref<8x512xi32, #tpu.memory_space<vmem>>) target_semaphore(%arg8 : memref<!tpu.dma_semaphore, #tpu.memory_space<semaphore_mem>>)
      } else {
      }
      %mul3A_198 = arith.constant 2 : i32
      %mul3A_199 = arith.muli %mul3A_198, %scan3A_120 : i32
      %add3A_200 = arith.constant 1 : i32
      %add3A_201 = arith.addi %mul3A_199, %add3A_200 : i32
      %mul3A_202 = arith.constant 2 : i32
      %mul3A_203 = arith.muli %add3A_201, %mul3A_202 : i32
      %mul3A_204 = arith.constant 4 : i32
      %mul3A_205 = arith.muli %mul3A_203, %mul3A_204 : i32
      %add3A_206 = arith.addi %mul3A_52, %mul3A_205 : i32
      %dma_wait3A_207 = arith.constant 1 : i32
      %dma_wait3A_208 = arith.constant 0 : i32
      %dma_wait3A_209 = arith.constant 0 : i32
      %dma_wait3A_210 = tpu.memref_slice %arg6[%dma_wait3A_207, %dma_wait3A_208, %dma_wait3A_209] : memref<2x8x512xi32, #tpu.memory_space<vmem>> -> memref<1x8x512xi32, #tpu.memory_space<vmem>>
      %dma_wait3A_211 = tpu.memref_squeeze %dma_wait3A_210 : memref<1x8x512xi32, #tpu.memory_space<vmem>> -> memref<8x512xi32, #tpu.memory_space<vmem>>
      %dma_wait3A_212 = arith.constant 0 : i32
      %dma_wait3A_213 = tpu.memref_slice %arg3[%add3A_206, %dma_wait3A_212] : memref<512x512xi32, #tpu.memory_space<hbm>> -> memref<8x512xi32, #tpu.memory_space<hbm>>
      %dma_wait3A_214 = arith.constant 0 : i32
      %dma_wait3A_215 = arith.constant 0 : i32
      %dma_wait3A_216 = tpu.memref_slice %arg6[%dma_wait3A_207, %dma_wait3A_214, %dma_wait3A_215] : memref<2x8x512xi32, #tpu.memory_space<vmem>> -> memref<1x8x512xi32, #tpu.memory_space<vmem>>
      %dma_wait3A_217 = tpu.memref_squeeze %dma_wait3A_216 : memref<1x8x512xi32, #tpu.memory_space<vmem>> -> memref<8x512xi32, #tpu.memory_space<vmem>>
      %dma_wait3A_218 = arith.constant 0 : i32
      %dma_wait3A_219 = tpu.memref_slice %arg3[%add3A_206, %dma_wait3A_218] : memref<512x512xi32, #tpu.memory_space<hbm>> -> memref<8x512xi32, #tpu.memory_space<hbm>>
      tpu.wait_dma2 semaphore(%arg9 : memref<!tpu.dma_semaphore, #tpu.memory_space<semaphore_mem>>) src(%dma_wait3A_219 : memref<8x512xi32, #tpu.memory_space<hbm>>) dst(%dma_wait3A_217 : memref<8x512xi32, #tpu.memory_space<vmem>>)
      %sub3A_220 = arith.constant 1 : i32
      %sub3A_221 = arith.subi %add3A_201, %sub3A_220 : i32
      %mul3A_222 = arith.constant 8 : i32
      %mul3A_223 = arith.muli %sub3A_221, %mul3A_222 : i32
      %add3A_224 = arith.addi %mul3A_52, %mul3A_223 : i32
      %dma_wait3A_225 = arith.constant 0 : i32
      %dma_wait3A_226 = arith.constant 0 : i32
      %dma_wait3A_227 = arith.constant 0 : i32
      %dma_wait3A_228 = arith.constant 0 : i32
      %dma_wait3A_229 = tpu.memref_slice %arg7[%dma_wait3A_225, %dma_wait3A_226, %dma_wait3A_227, %dma_wait3A_228] : memref<2x8x8x256xf32, #tpu.memory_space<vmem>> -> memref<1x8x8x256xf32, #tpu.memory_space<vmem>>
      %dma_wait3A_230 = tpu.memref_squeeze %dma_wait3A_229 : memref<1x8x8x256xf32, #tpu.memory_space<vmem>> -> memref<8x8x256xf32, #tpu.memory_space<vmem>>
      %dma_wait3A_231 = arith.constant 0 : i32
      %dma_wait3A_232 = tpu.memref_slice %arg4[%mul3A_18, %add3A_224, %dma_wait3A_231] : memref<128x512x512xf32, #tpu.memory_space<hbm>> -> memref<8x8x256xf32, #tpu.memory_space<hbm>>
      %dma_wait3A_233 = arith.constant 0 : i32
      %dma_wait3A_234 = tpu.memref_slice %arg4[%mul3A_18, %add3A_224, %dma_wait3A_233] : memref<128x512x512xf32, #tpu.memory_space<hbm>> -> memref<8x8x256xf32, #tpu.memory_space<hbm>>
      %dma_wait3A_235 = arith.constant 0 : i32
      %dma_wait3A_236 = arith.constant 0 : i32
      %dma_wait3A_237 = arith.constant 0 : i32
      %dma_wait3A_238 = tpu.memref_slice %arg7[%dma_wait3A_225, %dma_wait3A_235, %dma_wait3A_236, %dma_wait3A_237] : memref<2x8x8x256xf32, #tpu.memory_space<vmem>> -> memref<1x8x8x256xf32, #tpu.memory_space<vmem>>
      %dma_wait3A_239 = tpu.memref_squeeze %dma_wait3A_238 : memref<1x8x8x256xf32, #tpu.memory_space<vmem>> -> memref<8x8x256xf32, #tpu.memory_space<vmem>>
      tpu.wait_dma2 semaphore(%arg10 : memref<!tpu.dma_semaphore, #tpu.memory_space<semaphore_mem>>) src(%dma_wait3A_239 : memref<8x8x256xf32, #tpu.memory_space<vmem>>) dst(%dma_wait3A_234 : memref<8x8x256xf32, #tpu.memory_space<hbm>>)
      %parallel_loop3A_240 = arith.constant 0 : i32
      %parallel_loop3A_241 = arith.constant 128 : i32
      %parallel_loop3A_242 = arith.constant 1 : i32
      scf.for %parallel_loop3A_309 = %parallel_loop3A_240 to %parallel_loop3A_241 step %parallel_loop3A_242  : i32 {
        %parallel_loop3A_310 = arith.constant 16 : i32
        %parallel_loop3A_311 = arith.divsi %parallel_loop3A_309, %parallel_loop3A_310 : i32
        %parallel_loop3A_312 = arith.constant 0 : i32
        %parallel_loop3A_313 = arith.cmpi sgt, %parallel_loop3A_309, %parallel_loop3A_312 : i32
        %parallel_loop3A_314 = arith.extui %parallel_loop3A_313 : i1 to i32
        %parallel_loop3A_315 = arith.constant 0 : i32
        %parallel_loop3A_316 = arith.cmpi slt, %parallel_loop3A_309, %parallel_loop3A_315 : i32
        %parallel_loop3A_317 = arith.extui %parallel_loop3A_316 : i1 to i32
        %parallel_loop3A_318 = arith.subi %parallel_loop3A_314, %parallel_loop3A_317 : i32
        %parallel_loop3A_319 = arith.constant 0 : i32
        %parallel_loop3A_320 = arith.cmpi sgt, %parallel_loop3A_310, %parallel_loop3A_319 : i32
        %parallel_loop3A_321 = arith.extui %parallel_loop3A_320 : i1 to i32
        %parallel_loop3A_322 = arith.constant 0 : i32
        %parallel_loop3A_323 = arith.cmpi slt, %parallel_loop3A_310, %parallel_loop3A_322 : i32
        %parallel_loop3A_324 = arith.extui %parallel_loop3A_323 : i1 to i32
        %parallel_loop3A_325 = arith.subi %parallel_loop3A_321, %parallel_loop3A_324 : i32
        %parallel_loop3A_326 = arith.cmpi ne, %parallel_loop3A_318, %parallel_loop3A_325 : i32
        %parallel_loop3A_327 = arith.remsi %parallel_loop3A_309, %parallel_loop3A_310 : i32
        %parallel_loop3A_328 = arith.constant 0 : i32
        %parallel_loop3A_329 = arith.cmpi ne, %parallel_loop3A_327, %parallel_loop3A_328 : i32
        %parallel_loop3A_330 = arith.andi %parallel_loop3A_326, %parallel_loop3A_329 : i1
        %parallel_loop3A_331 = arith.constant 1 : i32
        %parallel_loop3A_332 = arith.subi %parallel_loop3A_311, %parallel_loop3A_331 : i32
        %parallel_loop3A_333 = arith.select %parallel_loop3A_330, %parallel_loop3A_332, %parallel_loop3A_311 : i32
        %parallel_loop3A_334 = arith.constant 16 : i32
        %parallel_loop3A_335 = arith.constant 0 : i32
        %parallel_loop3A_336 = arith.cmpi eq, %parallel_loop3A_334, %parallel_loop3A_335 : i32
        %parallel_loop3A_337 = arith.constant 1 : i32
        %parallel_loop3A_338 = arith.select %parallel_loop3A_336, %parallel_loop3A_337, %parallel_loop3A_334 : i32
        %parallel_loop3A_339 = arith.remsi %parallel_loop3A_309, %parallel_loop3A_338 : i32
        %parallel_loop3A_340 = arith.constant 0 : i32
        %parallel_loop3A_341 = arith.cmpi ne, %parallel_loop3A_339, %parallel_loop3A_340 : i32
        %parallel_loop3A_342 = arith.constant 0 : i32
        %parallel_loop3A_343 = arith.cmpi slt, %parallel_loop3A_339, %parallel_loop3A_342 : i32
        %parallel_loop3A_344 = arith.constant 0 : i32
        %parallel_loop3A_345 = arith.cmpi slt, %parallel_loop3A_338, %parallel_loop3A_344 : i32
        %parallel_loop3A_346 = arith.xori %parallel_loop3A_343, %parallel_loop3A_345 : i1
        %parallel_loop3A_347 = arith.andi %parallel_loop3A_346, %parallel_loop3A_341 : i1
        %parallel_loop3A_348 = arith.addi %parallel_loop3A_339, %parallel_loop3A_338 : i32
        %parallel_loop3A_349 = arith.select %parallel_loop3A_347, %parallel_loop3A_348, %parallel_loop3A_339 : i32
        %parallel_loop3A_350 = arith.constant 16 : i32
        %parallel_loop3A_351 = arith.muli %parallel_loop3A_349, %parallel_loop3A_350 : i32
        %parallel_loop3A_352 = arith.constant 0 : i32
        %parallel_loop3A_353 = arith.addi %parallel_loop3A_352, %parallel_loop3A_351 : i32
        %parallel_loop3A_354 = arith.constant 1 : i32
        %parallel_loop3A_355 = arith.index_cast %parallel_loop3A_354 : i32 to index
        %parallel_loop3A_356 = arith.index_cast %parallel_loop3A_333 : i32 to index
        %parallel_loop3A_357 = arith.index_cast %parallel_loop3A_353 : i32 to index
        %parallel_loop3A_358 = tpu.vector_load %arg6[%parallel_loop3A_355, %parallel_loop3A_356, %parallel_loop3A_357] {strides = array<i32>} : memref<2x8x512xi32, #tpu.memory_space<vmem>>, vector<16xi32>,
        %parallel_loop3A_359 = arith.constant 0 : i32
        %parallel_loop3A_360 = vector.broadcast %parallel_loop3A_359 : i32 to vector<16xi32>
        %parallel_loop3A_361 = tpu.vector_load_idx %arg5[%parallel_loop3A_360, %parallel_loop3A_358] : memref<8x10240xf32, #tpu.memory_space<vmem>>[vector<16xi32>, vector<16xi32>], vector<16xf32>,
        %parallel_loop3A_362 = arith.constant 0 : i32
        %parallel_loop3A_363 = arith.constant 0 : i32
        %parallel_loop3A_364 = arith.index_cast %parallel_loop3A_362 : i32 to index
        %parallel_loop3A_365 = arith.index_cast %parallel_loop3A_363 : i32 to index
        %parallel_loop3A_366 = arith.index_cast %parallel_loop3A_333 : i32 to index
        %parallel_loop3A_367 = arith.index_cast %parallel_loop3A_351 : i32 to index
        %parallel_loop3A_368 = tpu.vector_load %arg7[%parallel_loop3A_364, %parallel_loop3A_365, %parallel_loop3A_366, %parallel_loop3A_367] {strides = array<i32>} : memref<2x8x8x256xf32, #tpu.memory_space<vmem>>, vector<16xf32>,
        tpu.vector_store %arg7[%parallel_loop3A_364, %parallel_loop3A_365, %parallel_loop3A_366, %parallel_loop3A_367], %parallel_loop3A_361 {strides = array<i32>} : memref<2x8x8x256xf32, #tpu.memory_space<vmem>>, vector<16xf32>,
        %parallel_loop3A_369 = arith.constant 1 : i32
        %parallel_loop3A_370 = vector.broadcast %parallel_loop3A_369 : i32 to vector<16xi32>
        %parallel_loop3A_371 = tpu.vector_load_idx %arg5[%parallel_loop3A_370, %parallel_loop3A_358] : memref<8x10240xf32, #tpu.memory_space<vmem>>[vector<16xi32>, vector<16xi32>], vector<16xf32>,
        %parallel_loop3A_372 = arith.constant 0 : i32
        %parallel_loop3A_373 = arith.constant 1 : i32
        %parallel_loop3A_374 = arith.index_cast %parallel_loop3A_372 : i32 to index
        %parallel_loop3A_375 = arith.index_cast %parallel_loop3A_373 : i32 to index
        %parallel_loop3A_376 = arith.index_cast %parallel_loop3A_333 : i32 to index
        %parallel_loop3A_377 = arith.index_cast %parallel_loop3A_351 : i32 to index
        %parallel_loop3A_378 = tpu.vector_load %arg7[%parallel_loop3A_374, %parallel_loop3A_375, %parallel_loop3A_376, %parallel_loop3A_377] {strides = array<i32>} : memref<2x8x8x256xf32, #tpu.memory_space<vmem>>, vector<16xf32>,
        tpu.vector_store %arg7[%parallel_loop3A_374, %parallel_loop3A_375, %parallel_loop3A_376, %parallel_loop3A_377], %parallel_loop3A_371 {strides = array<i32>} : memref<2x8x8x256xf32, #tpu.memory_space<vmem>>, vector<16xf32>,
        %parallel_loop3A_379 = arith.constant 2 : i32
        %parallel_loop3A_380 = vector.broadcast %parallel_loop3A_379 : i32 to vector<16xi32>
        %parallel_loop3A_381 = tpu.vector_load_idx %arg5[%parallel_loop3A_380, %parallel_loop3A_358] : memref<8x10240xf32, #tpu.memory_space<vmem>>[vector<16xi32>, vector<16xi32>], vector<16xf32>,
        %parallel_loop3A_382 = arith.constant 0 : i32
        %parallel_loop3A_383 = arith.constant 2 : i32
        %parallel_loop3A_384 = arith.index_cast %parallel_loop3A_382 : i32 to index
        %parallel_loop3A_385 = arith.index_cast %parallel_loop3A_383 : i32 to index
        %parallel_loop3A_386 = arith.index_cast %parallel_loop3A_333 : i32 to index
        %parallel_loop3A_387 = arith.index_cast %parallel_loop3A_351 : i32 to index
        %parallel_loop3A_388 = tpu.vector_load %arg7[%parallel_loop3A_384, %parallel_loop3A_385, %parallel_loop3A_386, %parallel_loop3A_387] {strides = array<i32>} : memref<2x8x8x256xf32, #tpu.memory_space<vmem>>, vector<16xf32>,
        tpu.vector_store %arg7[%parallel_loop3A_384, %parallel_loop3A_385, %parallel_loop3A_386, %parallel_loop3A_387], %parallel_loop3A_381 {strides = array<i32>} : memref<2x8x8x256xf32, #tpu.memory_space<vmem>>, vector<16xf32>,
        %parallel_loop3A_389 = arith.constant 3 : i32
        %parallel_loop3A_390 = vector.broadcast %parallel_loop3A_389 : i32 to vector<16xi32>
        %parallel_loop3A_391 = tpu.vector_load_idx %arg5[%parallel_loop3A_390, %parallel_loop3A_358] : memref<8x10240xf32, #tpu.memory_space<vmem>>[vector<16xi32>, vector<16xi32>], vector<16xf32>,
        %parallel_loop3A_392 = arith.constant 0 : i32
        %parallel_loop3A_393 = arith.constant 3 : i32
        %parallel_loop3A_394 = arith.index_cast %parallel_loop3A_392 : i32 to index
        %parallel_loop3A_395 = arith.index_cast %parallel_loop3A_393 : i32 to index
        %parallel_loop3A_396 = arith.index_cast %parallel_loop3A_333 : i32 to index
        %parallel_loop3A_397 = arith.index_cast %parallel_loop3A_351 : i32 to index
        %parallel_loop3A_398 = tpu.vector_load %arg7[%parallel_loop3A_394, %parallel_loop3A_395, %parallel_loop3A_396, %parallel_loop3A_397] {strides = array<i32>} : memref<2x8x8x256xf32, #tpu.memory_space<vmem>>, vector<16xf32>,
        tpu.vector_store %arg7[%parallel_loop3A_394, %parallel_loop3A_395, %parallel_loop3A_396, %parallel_loop3A_397], %parallel_loop3A_391 {strides = array<i32>} : memref<2x8x8x256xf32, #tpu.memory_space<vmem>>, vector<16xf32>,
        %parallel_loop3A_399 = arith.constant 4 : i32
        %parallel_loop3A_400 = vector.broadcast %parallel_loop3A_399 : i32 to vector<16xi32>
        %parallel_loop3A_401 = tpu.vector_load_idx %arg5[%parallel_loop3A_400, %parallel_loop3A_358] : memref<8x10240xf32, #tpu.memory_space<vmem>>[vector<16xi32>, vector<16xi32>], vector<16xf32>,
        %parallel_loop3A_402 = arith.constant 0 : i32
        %parallel_loop3A_403 = arith.constant 4 : i32
        %parallel_loop3A_404 = arith.index_cast %parallel_loop3A_402 : i32 to index
        %parallel_loop3A_405 = arith.index_cast %parallel_loop3A_403 : i32 to index
        %parallel_loop3A_406 = arith.index_cast %parallel_loop3A_333 : i32 to index
        %parallel_loop3A_407 = arith.index_cast %parallel_loop3A_351 : i32 to index
        %parallel_loop3A_408 = tpu.vector_load %arg7[%parallel_loop3A_404, %parallel_loop3A_405, %parallel_loop3A_406, %parallel_loop3A_407] {strides = array<i32>} : memref<2x8x8x256xf32, #tpu.memory_space<vmem>>, vector<16xf32>,
        tpu.vector_store %arg7[%parallel_loop3A_404, %parallel_loop3A_405, %parallel_loop3A_406, %parallel_loop3A_407], %parallel_loop3A_401 {strides = array<i32>} : memref<2x8x8x256xf32, #tpu.memory_space<vmem>>, vector<16xf32>,
        %parallel_loop3A_409 = arith.constant 5 : i32
        %parallel_loop3A_410 = vector.broadcast %parallel_loop3A_409 : i32 to vector<16xi32>
        %parallel_loop3A_411 = tpu.vector_load_idx %arg5[%parallel_loop3A_410, %parallel_loop3A_358] : memref<8x10240xf32, #tpu.memory_space<vmem>>[vector<16xi32>, vector<16xi32>], vector<16xf32>,
        %parallel_loop3A_412 = arith.constant 0 : i32
        %parallel_loop3A_413 = arith.constant 5 : i32
        %parallel_loop3A_414 = arith.index_cast %parallel_loop3A_412 : i32 to index
        %parallel_loop3A_415 = arith.index_cast %parallel_loop3A_413 : i32 to index
        %parallel_loop3A_416 = arith.index_cast %parallel_loop3A_333 : i32 to index
        %parallel_loop3A_417 = arith.index_cast %parallel_loop3A_351 : i32 to index
        %parallel_loop3A_418 = tpu.vector_load %arg7[%parallel_loop3A_414, %parallel_loop3A_415, %parallel_loop3A_416, %parallel_loop3A_417] {strides = array<i32>} : memref<2x8x8x256xf32, #tpu.memory_space<vmem>>, vector<16xf32>,
        tpu.vector_store %arg7[%parallel_loop3A_414, %parallel_loop3A_415, %parallel_loop3A_416, %parallel_loop3A_417], %parallel_loop3A_411 {strides = array<i32>} : memref<2x8x8x256xf32, #tpu.memory_space<vmem>>, vector<16xf32>,
        %parallel_loop3A_419 = arith.constant 6 : i32
        %parallel_loop3A_420 = vector.broadcast %parallel_loop3A_419 : i32 to vector<16xi32>
        %parallel_loop3A_421 = tpu.vector_load_idx %arg5[%parallel_loop3A_420, %parallel_loop3A_358] : memref<8x10240xf32, #tpu.memory_space<vmem>>[vector<16xi32>, vector<16xi32>], vector<16xf32>,
        %parallel_loop3A_422 = arith.constant 0 : i32
        %parallel_loop3A_423 = arith.constant 6 : i32
        %parallel_loop3A_424 = arith.index_cast %parallel_loop3A_422 : i32 to index
        %parallel_loop3A_425 = arith.index_cast %parallel_loop3A_423 : i32 to index
        %parallel_loop3A_426 = arith.index_cast %parallel_loop3A_333 : i32 to index
        %parallel_loop3A_427 = arith.index_cast %parallel_loop3A_351 : i32 to index
        %parallel_loop3A_428 = tpu.vector_load %arg7[%parallel_loop3A_424, %parallel_loop3A_425, %parallel_loop3A_426, %parallel_loop3A_427] {strides = array<i32>} : memref<2x8x8x256xf32, #tpu.memory_space<vmem>>, vector<16xf32>,
        tpu.vector_store %arg7[%parallel_loop3A_424, %parallel_loop3A_425, %parallel_loop3A_426, %parallel_loop3A_427], %parallel_loop3A_421 {strides = array<i32>} : memref<2x8x8x256xf32, #tpu.memory_space<vmem>>, vector<16xf32>,
        %parallel_loop3A_429 = arith.constant 7 : i32
        %parallel_loop3A_430 = vector.broadcast %parallel_loop3A_429 : i32 to vector<16xi32>
        %parallel_loop3A_431 = tpu.vector_load_idx %arg5[%parallel_loop3A_430, %parallel_loop3A_358] : memref<8x10240xf32, #tpu.memory_space<vmem>>[vector<16xi32>, vector<16xi32>], vector<16xf32>,
        %parallel_loop3A_432 = arith.constant 0 : i32
        %parallel_loop3A_433 = arith.constant 7 : i32
        %parallel_loop3A_434 = arith.index_cast %parallel_loop3A_432 : i32 to index
        %parallel_loop3A_435 = arith.index_cast %parallel_loop3A_433 : i32 to index
        %parallel_loop3A_436 = arith.index_cast %parallel_loop3A_333 : i32 to index
        %parallel_loop3A_437 = arith.index_cast %parallel_loop3A_351 : i32 to index
        %parallel_loop3A_438 = tpu.vector_load %arg7[%parallel_loop3A_434, %parallel_loop3A_435, %parallel_loop3A_436, %parallel_loop3A_437] {strides = array<i32>} : memref<2x8x8x256xf32, #tpu.memory_space<vmem>>, vector<16xf32>,
        tpu.vector_store %arg7[%parallel_loop3A_434, %parallel_loop3A_435, %parallel_loop3A_436, %parallel_loop3A_437], %parallel_loop3A_431 {strides = array<i32>} : memref<2x8x8x256xf32, #tpu.memory_space<vmem>>, vector<16xf32>,
      } {sc.loop_unroll_factor = 8 : i64, sc.parallel_access}
      %mul3A_243 = arith.constant 8 : i32
      %mul3A_244 = arith.muli %add3A_201, %mul3A_243 : i32
      %add3A_245 = arith.addi %mul3A_52, %mul3A_244 : i32
      %dma_start3A_246 = arith.constant 0 : i32
      %dma_start3A_247 = arith.constant 0 : i32
      %dma_start3A_248 = arith.constant 0 : i32
      %dma_start3A_249 = arith.constant 0 : i32
      %dma_start3A_250 = tpu.memref_slice %arg7[%dma_start3A_246, %dma_start3A_247, %dma_start3A_248, %dma_start3A_249] : memref<2x8x8x256xf32, #tpu.memory_space<vmem>> -> memref<1x8x8x256xf32, #tpu.memory_space<vmem>>
      %dma_start3A_251 = tpu.memref_squeeze %dma_start3A_250 : memref<1x8x8x256xf32, #tpu.memory_space<vmem>> -> memref<8x8x256xf32, #tpu.memory_space<vmem>>
      %dma_start3A_252 = arith.constant 0 : i32
      %dma_start3A_253 = tpu.memref_slice %arg4[%mul3A_18, %add3A_245, %dma_start3A_252] : memref<128x512x512xf32, #tpu.memory_space<hbm>> -> memref<8x8x256xf32, #tpu.memory_space<hbm>>
      %dma_start3A_254 = arith.constant 0 : i32
      %dma_start3A_255 = tpu.memref_slice %arg4[%mul3A_18, %add3A_245, %dma_start3A_254] : memref<128x512x512xf32, #tpu.memory_space<hbm>> -> memref<8x8x256xf32, #tpu.memory_space<hbm>>
      %dma_start3A_256 = arith.constant 0 : i32
      %dma_start3A_257 = arith.constant 0 : i32
      %dma_start3A_258 = arith.constant 0 : i32
      %dma_start3A_259 = tpu.memref_slice %arg7[%dma_start3A_246, %dma_start3A_256, %dma_start3A_257, %dma_start3A_258] : memref<2x8x8x256xf32, #tpu.memory_space<vmem>> -> memref<1x8x8x256xf32, #tpu.memory_space<vmem>>
      %dma_start3A_260 = tpu.memref_squeeze %dma_start3A_259 : memref<1x8x8x256xf32, #tpu.memory_space<vmem>> -> memref<8x8x256xf32, #tpu.memory_space<vmem>>
      tpu.enqueue_dma source(%dma_start3A_260 : memref<8x8x256xf32, #tpu.memory_space<vmem>>) target(%dma_start3A_255 : memref<8x8x256xf32, #tpu.memory_space<hbm>>) target_semaphore(%arg10 : memref<!tpu.dma_semaphore, #tpu.memory_space<semaphore_mem>>)
      %sub3A_261 = arith.constant 1 : i32
      %sub3A_262 = arith.subi %add3A_201, %sub3A_261 : i32
      %mul3A_263 = arith.constant 8 : i32
      %mul3A_264 = arith.muli %sub3A_262, %mul3A_263 : i32
      %add3A_265 = arith.addi %mul3A_52, %mul3A_264 : i32
      %dma_wait3A_266 = arith.constant 1 : i32
      %dma_wait3A_267 = arith.constant 0 : i32
      %dma_wait3A_268 = arith.constant 0 : i32
      %dma_wait3A_269 = arith.constant 0 : i32
      %dma_wait3A_270 = tpu.memref_slice %arg7[%dma_wait3A_266, %dma_wait3A_267, %dma_wait3A_268, %dma_wait3A_269] : memref<2x8x8x256xf32, #tpu.memory_space<vmem>> -> memref<1x8x8x256xf32, #tpu.memory_space<vmem>>
      %dma_wait3A_271 = tpu.memref_squeeze %dma_wait3A_270 : memref<1x8x8x256xf32, #tpu.memory_space<vmem>> -> memref<8x8x256xf32, #tpu.memory_space<vmem>>
      %dma_wait3A_272 = arith.constant 256 : i32
      %dma_wait3A_273 = tpu.memref_slice %arg4[%mul3A_18, %add3A_265, %dma_wait3A_272] : memref<128x512x512xf32, #tpu.memory_space<hbm>> -> memref<8x8x256xf32, #tpu.memory_space<hbm>>
      %dma_wait3A_274 = arith.constant 256 : i32
      %dma_wait3A_275 = tpu.memref_slice %arg4[%mul3A_18, %add3A_265, %dma_wait3A_274] : memref<128x512x512xf32, #tpu.memory_space<hbm>> -> memref<8x8x256xf32, #tpu.memory_space<hbm>>
      %dma_wait3A_276 = arith.constant 0 : i32
      %dma_wait3A_277 = arith.constant 0 : i32
      %dma_wait3A_278 = arith.constant 0 : i32
      %dma_wait3A_279 = tpu.memref_slice %arg7[%dma_wait3A_266, %dma_wait3A_276, %dma_wait3A_277, %dma_wait3A_278] : memref<2x8x8x256xf32, #tpu.memory_space<vmem>> -> memref<1x8x8x256xf32, #tpu.memory_space<vmem>>
      %dma_wait3A_280 = tpu.memref_squeeze %dma_wait3A_279 : memref<1x8x8x256xf32, #tpu.memory_space<vmem>> -> memref<8x8x256xf32, #tpu.memory_space<vmem>>
      tpu.wait_dma2 semaphore(%arg11 : memref<!tpu.dma_semaphore, #tpu.memory_space<semaphore_mem>>) src(%dma_wait3A_280 : memref<8x8x256xf32, #tpu.memory_space<vmem>>) dst(%dma_wait3A_275 : memref<8x8x256xf32, #tpu.memory_space<hbm>>)
      %parallel_loop3A_281 = arith.constant 0 : i32
      %parallel_loop3A_282 = arith.constant 128 : i32
      %parallel_loop3A_283 = arith.constant 1 : i32
      scf.for %parallel_loop3A_309 = %parallel_loop3A_281 to %parallel_loop3A_282 step %parallel_loop3A_283  : i32 {
        %parallel_loop3A_310 = arith.constant 16 : i32
        %parallel_loop3A_311 = arith.divsi %parallel_loop3A_309, %parallel_loop3A_310 : i32
        %parallel_loop3A_312 = arith.constant 0 : i32
        %parallel_loop3A_313 = arith.cmpi sgt, %parallel_loop3A_309, %parallel_loop3A_312 : i32
        %parallel_loop3A_314 = arith.extui %parallel_loop3A_313 : i1 to i32
        %parallel_loop3A_315 = arith.constant 0 : i32
        %parallel_loop3A_316 = arith.cmpi slt, %parallel_loop3A_309, %parallel_loop3A_315 : i32
        %parallel_loop3A_317 = arith.extui %parallel_loop3A_316 : i1 to i32
        %parallel_loop3A_318 = arith.subi %parallel_loop3A_314, %parallel_loop3A_317 : i32
        %parallel_loop3A_319 = arith.constant 0 : i32
        %parallel_loop3A_320 = arith.cmpi sgt, %parallel_loop3A_310, %parallel_loop3A_319 : i32
        %parallel_loop3A_321 = arith.extui %parallel_loop3A_320 : i1 to i32
        %parallel_loop3A_322 = arith.constant 0 : i32
        %parallel_loop3A_323 = arith.cmpi slt, %parallel_loop3A_310, %parallel_loop3A_322 : i32
        %parallel_loop3A_324 = arith.extui %parallel_loop3A_323 : i1 to i32
        %parallel_loop3A_325 = arith.subi %parallel_loop3A_321, %parallel_loop3A_324 : i32
        %parallel_loop3A_326 = arith.cmpi ne, %parallel_loop3A_318, %parallel_loop3A_325 : i32
        %parallel_loop3A_327 = arith.remsi %parallel_loop3A_309, %parallel_loop3A_310 : i32
        %parallel_loop3A_328 = arith.constant 0 : i32
        %parallel_loop3A_329 = arith.cmpi ne, %parallel_loop3A_327, %parallel_loop3A_328 : i32
        %parallel_loop3A_330 = arith.andi %parallel_loop3A_326, %parallel_loop3A_329 : i1
        %parallel_loop3A_331 = arith.constant 1 : i32
        %parallel_loop3A_332 = arith.subi %parallel_loop3A_311, %parallel_loop3A_331 : i32
        %parallel_loop3A_333 = arith.select %parallel_loop3A_330, %parallel_loop3A_332, %parallel_loop3A_311 : i32
        %parallel_loop3A_334 = arith.constant 16 : i32
        %parallel_loop3A_335 = arith.constant 0 : i32
        %parallel_loop3A_336 = arith.cmpi eq, %parallel_loop3A_334, %parallel_loop3A_335 : i32
        %parallel_loop3A_337 = arith.constant 1 : i32
        %parallel_loop3A_338 = arith.select %parallel_loop3A_336, %parallel_loop3A_337, %parallel_loop3A_334 : i32
        %parallel_loop3A_339 = arith.remsi %parallel_loop3A_309, %parallel_loop3A_338 : i32
        %parallel_loop3A_340 = arith.constant 0 : i32
        %parallel_loop3A_341 = arith.cmpi ne, %parallel_loop3A_339, %parallel_loop3A_340 : i32
        %parallel_loop3A_342 = arith.constant 0 : i32
        %parallel_loop3A_343 = arith.cmpi slt, %parallel_loop3A_339, %parallel_loop3A_342 : i32
        %parallel_loop3A_344 = arith.constant 0 : i32
        %parallel_loop3A_345 = arith.cmpi slt, %parallel_loop3A_338, %parallel_loop3A_344 : i32
        %parallel_loop3A_346 = arith.xori %parallel_loop3A_343, %parallel_loop3A_345 : i1
        %parallel_loop3A_347 = arith.andi %parallel_loop3A_346, %parallel_loop3A_341 : i1
        %parallel_loop3A_348 = arith.addi %parallel_loop3A_339, %parallel_loop3A_338 : i32
        %parallel_loop3A_349 = arith.select %parallel_loop3A_347, %parallel_loop3A_348, %parallel_loop3A_339 : i32
        %parallel_loop3A_350 = arith.constant 16 : i32
        %parallel_loop3A_351 = arith.muli %parallel_loop3A_349, %parallel_loop3A_350 : i32
        %parallel_loop3A_352 = arith.constant 256 : i32
        %parallel_loop3A_353 = arith.addi %parallel_loop3A_352, %parallel_loop3A_351 : i32
        %parallel_loop3A_354 = arith.constant 1 : i32
        %parallel_loop3A_355 = arith.index_cast %parallel_loop3A_354 : i32 to index
        %parallel_loop3A_356 = arith.index_cast %parallel_loop3A_333 : i32 to index
        %parallel_loop3A_357 = arith.index_cast %parallel_loop3A_353 : i32 to index
        %parallel_loop3A_358 = tpu.vector_load %arg6[%parallel_loop3A_355, %parallel_loop3A_356, %parallel_loop3A_357] {strides = array<i32>} : memref<2x8x512xi32, #tpu.memory_space<vmem>>, vector<16xi32>,
        %parallel_loop3A_359 = arith.constant 0 : i32
        %parallel_loop3A_360 = vector.broadcast %parallel_loop3A_359 : i32 to vector<16xi32>
        %parallel_loop3A_361 = tpu.vector_load_idx %arg5[%parallel_loop3A_360, %parallel_loop3A_358] : memref<8x10240xf32, #tpu.memory_space<vmem>>[vector<16xi32>, vector<16xi32>], vector<16xf32>,
        %parallel_loop3A_362 = arith.constant 1 : i32
        %parallel_loop3A_363 = arith.constant 0 : i32
        %parallel_loop3A_364 = arith.index_cast %parallel_loop3A_362 : i32 to index
        %parallel_loop3A_365 = arith.index_cast %parallel_loop3A_363 : i32 to index
        %parallel_loop3A_366 = arith.index_cast %parallel_loop3A_333 : i32 to index
        %parallel_loop3A_367 = arith.index_cast %parallel_loop3A_351 : i32 to index
        %parallel_loop3A_368 = tpu.vector_load %arg7[%parallel_loop3A_364, %parallel_loop3A_365, %parallel_loop3A_366, %parallel_loop3A_367] {strides = array<i32>} : memref<2x8x8x256xf32, #tpu.memory_space<vmem>>, vector<16xf32>,
        tpu.vector_store %arg7[%parallel_loop3A_364, %parallel_loop3A_365, %parallel_loop3A_366, %parallel_loop3A_367], %parallel_loop3A_361 {strides = array<i32>} : memref<2x8x8x256xf32, #tpu.memory_space<vmem>>, vector<16xf32>,
        %parallel_loop3A_369 = arith.constant 1 : i32
        %parallel_loop3A_370 = vector.broadcast %parallel_loop3A_369 : i32 to vector<16xi32>
        %parallel_loop3A_371 = tpu.vector_load_idx %arg5[%parallel_loop3A_370, %parallel_loop3A_358] : memref<8x10240xf32, #tpu.memory_space<vmem>>[vector<16xi32>, vector<16xi32>], vector<16xf32>,
        %parallel_loop3A_372 = arith.constant 1 : i32
        %parallel_loop3A_373 = arith.constant 1 : i32
        %parallel_loop3A_374 = arith.index_cast %parallel_loop3A_372 : i32 to index
        %parallel_loop3A_375 = arith.index_cast %parallel_loop3A_373 : i32 to index
        %parallel_loop3A_376 = arith.index_cast %parallel_loop3A_333 : i32 to index
        %parallel_loop3A_377 = arith.index_cast %parallel_loop3A_351 : i32 to index
        %parallel_loop3A_378 = tpu.vector_load %arg7[%parallel_loop3A_374, %parallel_loop3A_375, %parallel_loop3A_376, %parallel_loop3A_377] {strides = array<i32>} : memref<2x8x8x256xf32, #tpu.memory_space<vmem>>, vector<16xf32>,
        tpu.vector_store %arg7[%parallel_loop3A_374, %parallel_loop3A_375, %parallel_loop3A_376, %parallel_loop3A_377], %parallel_loop3A_371 {strides = array<i32>} : memref<2x8x8x256xf32, #tpu.memory_space<vmem>>, vector<16xf32>,
        %parallel_loop3A_379 = arith.constant 2 : i32
        %parallel_loop3A_380 = vector.broadcast %parallel_loop3A_379 : i32 to vector<16xi32>
        %parallel_loop3A_381 = tpu.vector_load_idx %arg5[%parallel_loop3A_380, %parallel_loop3A_358] : memref<8x10240xf32, #tpu.memory_space<vmem>>[vector<16xi32>, vector<16xi32>], vector<16xf32>,
        %parallel_loop3A_382 = arith.constant 1 : i32
        %parallel_loop3A_383 = arith.constant 2 : i32
        %parallel_loop3A_384 = arith.index_cast %parallel_loop3A_382 : i32 to index
        %parallel_loop3A_385 = arith.index_cast %parallel_loop3A_383 : i32 to index
        %parallel_loop3A_386 = arith.index_cast %parallel_loop3A_333 : i32 to index
        %parallel_loop3A_387 = arith.index_cast %parallel_loop3A_351 : i32 to index
        %parallel_loop3A_388 = tpu.vector_load %arg7[%parallel_loop3A_384, %parallel_loop3A_385, %parallel_loop3A_386, %parallel_loop3A_387] {strides = array<i32>} : memref<2x8x8x256xf32, #tpu.memory_space<vmem>>, vector<16xf32>,
        tpu.vector_store %arg7[%parallel_loop3A_384, %parallel_loop3A_385, %parallel_loop3A_386, %parallel_loop3A_387], %parallel_loop3A_381 {strides = array<i32>} : memref<2x8x8x256xf32, #tpu.memory_space<vmem>>, vector<16xf32>,
        %parallel_loop3A_389 = arith.constant 3 : i32
        %parallel_loop3A_390 = vector.broadcast %parallel_loop3A_389 : i32 to vector<16xi32>
        %parallel_loop3A_391 = tpu.vector_load_idx %arg5[%parallel_loop3A_390, %parallel_loop3A_358] : memref<8x10240xf32, #tpu.memory_space<vmem>>[vector<16xi32>, vector<16xi32>], vector<16xf32>,
        %parallel_loop3A_392 = arith.constant 1 : i32
        %parallel_loop3A_393 = arith.constant 3 : i32
        %parallel_loop3A_394 = arith.index_cast %parallel_loop3A_392 : i32 to index
        %parallel_loop3A_395 = arith.index_cast %parallel_loop3A_393 : i32 to index
        %parallel_loop3A_396 = arith.index_cast %parallel_loop3A_333 : i32 to index
        %parallel_loop3A_397 = arith.index_cast %parallel_loop3A_351 : i32 to index
        %parallel_loop3A_398 = tpu.vector_load %arg7[%parallel_loop3A_394, %parallel_loop3A_395, %parallel_loop3A_396, %parallel_loop3A_397] {strides = array<i32>} : memref<2x8x8x256xf32, #tpu.memory_space<vmem>>, vector<16xf32>,
        tpu.vector_store %arg7[%parallel_loop3A_394, %parallel_loop3A_395, %parallel_loop3A_396, %parallel_loop3A_397], %parallel_loop3A_391 {strides = array<i32>} : memref<2x8x8x256xf32, #tpu.memory_space<vmem>>, vector<16xf32>,
        %parallel_loop3A_399 = arith.constant 4 : i32
        %parallel_loop3A_400 = vector.broadcast %parallel_loop3A_399 : i32 to vector<16xi32>
        %parallel_loop3A_401 = tpu.vector_load_idx %arg5[%parallel_loop3A_400, %parallel_loop3A_358] : memref<8x10240xf32, #tpu.memory_space<vmem>>[vector<16xi32>, vector<16xi32>], vector<16xf32>,
        %parallel_loop3A_402 = arith.constant 1 : i32
        %parallel_loop3A_403 = arith.constant 4 : i32
        %parallel_loop3A_404 = arith.index_cast %parallel_loop3A_402 : i32 to index
        %parallel_loop3A_405 = arith.index_cast %parallel_loop3A_403 : i32 to index
        %parallel_loop3A_406 = arith.index_cast %parallel_loop3A_333 : i32 to index
        %parallel_loop3A_407 = arith.index_cast %parallel_loop3A_351 : i32 to index
        %parallel_loop3A_408 = tpu.vector_load %arg7[%parallel_loop3A_404, %parallel_loop3A_405, %parallel_loop3A_406, %parallel_loop3A_407] {strides = array<i32>} : memref<2x8x8x256xf32, #tpu.memory_space<vmem>>, vector<16xf32>,
        tpu.vector_store %arg7[%parallel_loop3A_404, %parallel_loop3A_405, %parallel_loop3A_406, %parallel_loop3A_407], %parallel_loop3A_401 {strides = array<i32>} : memref<2x8x8x256xf32, #tpu.memory_space<vmem>>, vector<16xf32>,
        %parallel_loop3A_409 = arith.constant 5 : i32
        %parallel_loop3A_410 = vector.broadcast %parallel_loop3A_409 : i32 to vector<16xi32>
        %parallel_loop3A_411 = tpu.vector_load_idx %arg5[%parallel_loop3A_410, %parallel_loop3A_358] : memref<8x10240xf32, #tpu.memory_space<vmem>>[vector<16xi32>, vector<16xi32>], vector<16xf32>,
        %parallel_loop3A_412 = arith.constant 1 : i32
        %parallel_loop3A_413 = arith.constant 5 : i32
        %parallel_loop3A_414 = arith.index_cast %parallel_loop3A_412 : i32 to index
        %parallel_loop3A_415 = arith.index_cast %parallel_loop3A_413 : i32 to index
        %parallel_loop3A_416 = arith.index_cast %parallel_loop3A_333 : i32 to index
        %parallel_loop3A_417 = arith.index_cast %parallel_loop3A_351 : i32 to index
        %parallel_loop3A_418 = tpu.vector_load %arg7[%parallel_loop3A_414, %parallel_loop3A_415, %parallel_loop3A_416, %parallel_loop3A_417] {strides = array<i32>} : memref<2x8x8x256xf32, #tpu.memory_space<vmem>>, vector<16xf32>,
        tpu.vector_store %arg7[%parallel_loop3A_414, %parallel_loop3A_415, %parallel_loop3A_416, %parallel_loop3A_417], %parallel_loop3A_411 {strides = array<i32>} : memref<2x8x8x256xf32, #tpu.memory_space<vmem>>, vector<16xf32>,
        %parallel_loop3A_419 = arith.constant 6 : i32
        %parallel_loop3A_420 = vector.broadcast %parallel_loop3A_419 : i32 to vector<16xi32>
        %parallel_loop3A_421 = tpu.vector_load_idx %arg5[%parallel_loop3A_420, %parallel_loop3A_358] : memref<8x10240xf32, #tpu.memory_space<vmem>>[vector<16xi32>, vector<16xi32>], vector<16xf32>,
        %parallel_loop3A_422 = arith.constant 1 : i32
        %parallel_loop3A_423 = arith.constant 6 : i32
        %parallel_loop3A_424 = arith.index_cast %parallel_loop3A_422 : i32 to index
        %parallel_loop3A_425 = arith.index_cast %parallel_loop3A_423 : i32 to index
        %parallel_loop3A_426 = arith.index_cast %parallel_loop3A_333 : i32 to index
        %parallel_loop3A_427 = arith.index_cast %parallel_loop3A_351 : i32 to index
        %parallel_loop3A_428 = tpu.vector_load %arg7[%parallel_loop3A_424, %parallel_loop3A_425, %parallel_loop3A_426, %parallel_loop3A_427] {strides = array<i32>} : memref<2x8x8x256xf32, #tpu.memory_space<vmem>>, vector<16xf32>,
        tpu.vector_store %arg7[%parallel_loop3A_424, %parallel_loop3A_425, %parallel_loop3A_426, %parallel_loop3A_427], %parallel_loop3A_421 {strides = array<i32>} : memref<2x8x8x256xf32, #tpu.memory_space<vmem>>, vector<16xf32>,
        %parallel_loop3A_429 = arith.constant 7 : i32
        %parallel_loop3A_430 = vector.broadcast %parallel_loop3A_429 : i32 to vector<16xi32>
        %parallel_loop3A_431 = tpu.vector_load_idx %arg5[%parallel_loop3A_430, %parallel_loop3A_358] : memref<8x10240xf32, #tpu.memory_space<vmem>>[vector<16xi32>, vector<16xi32>], vector<16xf32>,
        %parallel_loop3A_432 = arith.constant 1 : i32
        %parallel_loop3A_433 = arith.constant 7 : i32
        %parallel_loop3A_434 = arith.index_cast %parallel_loop3A_432 : i32 to index
        %parallel_loop3A_435 = arith.index_cast %parallel_loop3A_433 : i32 to index
        %parallel_loop3A_436 = arith.index_cast %parallel_loop3A_333 : i32 to index
        %parallel_loop3A_437 = arith.index_cast %parallel_loop3A_351 : i32 to index
        %parallel_loop3A_438 = tpu.vector_load %arg7[%parallel_loop3A_434, %parallel_loop3A_435, %parallel_loop3A_436, %parallel_loop3A_437] {strides = array<i32>} : memref<2x8x8x256xf32, #tpu.memory_space<vmem>>, vector<16xf32>,
        tpu.vector_store %arg7[%parallel_loop3A_434, %parallel_loop3A_435, %parallel_loop3A_436, %parallel_loop3A_437], %parallel_loop3A_431 {strides = array<i32>} : memref<2x8x8x256xf32, #tpu.memory_space<vmem>>, vector<16xf32>,
      } {sc.loop_unroll_factor = 8 : i64, sc.parallel_access}
      %mul3A_284 = arith.constant 8 : i32
      %mul3A_285 = arith.muli %add3A_201, %mul3A_284 : i32
      %add3A_286 = arith.addi %mul3A_52, %mul3A_285 : i32
      %dma_start3A_287 = arith.constant 1 : i32
      %dma_start3A_288 = arith.constant 0 : i32
      %dma_start3A_289 = arith.constant 0 : i32
      %dma_start3A_290 = arith.constant 0 : i32
      %dma_start3A_291 = tpu.memref_slice %arg7[%dma_start3A_287, %dma_start3A_288, %dma_start3A_289, %dma_start3A_290] : memref<2x8x8x256xf32, #tpu.memory_space<vmem>> -> memref<1x8x8x256xf32, #tpu.memory_space<vmem>>
      %dma_start3A_292 = tpu.memref_squeeze %dma_start3A_291 : memref<1x8x8x256xf32, #tpu.memory_space<vmem>> -> memref<8x8x256xf32, #tpu.memory_space<vmem>>
      %dma_start3A_293 = arith.constant 256 : i32
      %dma_start3A_294 = tpu.memref_slice %arg4[%mul3A_18, %add3A_286, %dma_start3A_293] : memref<128x512x512xf32, #tpu.memory_space<hbm>> -> memref<8x8x256xf32, #tpu.memory_space<hbm>>
      %dma_start3A_295 = arith.constant 256 : i32
      %dma_start3A_296 = tpu.memref_slice %arg4[%mul3A_18, %add3A_286, %dma_start3A_295] : memref<128x512x512xf32, #tpu.memory_space<hbm>> -> memref<8x8x256xf32, #tpu.memory_space<hbm>>
      %dma_start3A_297 = arith.constant 0 : i32
      %dma_start3A_298 = arith.constant 0 : i32
      %dma_start3A_299 = arith.constant 0 : i32
      %dma_start3A_300 = tpu.memref_slice %arg7[%dma_start3A_287, %dma_start3A_297, %dma_start3A_298, %dma_start3A_299] : memref<2x8x8x256xf32, #tpu.memory_space<vmem>> -> memref<1x8x8x256xf32, #tpu.memory_space<vmem>>
      %dma_start3A_301 = tpu.memref_squeeze %dma_start3A_300 : memref<1x8x8x256xf32, #tpu.memory_space<vmem>> -> memref<8x8x256xf32, #tpu.memory_space<vmem>>
      tpu.enqueue_dma source(%dma_start3A_301 : memref<8x8x256xf32, #tpu.memory_space<vmem>>) target(%dma_start3A_296 : memref<8x8x256xf32, #tpu.memory_space<hbm>>) target_semaphore(%arg11 : memref<!tpu.dma_semaphore, #tpu.memory_space<semaphore_mem>>)
      %add3A_302 = arith.constant 2 : i32
      %add3A_303 = arith.addi %add3A_201, %add3A_302 : i32
      %lt3A_304 = arith.constant 32 : i32
      %lt3A_305 = arith.cmpi slt, %add3A_303, %lt3A_304 : i32
      %convert_element_type3A_306 = arith.extui %lt3A_305 : i1 to i32
      %cond3A_307 = arith.constant 0 : i32
      %cond3A_308 = arith.cmpi ne, %convert_element_type3A_306, %cond3A_307 : i32
      scf.if %cond3A_308 {
        %add3A_309 = arith.constant 2 : i32
        %add3A_310 = arith.addi %add3A_201, %add3A_309 : i32
        %mul3A_311 = arith.constant 2 : i32
        %mul3A_312 = arith.muli %add3A_310, %mul3A_311 : i32
        %mul3A_313 = arith.constant 4 : i32
        %mul3A_314 = arith.muli %mul3A_312, %mul3A_313 : i32
        %add3A_315 = arith.addi %mul3A_52, %mul3A_314 : i32
        %dma_start3A_316 = arith.constant 1 : i32
        %dma_start3A_317 = arith.constant 0 : i32
        %dma_start3A_318 = arith.constant 0 : i32
        %dma_start3A_319 = tpu.memref_slice %arg6[%dma_start3A_316, %dma_start3A_317, %dma_start3A_318] : memref<2x8x512xi32, #tpu.memory_space<vmem>> -> memref<1x8x512xi32, #tpu.memory_space<vmem>>
        %dma_start3A_320 = tpu.memref_squeeze %dma_start3A_319 : memref<1x8x512xi32, #tpu.memory_space<vmem>> -> memref<8x512xi32, #tpu.memory_space<vmem>>
        %dma_start3A_321 = arith.constant 0 : i32
        %dma_start3A_322 = tpu.memref_slice %arg3[%add3A_315, %dma_start3A_321] : memref<512x512xi32, #tpu.memory_space<hbm>> -> memref<8x512xi32, #tpu.memory_space<hbm>>
        %dma_start3A_323 = arith.constant 0 : i32
        %dma_start3A_324 = arith.constant 0 : i32
        %dma_start3A_325 = tpu.memref_slice %arg6[%dma_start3A_316, %dma_start3A_323, %dma_start3A_324] : memref<2x8x512xi32, #tpu.memory_space<vmem>> -> memref<1x8x512xi32, #tpu.memory_space<vmem>>
        %dma_start3A_326 = tpu.memref_squeeze %dma_start3A_325 : memref<1x8x512xi32, #tpu.memory_space<vmem>> -> memref<8x512xi32, #tpu.memory_space<vmem>>
        %dma_start3A_327 = arith.constant 0 : i32
        %dma_start3A_328 = tpu.memref_slice %arg3[%add3A_315, %dma_start3A_327] : memref<512x512xi32, #tpu.memory_space<hbm>> -> memref<8x512xi32, #tpu.memory_space<hbm>>
        tpu.enqueue_dma source(%dma_start3A_328 : memref<8x512xi32, #tpu.memory_space<hbm>>) target(%dma_start3A_326 : memref<8x512xi32, #tpu.memory_space<vmem>>) target_semaphore(%arg9 : memref<!tpu.dma_semaphore, #tpu.memory_space<semaphore_mem>>)
      } else {
      }
    }
    %scan3A_86 = arith.constant 16 : i32
    %add3A_87 = arith.constant 248 : i32
    %add3A_88 = arith.addi %mul3A_52, %add3A_87 : i32
    %dma_wait3A = arith.constant 0 : i32
    %dma_wait3A_89 = arith.constant 0 : i32
    %dma_wait3A_90 = arith.constant 0 : i32
    %dma_wait3A_91 = arith.constant 0 : i32
    %dma_wait3A_92 = tpu.memref_slice %arg7[%dma_wait3A, %dma_wait3A_89, %dma_wait3A_90, %dma_wait3A_91] : memref<2x8x8x256xf32, #tpu.memory_space<vmem>> -> memref<1x8x8x256xf32, #tpu.memory_space<vmem>>
    %dma_wait3A_93 = tpu.memref_squeeze %dma_wait3A_92 : memref<1x8x8x256xf32, #tpu.memory_space<vmem>> -> memref<8x8x256xf32, #tpu.memory_space<vmem>>
    %dma_wait3A_94 = arith.constant 0 : i32
    %dma_wait3A_95 = tpu.memref_slice %arg4[%mul3A_18, %add3A_88, %dma_wait3A_94] : memref<128x512x512xf32, #tpu.memory_space<hbm>> -> memref<8x8x256xf32, #tpu.memory_space<hbm>>
    %dma_wait3A_96 = arith.constant 0 : i32
    %dma_wait3A_97 = tpu.memref_slice %arg4[%mul3A_18, %add3A_88, %dma_wait3A_96] : memref<128x512x512xf32, #tpu.memory_space<hbm>> -> memref<8x8x256xf32, #tpu.memory_space<hbm>>
    %dma_wait3A_98 = arith.constant 0 : i32
    %dma_wait3A_99 = arith.constant 0 : i32
    %dma_wait3A_100 = arith.constant 0 : i32
    %dma_wait3A_101 = tpu.memref_slice %arg7[%dma_wait3A, %dma_wait3A_98, %dma_wait3A_99, %dma_wait3A_100] : memref<2x8x8x256xf32, #tpu.memory_space<vmem>> -> memref<1x8x8x256xf32, #tpu.memory_space<vmem>>
    %dma_wait3A_102 = tpu.memref_squeeze %dma_wait3A_101 : memref<1x8x8x256xf32, #tpu.memory_space<vmem>> -> memref<8x8x256xf32, #tpu.memory_space<vmem>>
    tpu.wait_dma2 semaphore(%arg10 : memref<!tpu.dma_semaphore, #tpu.memory_space<semaphore_mem>>) src(%dma_wait3A_102 : memref<8x8x256xf32, #tpu.memory_space<vmem>>) dst(%dma_wait3A_97 : memref<8x8x256xf32, #tpu.memory_space<hbm>>)
    %add3A_103 = arith.constant 248 : i32
    %add3A_104 = arith.addi %mul3A_52, %add3A_103 : i32
    %dma_wait3A_105 = arith.constant 1 : i32
    %dma_wait3A_106 = arith.constant 0 : i32
    %dma_wait3A_107 = arith.constant 0 : i32
    %dma_wait3A_108 = arith.constant 0 : i32
    %dma_wait3A_109 = tpu.memref_slice %arg7[%dma_wait3A_105, %dma_wait3A_106, %dma_wait3A_107, %dma_wait3A_108] : memref<2x8x8x256xf32, #tpu.memory_space<vmem>> -> memref<1x8x8x256xf32, #tpu.memory_space<vmem>>
    %dma_wait3A_110 = tpu.memref_squeeze %dma_wait3A_109 : memref<1x8x8x256xf32, #tpu.memory_space<vmem>> -> memref<8x8x256xf32, #tpu.memory_space<vmem>>
    %dma_wait3A_111 = arith.constant 256 : i32
    %dma_wait3A_112 = tpu.memref_slice %arg4[%mul3A_18, %add3A_104, %dma_wait3A_111] : memref<128x512x512xf32, #tpu.memory_space<hbm>> -> memref<8x8x256xf32, #tpu.memory_space<hbm>>
    %dma_wait3A_113 = arith.constant 256 : i32
    %dma_wait3A_114 = tpu.memref_slice %arg4[%mul3A_18, %add3A_104, %dma_wait3A_113] : memref<128x512x512xf32, #tpu.memory_space<hbm>> -> memref<8x8x256xf32, #tpu.memory_space<hbm>>
    %dma_wait3A_115 = arith.constant 0 : i32
    %dma_wait3A_116 = arith.constant 0 : i32
    %dma_wait3A_117 = arith.constant 0 : i32
    %dma_wait3A_118 = tpu.memref_slice %arg7[%dma_wait3A_105, %dma_wait3A_115, %dma_wait3A_116, %dma_wait3A_117] : memref<2x8x8x256xf32, #tpu.memory_space<vmem>> -> memref<1x8x8x256xf32, #tpu.memory_space<vmem>>
    %dma_wait3A_119 = tpu.memref_squeeze %dma_wait3A_118 : memref<1x8x8x256xf32, #tpu.memory_space<vmem>> -> memref<8x8x256xf32, #tpu.memory_space<vmem>>
    tpu.wait_dma2 semaphore(%arg11 : memref<!tpu.dma_semaphore, #tpu.memory_space<semaphore_mem>>) src(%dma_wait3A_119 : memref<8x8x256xf32, #tpu.memory_space<vmem>>) dst(%dma_wait3A_114 : memref<8x8x256xf32, #tpu.memory_space<hbm>>)
    return
  }
}

module attributes {stable_mosaic.version = 14 : i64} {
  func.func @_transpose_body(%arg0: memref<10000x128xf32, #tpu.memory_space<vmem>>, %arg1: memref<128x10240xf32, #tpu.memory_space<vmem>>) attributes {dimension_semantics = [], scalar_prefetch = 0 : i64, scratch_operands = 0 : i64, tpu.core_type = #tpu.core_type<tc>} {
    %get3A = arith.constant 0 : index
    %get3A_0 = arith.constant 0 : index
    %get3A_1 = vector.load %arg0[%get3A, %get3A_0] : memref<10000x128xf32, #tpu.memory_space<vmem>>, vector<10000x128xf32>
    %jit3A = arith.constant 0 : i32
    %convert_element_type3A = arith.sitofp %jit3A : i32 to f32
    %pad3A = vector.broadcast %convert_element_type3A : f32 to vector<240x128xf32>
    %pad3A_2 = tpu.concatenate %get3A_1, %pad3A in 0 : vector<10000x128xf32>, vector<240x128xf32> -> vector<10240x128xf32>
    %transpose3A = tpu.transpose %pad3A_2, [1, 0] : vector<10240x128xf32> -> vector<128x10240xf32>
    %swap3A = arith.constant 0 : index
    %swap3A_3 = arith.constant 0 : index
    %swap3A_4 = vector.load %arg1[%swap3A, %swap3A_3] : memref<128x10240xf32, #tpu.memory_space<vmem>>, vector<128x10240xf32>
    tpu.vector_store %arg1[%swap3A, %swap3A_3], %transpose3A {strides = array<i32>} : memref<128x10240xf32, #tpu.memory_space<vmem>>, vector<128x10240xf32>,
    return
  }
}

</mosaic_0001>

<sc_bundles>
// kernel: kernel.4.cloned.1.call-start
scs
__scs_entry_jumppad:
0x0: {  	(pc) =	sbr.rel $0x88, $3  }
0x1: {  	(tag) =	ssettag $0x0;
	lr =	simm.s32 $0x1  }
0x2: {  	[smem:$0x3F9F] =	sst lr;
	_ =	strace $0xD0000000  }
0x3: {  	_ = 	snop  }
0x4: {  	_ = 	snop  }
0x5: {  	_ = 	snop  }
0x6: {  	_ = 	snop  }
0x7: {  	_ = 	snop  }
__scs_overlays_trampoline_lowered:
0x8: {  	[smem:$0x3FAE] =	sst s0  }
0x9: {  	[smem:$0x3FAF] =	sst s1  }
0xa: {  	[smem:$0x3FB0] =	sst s2  }
0xb: {  	[smem:$0x3FB1] =	sst s3  }
0xc: {  	[smem:$0x3FB2] =	sst s4  }
0xd: {  	[smem:$0x3FB3] =	sst s5  }
0xe: {  	[smem:$0x3FB4] =	sst s6  }
0xf: {  	[smem:$0x3FB5] =	sst s7  }
0x10: {  	[smem:$0x3FB6] =	sst s8  }
0x11: {  	[smem:$0x3FB7] =	sst s9;
	s0 =	simm.s32 @!p0 $0x0  }
0x12: {  	s1 =	sld [smem:$0x3F9D];
	s0 =	simm.s32 @p0 $0x1  }
0x13: {  	[smem:$0x3FB8] =	sst s0;
	s0 =	simm.s32 @!p1 $0x0  }
0x14: {  	s2 =	sld [smem:$0x3F9C];
	s0 =	simm.s32 @p1 $0x1  }
0x15: {  	[smem:$0x3FB9] =	sst s0;
	s0 =	simm.s32 @!p2 $0x0  }
0x16: {  	s3 =	sld [smem:$0x3FDB];
	s0 =	simm.s32 @p2 $0x1  }
0x17: {  	s4 =	simm.s32 $0x1BF5;
	[smem:$0x3FBB] =	sst s0  }
0x18: {  	s0 =	sld [smem:$0x3F9E];
	_ =	swait.ge [sflag:s4], $0x0  }
0x19: {  	s7 =	sld [smem:$0x3F9F]  }
0x1a: {  	s8 =	sadd.s32 $0xFFFFE003, lr  }
0x1b: {  	s9 =	sadd.s32 $0xFFFFFEF7, lr;
	s5 =	simm.s32 $0xFFFFFFFF;
	p2 =	slt.u32 s8, $0xFFFFF086  }
0x1c: {  	p1 =	slt.u32 s9, $0xF7A;
	s5 =	simm.s32 @!p2 $0x0  }
0x1d: {  	s5 =	simm.s32 @p1 $0x1;
	p0 =	seq.s32 s7, s2  }
0x1e: {  	s7 =	smul.u32 @!p0 $0xF7A, s2;
	p2 =	seq.s32 @!p0 s5, $0x0  }
0x1f: {  	s9 =	smul.u32 $0xF7A, s1;
	s8 =	simm.s32 @!p0 $0x1BF5;
	p2 =	por !p2, p0  }
0x20: {  	[sflag:s8] =	ssyncset.s32 @!p0 $0xFFFFF086;
	s6 =	sadd.s32 @!p0 s3, s7;
	s7 =	simm.s32 @!p0 $0x108  }
0x21: {  	s3 =	sadd.s32 s3, s9;
	s6 =	sadd.s32 @!p0 $0x88, s6;
	s7 =	simm.s32 @p2 $0x1082  }
0x22: {  	[simem:s7], [sflag:s8] =	dma.local @!p0 [hbm:s6], $0xF7A  }
0x23: {  	s9 =	sor.u32 $0xD0000000, s2;
	s6 =	simm.s32 $0x108;
	_ =	swait.ge @!p0 [sflag:s8], $0x0  }
0x24: {  	s3 =	sadd.s32 $0x88, s3;
	s6 =	simm.s32 @!p1 $0x1082;
	[sflag:s4] =	ssyncset.s32 $0xFFFFF086  }
0x25: {  	[simem:s6], [sflag:s4] =	dma.local [hbm:s3], $0xF7A  }
0x26: {  	[smem:$0x3F9F] =	sst s1;
	(tag) =	ssettag s2;
	_ =	strace s9  }
0x27: {  	s1 =	sld [smem:$0x3FAF]  }
0x28: {  	s2 =	sld [smem:$0x3FB0]  }
0x29: {  	s4 =	sld [smem:$0x3FB2]  }
0x2a: {  	p0 =	seq.s32 s5, $0x0;
	s5 =	sld [smem:$0x3FB3]  }
0x2b: {  	s6 =	sld [smem:$0x3FB4]  }
0x2c: {  	s7 =	sld [smem:$0x3FB5]  }
0x2d: {  	s3 =	simm.s32 $0x108;
	s8 =	sld [smem:$0x3FB6]  }
0x2e: {  	s3 =	simm.s32 @!p0 $0x1082;
	s9 =	sld [smem:$0x3FB7]  }
0x2f: {  	lr =	sadd.s32 s0, s3;
	s0 =	sld [smem:$0x3FAE]  }
0x30: {  	s3 =	sld [smem:$0x3FB1]  }
0x31: {  	[smem:$0x3FBA] =	sst s10  }
0x32: {  	s10 =	sld [smem:$0x3FB8];
	_ =	sdelay $0x3  }
0x33: {  	p0 =	seq.s32 s10, $0x1;
	s10 =	sld [smem:$0x3FBA];
	_ =	sdelay $0x3  }
0x34: {  	[smem:$0x3FBA] =	sst s10  }
0x35: {  	s10 =	sld [smem:$0x3FB9];
	_ =	sdelay $0x3  }
0x36: {  	p1 =	seq.s32 s10, $0x1;
	s10 =	sld [smem:$0x3FBA];
	_ =	sdelay $0x3  }
0x37: {  	[smem:$0x3FBA] =	sst s10  }
0x38: {  	s10 =	sld [smem:$0x3FBB]  }
0x39: {  	_ = 	snop;
	(pc) =	sbr.ind lr, $3  }
0x3a: {  	_ = 	snop  }
0x3b: {  	_ = 	snop  }
0x3c: {  	p2 =	seq.s32 s10, $0x1;
	s10 =	sld [smem:$0x3FBA]  }
0x3d: {  	_ =	shalt  }
0x3e: {  	_ =	shalt  }
0x3f: {  	_ =	shalt  }
0x40: {  	_ =	shalt  }
0x41: {  	_ =	shalt  }
0x42: {  	_ =	shalt  }
0x43: {  	_ =	shalt  }
0x44: {  	_ =	shalt  }
0x45: {  	_ =	shalt  }
0x46: {  	_ =	shalt  }
0x47: {  	_ =	shalt  }
0x48: {  	_ =	shalt  }
0x49: {  	_ =	shalt  }
0x4a: {  	_ =	shalt  }
0x4b: {  	_ =	shalt  }
0x4c: {  	_ =	shalt  }
0x4d: {  	_ =	shalt  }
0x4e: {  	_ =	shalt  }
0x4f: {  	_ =	shalt  }
0x50: {  	_ =	shalt  }
0x51: {  	_ =	shalt  }
0x52: {  	_ =	shalt  }
0x53: {  	_ =	shalt  }
0x54: {  	_ =	shalt  }
0x55: {  	_ =	shalt  }
0x56: {  	_ =	shalt  }
0x57: {  	_ =	shalt  }
0x58: {  	_ =	shalt  }
0x59: {  	_ =	shalt  }
0x5a: {  	_ =	shalt  }
0x5b: {  	_ =	shalt  }
0x5c: {  	_ =	shalt  }
0x5d: {  	_ =	shalt  }
0x5e: {  	_ =	shalt  }
0x5f: {  	_ =	shalt  }
0x60: {  	_ =	shalt  }
0x61: {  	_ =	shalt  }
0x62: {  	_ =	shalt  }
0x63: {  	_ =	shalt  }
0x64: {  	_ =	shalt  }
0x65: {  	_ =	shalt  }
0x66: {  	_ =	shalt  }
0x67: {  	_ =	shalt  }
0x68: {  	_ =	shalt  }
0x69: {  	_ =	shalt  }
0x6a: {  	_ =	shalt  }
0x6b: {  	_ =	shalt  }
0x6c: {  	_ =	shalt  }
0x6d: {  	_ =	shalt  }
0x6e: {  	_ =	shalt  }
0x6f: {  	_ =	shalt  }
0x70: {  	_ =	shalt  }
0x71: {  	_ =	shalt  }
0x72: {  	_ =	shalt  }
0x73: {  	_ =	shalt  }
0x74: {  	_ =	shalt  }
0x75: {  	_ =	shalt  }
0x76: {  	_ =	shalt  }
0x77: {  	_ =	shalt  }
0x78: {  	_ =	shalt  }
0x79: {  	_ =	shalt  }
0x7a: {  	_ =	shalt  }
0x7b: {  	_ =	shalt  }
0x7c: {  	_ =	shalt  }
0x7d: {  	_ =	shalt  }
0x7e: {  	_ =	shalt  }
0x7f: {  	_ =	shalt  }
0x80: {  	_ =	shalt  }
0x81: {  	_ =	shalt  }
0x82: {  	_ =	shalt  }
0x83: {  	_ =	shalt  }
0x84: {  	_ =	shalt  }
0x85: {  	_ =	shalt  }
0x86: {  	_ =	shalt  }
0x87: {  	_ =	shalt  }
.Lfunc_end0:
.L_simem_size_0:
called_computation_lowered:
.L_overlay_start_0:
0x88: {  	s2 =	sld [smem:$0x3FD9]  }
0x89: {  	s3 =	sld [smem:$0x3FFE];
	_ =	sdelay $0x1  }
0x8a: {  	s1 =	srdreg.scid  }
0x8b: {  	s0 =	sand.u32 $0x1, s1  }
0x8c: {  	s17 =	sshll.u32 s0, $0xA;
	s2 =	sadd.s32 s3, s2  }
0x8d: {  	s2 =	sadd.s32 s2, s17  }
0x8e: {  	[smem:$0x3FC6] =	sst s2  }
0x8f: {  	_ = 	snop  }
0x90: {  	s2 =	sld [smem:$0x3FC8]  }
0x91: {  	s18 =	sld [smem:$0x3FD0];
	(tm) =	ssettm $0x1  }
0x92: {  	s4 =	sld [smem:$0x3FFB];
	_ =	sdelay $0x3  }
0x93: {  	_ =	strace s4  }
0x94: {  	s4 =	sld [smem:$0x3FFC];
	_ =	sdelay $0x3  }
0x95: {  	_ =	strace s4  }
0x96: {  	s4 =	sld [smem:$0x3FFD];
	_ =	sdelay $0x3  }
0x97: {  	_ =	strace s4  }
0x98: {  	_ =	strace $0x8FFFFFFF  }
0x99: {  	s19 =	sld [smem:$0x3FDB];
	_ =	sdelay $0x1  }
0x9a: {  	s5 =	simm.s32 $_scs_section_size  }
0x9b: {  	s6 =	simm.s32 $_size__tile_overlayer_lowered;
	s7 =	simm.s32 $_tile_overlayer_lowered  }
0x9c: {  	s22 =	simm.s32 $0x1BFF;
	s21 =	sshll.u32 s7, $0x1;
	s4 =	sadd.s32 s5, s19  }
0x9d: {  	s8 =	simm.s32 $0x0;
	s20 =	sshll.u32 s6, $0x1;
	s6 =	sadd.s32 s21, s4  }
0x9e: {  	[timem:s8], [sflag:s22] =	dma.local [hbm:s6], s20  }
0x9f: {  	_ =	swait.ge [sflag:s22], s20  }
0xa0: {  	s5 =	ssub.s32 $0x0, s20;
	[sflag:s22] =	ssyncset.done $0x0  }
0xa1: {  	[sflag:s22] =	ssyncadd.s32 s5;
	_ =	sdelay $0x1  }
0xa2: {  	s23 =	simm.s32 $0x1B8B  }
0xa3: {  	_ =	swait.ge [sflag:s23], $0x1  }
0xa4: {  	[sflag:s23] =	ssyncset.done $0x0  }
0xa5: {  	s25 =	simm.s32 $0x1B8E;
	s24 =	sld [smem:$0x3FFE];
	[sflag:s23] =	ssyncadd.s32 $0xFFFFFFFF  }
0xa6: {  	s26 =	simm.s32 $execute0_lowered;
	[smem:$0x3FD2] =	sst s25  }
0xa7: {  	s6 =	sshll.u32 s26, $0x1;
	_ =	strace $0x80000046;
	[dreg:$0x1] =	wrdreg $0xFFFFFFFF  }
0xa8: {  	s28 =	simm.s32 $_size_execute0_lowered;
	s4 =	sadd.s32 s4, s6;
	[dreg:$0x0] =	wrdreg $0x0  }
0xa9: {  	s6 =	sshll.u32 s28, $0x1;
	[dreg:$0x2] =	wrdreg s4  }
0xaa: {  	[dreg:$0x3] =	wrdreg s6  }
0xab: {  	[dreg:$0x4] =	wrdreg $0xC0  }
0xac: {  	_ =	task [dreg:s8], $0x5FFFF  }
0xad: {  	[dreg:$0x1] =	wrdreg $0xFFFFFFFF  }
0xae: {  	[dreg:$0x0] =	wrdreg $0x60  }
0xaf: {  	[dreg:$0x2] =	wrdreg s24  }
0xb0: {  	[dreg:$0x3] =	wrdreg s2  }
0xb1: {  	[dreg:$0x4] =	wrdreg s18  }
0xb2: {  	[dreg:$0x5] =	wrdreg $0x9  }
0xb3: {  	_ =	task.clear_ibuf [dreg:s8], $0x6FFFF;
	_ =	strace $0x90000046  }
0xb4: {  	s29 =	simm.s32 $0x9;
	_ =	strace $0x80000048  }
0xb5: {  	_ =	swait.ge [sflag:s29], $0x1  }
0xb6: {  	[sflag:s29] =	ssyncadd.s32 $0xFFFFFFFF  }
0xb7: {  	_ =	strace $0x90000048  }
0xb8: {  	_ =	sfence  }
0xb9: {  	s30 =	sld [smem:$0x0];
	_ =	sdelay $0x2  }
0xba: {  	s31 =	sshll.u32 s1, $0xD;
	s1 =	sshrl.u32 s1, $0x2  }
0xbb: {  	s3 =	sand.u32 $0x4000, s31;
	s1 =	sadd.s32 s1, s30  }
0xbc: {  	s0 =	sor.u32 s3, s0;
	s1 =	sshll.u32 s1, $0x11  }
0xbd: {  	s0 =	sor.u32 s1, s0  }
0xbe: {  	s0 =	sadd.s32 $0x8F2B, s0  }
0xbf: {  	[sflag:s0] =	ssyncadd.remote.s32 $0x1  }
0xc0: {  	_ =	sfence.sel $0xFFFF  }
0xc1: {  	[dreg:$0x0] =	wrdreg $0xFFFFFFFF;
	(pc) =	sbr.abs _section_cstart, $3  }
0xc2: {  	[dreg:$0x1] =	wrdreg $0xFFFFFFFF  }
0xc3: {  	_ =	task.clear_ibuf [dreg:s8], $0x2FFFF;
	_ =	strace $0x9FFFFFFF  }
0xc4: {  	(tm) =	ssettm $0x7FFFFFFF  }
0xc5: {  	_ =	shalt  }
tec
execute0_lowered:
.L_overlay_start_1:
0x0: {  	(tag) =	ssettag $0x1  }
0x1: {  	s0 =	srdreg.scid;
	s5 =	rddreg [dreg:$0x0]  }
0x2: {  	s6 =	stileid.u32;
	s28 =	rddreg [dreg:$0x1]  }
0x3: {  	s2 =	rddreg [dreg:$0x2];
	s4 =	simm.s32 $0x1;
	s3 =	simm.s32 $0x0  }
0x4: {  	s15 =	simm.s32 $0x15000;
	s16 =	simm.s32 $0x5;
	s17 =	simm.s32 $0x800  }
0x5: {  	s18 =	simm.s32 $0x40000;
	s19 =	simm.s32 $0x16000;
	s0 =	sand.u32 $0x1, s0  }
0x6: {  	s20 =	simm.s32 $0x1A000;
	s21 =	simm.s32 $0x2;
	s1 =	sor.u32 s0, s6  }
0x7: {  	s22 =	simm.s32 $0x3;
	p1 =	seq.s32 s0, $0x1;
	p0 =	seq.s32 s1, $0x0  }
0x8: {  	s23 =	simm.s32 $0x4;
	s24 =	simm.s32 $0x0;
	p0 =	por !p0, !p1  }
0x9: {  	[smem:$0x7FF] =	sst s3;
	s8 =	ssub.s32 $0x2, s0;
	p0 =	por !p0, !p0  }
0xa: {  	_ =	strace $0x80000047;
	s9 =	sshrl.u32 s8, $0x1;
	s4 =	simm.s32 @!p0 $0x0  }
0xb: {  	s10 =	sshll.u32 s0, $0xE;
	s13 =	ssub.s32 s8, s9;
	s6 =	ssub.s32 s6, s4  }
0xc: {  	s0 =	sshll.u32 s0, $0x11;
	s31 =	smax.u32 s13, $0x1;
	s7 =	smul.u32 $0x2800, s6  }
.Ltmp0:
0xd: {  	s9 =	sadd.s32 $0x100, s2;
	[dreg:$0x6] =	wrdreg s31;
	(pc) =	sbr.rel .LBB2_1-.Ltmp0, $4  }
0xe: {  	s29 =	sshll.u32 s6, $0x15;
	s7 =	sadd.s32 s7, s5;
	s5 =	sadd.s32 s28, s10  }
0xf: {  	s4 =	simm.s32 $0x1;
	s8 =	sor.u32 s29, s0;
	s1 =	sadd.s32 $0x200, s5  }
0x10: {  	s11 =	sor.u32 $0x1000, s8;
	s30 =	sadd.s32 $0x800, s7;
	[dreg:$0x4] =	wrdreg s1  }
0x11: {  	s10 =	sadd.s32 $0x400, s5;
	s12 =	sadd.s32 $0x600, s5;
	[dreg:$0x5] =	wrdreg s30  }
.LBB2_12:
0x12: {  	_ =	swait.ge [sflag:s22], $0x4000  }
0x13: {  	[sflag:s22] =	ssyncset.done $0x0  }
0x14: {  	[sflag:s22] =	ssyncadd.s32 $0xFFFFC000  }
0x15: {  	_ =	swait.ge [sflag:s23], $0x4000  }
0x16: {  	s24 =	sadd.s32 $0x1, s24;
	s0 =	rddreg [dreg:$0x6]  }
0x17: {  	p0 =	sne.s32 s24, s0  }
.Ltmp1:
0x18: {  	_ = 	snop;
	(pc) =	sbr.rel @!p0 .LBB2_13-.Ltmp1, $3  }
0x19: {  	_ =	sdelay $0x1  }
0x1a: {  	[sflag:s23] =	ssyncset.done $0x0  }
0x1b: {  	[sflag:s23] =	ssyncadd.s32 $0xFFFFC000  }
.LBB2_1:
0x1c: {  	s0 =	simm.s32 $0x14000  }
0x1d: {  	[tilespmem:s0], [sflag:$0x1] =	stream.linear.gather [hbm4b:s5+s3], $0x1000, $0x38;
	[tilespmem:$0x1E000] =	vst v63  }
0x1e: {  	s30 =	rddreg [dreg:$0x4]  }
0x1f: {  	[tilespmem:s15], [sflag:$0x2] =	stream.linear.gather [hbm4b:s30+s3], $0x1000, $0x38;
	[tilespmem:$0x1E000] =	vst v63  }
0x20: {  	s31 =	rddreg [dreg:$0x5]  }
0x21: {  	[tilespmem:s3], [sflag:$0x5] =	stream.linear.gather [hbm4b:s31+s3], $0x14000, $0x38;
	[tilespmem:$0x1E000] =	vst v63  }
0x22: {  	_ =	swait.ge [sflag:s16], $0x14000  }
0x23: {  	[sflag:s16] =	ssyncset.done $0x0  }
0x24: {  	s25 =	simm.s32 $0x0;
	[sflag:s16] =	ssyncadd.s32 $0xFFFEC000  }
.LBB2_2:
0x25: {  	_ =	swait.ge [sflag:s4], $0x1000  }
0x26: {  	p0 =	seq.s32 s25, $0x0;
	[sflag:s4] =	ssyncset.done $0x0  }
0x27: {  	s0 =	simm.s32 @!p0 $0x3;
	[sflag:s4] =	ssyncadd.s32 $0xFFFFF000  }
0x28: {  	s1 =	simm.s32 $0x0;
	_ =	swait.ge @!p0 [sflag:s0], $0x4000  }
0x29: {  	s6 =	sand.u32 $0x400, s1;
	s1 =	sand.u32 $0x380, s1;
	[sflag:s0] =	ssyncset.done @!p0 $0x0  }
0x2a: {  	s30 =	sor.u32 s1, s6;
	[sflag:s0] =	ssyncadd.s32 @!p0 $0xFFFFC000  }
0x2b: {  	v0 =	vld [tilespmem:s30+$0x14070]  }
0x2c: {  	v5 =	vld [tilespmem:s30+$0x14020]  }
0x2d: {  	v6 =	vld [tilespmem:s30+$0x14030]  }
0x2e: {  	v1 =	vld [tilespmem:s30+$0x14000]  }
0x2f: {  	v3 =	vld [tilespmem:s30+$0x14010];
	_ =	sdelay $0x1  }
0x30: {  	v7 =	vld [tilespmem:s30+$0x14040];
	v2 =	vshll.u32 v0, $0x3;
	v0 =	vand.u32 $0x7F, v0  }
0x31: {  	v9 =	vshll.u32 v5, $0x3;
	v12 =	vshll.u32 v6, $0x3;
	v2 =	vand.u32 $0xFFFFFC00, v2  }
0x32: {  	v5 =	vand.u32 $0x7F, v5;
	v9 =	vand.u32 $0xFFFFFC00, v9;
	v4 =	vor.u32 v0, v2  }
0x33: {  	v8 =	vld [tilespmem:s30+$0x14050];
	v0 =	vshll.u32 v1, $0x3;
	v2 =	vshll.u32 v3, $0x3;
	v1 =	vand.u32 $0x7F, v1  }
0x34: {  	v13 =	vld [tilespmem:s30+$0x14060];
	v3 =	vand.u32 $0x7F, v3;
	v0 =	vand.u32 $0xFFFFFC00, v0;
	v2 =	vand.u32 $0xFFFFFC00, v2  }
0x35: {  	v0 =	vor.u32 v1, v0;
	v1 =	vshll.u32 v7, $0x3;
	v2 =	vor.u32 v3, v2  }
0x36: {  	v3 =	vand.u32 $0x7F, v6;
	v6 =	vand.u32 $0xFFFFFC00, v1;
	v1 =	vor.u32 v5, v9  }
0x37: {  	v12 =	vand.u32 $0xFFFFFC00, v12;
	v11 =	vor.u32 $0x80, v4;
	v7 =	vand.u32 $0x7F, v7;
	v10 =	vld.idx.msk [tilespmem:v4+s3+$0x0], $0xffff  }
0x38: {  	v5 =	vshll.u32 v8, $0x3;
	v3 =	vor.u32 v3, v12;
	v8 =	vand.u32 $0x7F, v8  }
0x39: {  	v9 =	vshll.u32 v13, $0x3;
	v5 =	vand.u32 $0xFFFFFC00, v5;
	v6 =	vor.u32 v7, v6  }
0x3a: {  	v9 =	vand.u32 $0xFFFFFC00, v9;
	v12 =	vor.u32 v8, v5;
	v8 =	vand.u32 $0x7F, v13;
	v5 =	vld.idx.msk [tilespmem:v0+s3+$0x0], $0xffff  }
0x3b: {  	v13 =	vor.u32 v8, v9;
	v8 =	vld.idx.msk [tilespmem:v1+s3+$0x0], $0xffff  }
0x3c: {  	v9 =	vor.u32 $0x80, v0;
	[tilespmem:s30+$0x16070] =	vst v10;
	v10 =	vld.idx.msk [tilespmem:v2+s3+$0x0], $0xffff  }
0x3d: {  	v7 =	vld.idx.msk [tilespmem:v11+s3+$0x0], $0xffff  }
0x3e: {  	v17 =	vor.u32 $0x80, v1;
	v14 =	vld.idx.msk [tilespmem:v3+s3+$0x0], $0xffff  }
0x3f: {  	v16 =	vld.idx.msk [tilespmem:v6+s3+$0x0], $0xffff;
	v11 =	vor.u32 $0x100, v4;
	[tilespmem:s30+$0x16000] =	vst v5  }
0x40: {  	v15 =	vor.u32 $0x80, v2;
	v18 =	vld.idx.msk [tilespmem:v12+s3+$0x0], $0xffff;
	[tilespmem:s30+$0x16020] =	vst v8  }
0x41: {  	v19 =	vor.u32 $0x80, v12;
	v9 =	vld.idx.msk [tilespmem:v9+s3+$0x0], $0xffff;
	[tilespmem:s30+$0x16010] =	vst v10  }
0x42: {  	v10 =	vld.idx.msk [tilespmem:v13+s3+$0x0], $0xffff;
	[tilespmem:s30+$0x16870] =	vst v7;
	v7 =	vor.u32 $0x80, v3  }
0x43: {  	[tilespmem:s30+$0x16030] =	vst v14;
	v14 =	vor.u32 $0x80, v13;
	v17 =	vld.idx.msk [tilespmem:v17+s3+$0x0], $0xffff  }
0x44: {  	[tilespmem:s30+$0x16040] =	vst v16;
	v5 =	vld.idx.msk [tilespmem:v11+s3+$0x0], $0xffff;
	v11 =	vor.u32 $0x80, v6  }
0x45: {  	v8 =	vor.u32 $0x180, v4;
	[tilespmem:s30+$0x16050] =	vst v18;
	v15 =	vld.idx.msk [tilespmem:v15+s3+$0x0], $0xffff  }
0x46: {  	v16 =	vor.u32 $0x100, v0;
	[tilespmem:s30+$0x16800] =	vst v9;
	v9 =	vld.idx.msk [tilespmem:v19+s3+$0x0], $0xffff  }
0x47: {  	v18 =	vor.u32 $0x100, v2;
	[tilespmem:s30+$0x16060] =	vst v10;
	v7 =	vld.idx.msk [tilespmem:v7+s3+$0x0], $0xffff  }
0x48: {  	[tilespmem:s30+$0x16820] =	vst v17;
	v17 =	vor.u32 $0x100, v12;
	v14 =	vld.idx.msk [tilespmem:v14+s3+$0x0], $0xffff  }
0x49: {  	v11 =	vld.idx.msk [tilespmem:v11+s3+$0x0], $0xffff;
	[tilespmem:s30+$0x17070] =	vst v5;
	v5 =	vor.u32 $0x100, v1  }
0x4a: {  	v10 =	vor.u32 $0x100, v3;
	[tilespmem:s30+$0x16810] =	vst v15;
	v8 =	vld.idx.msk [tilespmem:v8+s3+$0x0], $0xffff  }
0x4b: {  	v19 =	vor.u32 $0x100, v6;
	v16 =	vld.idx.msk [tilespmem:v16+s3+$0x0], $0xffff;
	[tilespmem:s30+$0x16850] =	vst v9  }
0x4c: {  	v15 =	vor.u32 $0x200, v4;
	v18 =	vld.idx.msk [tilespmem:v18+s3+$0x0], $0xffff;
	[tilespmem:s30+$0x16830] =	vst v7  }
0x4d: {  	v7 =	vor.u32 $0x100, v13;
	[tilespmem:s30+$0x16860] =	vst v14;
	v14 =	vld.idx.msk [tilespmem:v17+s3+$0x0], $0xffff  }
0x4e: {  	v5 =	vld.idx.msk [tilespmem:v5+s3+$0x0], $0xffff;
	[tilespmem:s30+$0x16840] =	vst v11;
	v11 =	vor.u32 $0x180, v0  }
0x4f: {  	v10 =	vld.idx.msk [tilespmem:v10+s3+$0x0], $0xffff;
	[tilespmem:s30+$0x17870] =	vst v8;
	v8 =	vor.u32 $0x180, v2  }
0x50: {  	v17 =	vor.u32 $0x180, v3;
	v19 =	vld.idx.msk [tilespmem:v19+s3+$0x0], $0xffff  }
0x51: {  	[tilespmem:s30+$0x17000] =	vst v16;
	v9 =	vld.idx.msk [tilespmem:v15+s3+$0x0], $0xffff;
	v15 =	vor.u32 $0x180, v1  }
0x52: {  	[tilespmem:s30+$0x17010] =	vst v18;
	v18 =	vor.u32 $0x180, v6;
	v7 =	vld.idx.msk [tilespmem:v7+s3+$0x0], $0xffff  }
0x53: {  	v16 =	vor.u32 $0x280, v4;
	v11 =	vld.idx.msk [tilespmem:v11+s3+$0x0], $0xffff;
	[tilespmem:s30+$0x17020] =	vst v5  }
0x54: {  	v5 =	vor.u32 $0x180, v12;
	[tilespmem:s30+$0x17030] =	vst v10;
	v8 =	vld.idx.msk [tilespmem:v8+s3+$0x0], $0xffff  }
0x55: {  	v10 =	vor.u32 $0x180, v13;
	[tilespmem:s30+$0x17040] =	vst v19;
	v17 =	vld.idx.msk [tilespmem:v17+s3+$0x0], $0xffff  }
0x56: {  	v15 =	vld.idx.msk [tilespmem:v15+s3+$0x0], $0xffff;
	[tilespmem:s30+$0x18070] =	vst v9;
	v9 =	vor.u32 $0x200, v0  }
0x57: {  	[tilespmem:s30+$0x17050] =	vst v14;
	v19 =	vor.u32 $0x200, v2;
	v14 =	vld.idx.msk [tilespmem:v18+s3+$0x0], $0xffff  }
0x58: {  	v18 =	vor.u32 $0x200, v1;
	v16 =	vld.idx.msk [tilespmem:v16+s3+$0x0], $0xffff;
	[tilespmem:s30+$0x17060] =	vst v7  }
0x59: {  	v7 =	vor.u32 $0x300, v4;
	[tilespmem:s30+$0x17800] =	vst v11;
	v5 =	vld.idx.msk [tilespmem:v5+s3+$0x0], $0xffff  }
0x5a: {  	v11 =	vor.u32 $0x200, v3;
	[tilespmem:s30+$0x17810] =	vst v8;
	v8 =	vld.idx.msk [tilespmem:v10+s3+$0x0], $0xffff  }
0x5b: {  	v10 =	vor.u32 $0x200, v6;
	[tilespmem:s30+$0x17830] =	vst v17;
	v9 =	vld.idx.msk [tilespmem:v9+s3+$0x0], $0xffff  }
0x5c: {  	[tilespmem:s30+$0x17820] =	vst v15;
	v15 =	vor.u32 $0x200, v12;
	v19 =	vld.idx.msk [tilespmem:v19+s3+$0x0], $0xffff  }
0x5d: {  	[tilespmem:s30+$0x18870] =	vst v16;
	v16 =	vor.u32 $0x200, v13;
	v18 =	vld.idx.msk [tilespmem:v18+s3+$0x0], $0xffff  }
0x5e: {  	v17 =	vor.u32 $0x280, v0;
	[tilespmem:s30+$0x17840] =	vst v14;
	v7 =	vld.idx.msk [tilespmem:v7+s3+$0x0], $0xffff  }
0x5f: {  	v4 =	vor.u32 $0x380, v4;
	v11 =	vld.idx.msk [tilespmem:v11+s3+$0x0], $0xffff;
	[tilespmem:s30+$0x17850] =	vst v5  }
0x60: {  	v5 =	vor.u32 $0x280, v2;
	v10 =	vld.idx.msk [tilespmem:v10+s3+$0x0], $0xffff;
	[tilespmem:s30+$0x17860] =	vst v8  }
0x61: {  	v8 =	vor.u32 $0x280, v1;
	[tilespmem:s30+$0x18000] =	vst v9;
	v9 =	vld.idx.msk [tilespmem:v15+s3+$0x0], $0xffff  }
0x62: {  	v14 =	vor.u32 $0x280, v3;
	[tilespmem:s30+$0x18010] =	vst v19;
	v16 =	vld.idx.msk [tilespmem:v16+s3+$0x0], $0xffff  }
0x63: {  	v15 =	vor.u32 $0x280, v6;
	v17 =	vld.idx.msk [tilespmem:v17+s3+$0x0], $0xffff;
	[tilespmem:s30+$0x19070] =	vst v7  }
0x64: {  	[tilespmem:s30+$0x18020] =	vst v18;
	v7 =	vor.u32 $0x280, v12;
	v4 =	vld.idx.msk [tilespmem:v4+s3+$0x0], $0xffff  }
0x65: {  	v18 =	vor.u32 $0x280, v13;
	v19 =	vld.idx.msk [tilespmem:v5+s3+$0x0], $0xffff;
	[tilespmem:s30+$0x18030] =	vst v11  }
0x66: {  	v20 =	vor.u32 $0x300, v0;
	v21 =	vld.idx.msk [tilespmem:v8+s3+$0x0], $0xffff;
	[tilespmem:s30+$0x18040] =	vst v10  }
0x67: {  	v22 =	vor.u32 $0x300, v2;
	v23 =	vld.idx.msk [tilespmem:v14+s3+$0x0], $0xffff;
	[tilespmem:s30+$0x18050] =	vst v9  }
0x68: {  	v24 =	vor.u32 $0x300, v1;
	v15 =	vld.idx.msk [tilespmem:v15+s3+$0x0], $0xffff;
	[tilespmem:s30+$0x18060] =	vst v16  }
0x69: {  	v11 =	vor.u32 $0x300, v3;
	[tilespmem:s30+$0x18800] =	vst v17;
	v17 =	vld.idx.msk [tilespmem:v7+s3+$0x0], $0xffff  }
0x6a: {  	v10 =	vor.u32 $0x300, v6;
	v16 =	vld.idx.msk [tilespmem:v18+s3+$0x0], $0xffff;
	[tilespmem:s30+$0x19870] =	vst v4  }
0x6b: {  	v5 =	vor.u32 $0x380, v2;
	v3 =	vor.u32 $0x380, v3;
	v2 =	vor.u32 $0x380, v6;
	v14 =	vld.idx.msk [tilespmem:v20+s3+$0x0], $0xffff;
	[tilespmem:s30+$0x18810] =	vst v19  }
0x6c: {  	s26 =	sshll.u32 s25, $0xA;
	v8 =	vor.u32 $0x300, v12;
	v9 =	vor.u32 $0x300, v13;
	v7 =	vor.u32 $0x380, v0;
	v18 =	vld.idx.msk [tilespmem:v22+s3+$0x0], $0xffff;
	[tilespmem:s30+$0x18820] =	vst v21  }
0x6d: {  	s14 =	simm.s32 $0x40;
	s1 =	simm.s32 $0x0;
	s0 =	simm.s32 $0x400;
	v0 =	vor.u32 $0x380, v13;
	v4 =	vor.u32 $0x380, v1;
	v1 =	vor.u32 $0x380, v12;
	[tilespmem:s30+$0x18830] =	vst v23;
	v6 =	vld.idx.msk [tilespmem:v24+s3+$0x0], $0xffff  }
.LBB2_3:
0x6e: {  	s6 =	sand.u32 $0x400, s0;
	s7 =	sand.u32 $0x380, s14;
	s1 =	sadd.s32 $0x8, s1;
	v11 =	vld.idx.msk [tilespmem:v11+s3+$0x0], $0xffff;
	[tilespmem:s30+$0x18840] =	vst v15  }
0x6f: {  	s6 =	sor.u32 s7, s6;
	p1 =	slt.u32 s1, $0x78;
	v10 =	vld.idx.msk [tilespmem:v10+s3+$0x0], $0xffff;
	[tilespmem:s30+$0x18850] =	vst v17  }
0x70: {  	v12 =	vld [tilespmem:s6+$0x14070];
	[tilespmem:s30+$0x18860] =	vst v16  }
0x71: {  	v13 =	vld [tilespmem:s6+$0x14000];
	[tilespmem:s30+$0x19000] =	vst v14  }
0x72: {  	v14 =	vld [tilespmem:s6+$0x14010];
	[tilespmem:s30+$0x19010] =	vst v18  }
0x73: {  	v15 =	vld [tilespmem:s6+$0x14020];
	[tilespmem:s30+$0x19020] =	vst v6  }
0x74: {  	v16 =	vld [tilespmem:s6+$0x14030];
	[tilespmem:s30+$0x19030] =	vst v11  }
0x75: {  	v11 =	vld [tilespmem:s6+$0x14040];
	v6 =	vshll.u32 v12, $0x3;
	[tilespmem:s30+$0x19040] =	vst v10  }
0x76: {  	v12 =	vand.u32 $0x7F, v12;
	v10 =	vshll.u32 v13, $0x3;
	v17 =	vld [tilespmem:s6+$0x14050];
	v6 =	vand.u32 $0xFFFFFC00, v6  }
0x77: {  	v10 =	vand.u32 $0xFFFFFC00, v10;
	v18 =	vshll.u32 v14, $0x3;
	v19 =	vld [tilespmem:s6+$0x14060];
	v6 =	vor.u32 v12, v6  }
0x78: {  	v12 =	vand.u32 $0x7F, v13;
	v13 =	vand.u32 $0xFFFFFC00, v18;
	v18 =	vshll.u32 v15, $0x3;
	v8 =	vld.idx.msk [tilespmem:v8+s3+$0x0], $0xffff  }
0x79: {  	v14 =	vand.u32 $0x7F, v14;
	v18 =	vand.u32 $0xFFFFFC00, v18;
	v20 =	vshll.u32 v16, $0x3;
	v9 =	vld.idx.msk [tilespmem:v9+s3+$0x0], $0xffff  }
0x7a: {  	v15 =	vand.u32 $0x7F, v15;
	v20 =	vand.u32 $0xFFFFFC00, v20;
	v21 =	vshll.u32 v11, $0x3;
	v7 =	vld.idx.msk [tilespmem:v7+s3+$0x0], $0xffff  }
0x7b: {  	v16 =	vand.u32 $0x7F, v16;
	v21 =	vand.u32 $0xFFFFFC00, v21;
	v22 =	vshll.u32 v17, $0x3;
	v5 =	vld.idx.msk [tilespmem:v5+s3+$0x0], $0xffff  }
0x7c: {  	v11 =	vand.u32 $0x7F, v11;
	v22 =	vand.u32 $0xFFFFFC00, v22;
	v23 =	vshll.u32 v19, $0x3;
	v24 =	vld.idx.msk [tilespmem:v6+s3+$0x0], $0xffff  }
0x7d: {  	v17 =	vand.u32 $0x7F, v17;
	v19 =	vand.u32 $0x7F, v19;
	v23 =	vand.u32 $0xFFFFFC00, v23;
	v4 =	vld.idx.msk [tilespmem:v4+s3+$0x0], $0xffff  }
0x7e: {  	v25 =	vor.u32 v12, v10;
	v10 =	vor.u32 $0x80, v6;
	v26 =	vor.u32 v14, v13;
	v3 =	vld.idx.msk [tilespmem:v3+s3+$0x0], $0xffff;
	[tilespmem:s30+$0x19050] =	vst v8  }
0x7f: {  	v27 =	vor.u32 v15, v18;
	v28 =	vor.u32 v16, v20;
	v21 =	vor.u32 v11, v21;
	[tilespmem:s30+$0x19060] =	vst v9  }
0x80: {  	v22 =	vor.u32 v17, v22;
	v8 =	vor.u32 $0x80, v25;
	v23 =	vor.u32 v19, v23;
	[tilespmem:s30+$0x19800] =	vst v7;
	v2 =	vld.idx.msk [tilespmem:v2+s3+$0x0], $0xffff  }
0x81: {  	v29 =	vor.u32 $0x80, v28;
	v9 =	vor.u32 $0x80, v27;
	v7 =	vor.u32 $0x80, v26;
	[tilespmem:s30+$0x19810] =	vst v5;
	v1 =	vld.idx.msk [tilespmem:v1+s3+$0x0], $0xffff  }
0x82: {  	v30 =	vor.u32 $0x80, v21;
	v31 =	vor.u32 $0x80, v22;
	v32 =	vor.u32 $0x80, v23;
	[tilespmem:s6+$0x16070] =	vst v24;
	v0 =	vld.idx.msk [tilespmem:v0+s3+$0x0], $0xffff  }
0x83: {  	v33 =	vor.u32 $0x100, v26;
	v34 =	vor.u32 $0x100, v27;
	v24 =	vor.u32 $0x100, v25;
	v5 =	vld.idx.msk [tilespmem:v10+s3+$0x0], $0xffff;
	[tilespmem:s30+$0x19820] =	vst v4  }
0x84: {  	v35 =	vor.u32 $0x100, v28;
	v36 =	vor.u32 $0x100, v21;
	v37 =	vor.u32 $0x100, v22;
	v4 =	vld.idx.msk [tilespmem:v25+s3+$0x0], $0xffff;
	[tilespmem:s30+$0x19830] =	vst v3  }
0x85: {  	v38 =	vor.u32 $0x180, v25;
	v39 =	vor.u32 $0x100, v23;
	v10 =	vor.u32 $0x100, v6;
	v3 =	vld.idx.msk [tilespmem:v26+s3+$0x0], $0xffff  }
0x86: {  	v40 =	vor.u32 $0x180, v26;
	v41 =	vor.u32 $0x180, v27;
	v42 =	vor.u32 $0x180, v28;
	v11 =	vld.idx.msk [tilespmem:v27+s3+$0x0], $0xffff;
	[tilespmem:s30+$0x19840] =	vst v2  }
0x87: {  	v43 =	vor.u32 $0x180, v21;
	v44 =	vor.u32 $0x180, v22;
	v45 =	vor.u32 $0x180, v23;
	v2 =	vld.idx.msk [tilespmem:v28+s3+$0x0], $0xffff;
	[tilespmem:s30+$0x19850] =	vst v1  }
0x88: {  	v46 =	vor.u32 $0x200, v25;
	v47 =	vor.u32 $0x200, v26;
	v48 =	vor.u32 $0x200, v27;
	v1 =	vld.idx.msk [tilespmem:v21+s3+$0x0], $0xffff;
	[tilespmem:s30+$0x19860] =	vst v0;
	s30 =	smov.u32 s6  }
0x89: {  	v49 =	vor.u32 $0x200, v28;
	v50 =	vor.u32 $0x200, v21;
	v51 =	vor.u32 $0x200, v22;
	v0 =	vld.idx.msk [tilespmem:v22+s3+$0x0], $0xffff;
	[tilespmem:s30+$0x16870] =	vst v5  }
0x8a: {  	v52 =	vor.u32 $0x280, v25;
	v18 =	vor.u32 $0x280, v26;
	v53 =	vor.u32 $0x200, v23;
	[tilespmem:s30+$0x16000] =	vst v4;
	v54 =	vld.idx.msk [tilespmem:v10+s3+$0x0], $0xffff  }
0x8b: {  	v20 =	vor.u32 $0x280, v27;
	v15 =	vor.u32 $0x280, v21;
	v19 =	vor.u32 $0x280, v28;
	[tilespmem:s30+$0x16010] =	vst v3;
	v55 =	vld.idx.msk [tilespmem:v23+s3+$0x0], $0xffff  }
0x8c: {  	v57 =	vor.u32 $0x180, v6;
	v17 =	vor.u32 $0x280, v22;
	v16 =	vor.u32 $0x280, v23;
	v56 =	vld.idx.msk [tilespmem:v8+s3+$0x0], $0xffff;
	[tilespmem:s30+$0x16020] =	vst v11  }
0x8d: {  	v14 =	vor.u32 $0x300, v25;
	v13 =	vor.u32 $0x300, v26;
	v12 =	vor.u32 $0x300, v27;
	v58 =	vld.idx.msk [tilespmem:v7+s3+$0x0], $0xffff;
	[tilespmem:s30+$0x16030] =	vst v2  }
0x8e: {  	v10 =	vor.u32 $0x300, v21;
	v11 =	vor.u32 $0x300, v28;
	v8 =	vor.u32 $0x300, v22;
	v59 =	vld.idx.msk [tilespmem:v9+s3+$0x0], $0xffff;
	[tilespmem:s30+$0x16040] =	vst v1  }
0x8f: {  	v5 =	vor.u32 $0x380, v26;
	v7 =	vor.u32 $0x380, v25;
	v9 =	vor.u32 $0x300, v23;
	v25 =	vld.idx.msk [tilespmem:v29+s3+$0x0], $0xffff;
	[tilespmem:s30+$0x16050] =	vst v0  }
0x90: {  	v4 =	vor.u32 $0x380, v27;
	v3 =	vor.u32 $0x380, v28;
	v2 =	vor.u32 $0x380, v21;
	v26 =	vld.idx.msk [tilespmem:v30+s3+$0x0], $0xffff;
	[tilespmem:s30+$0x17070] =	vst v54  }
0x91: {  	v1 =	vor.u32 $0x380, v22;
	v0 =	vor.u32 $0x380, v23;
	[tilespmem:s30+$0x16060] =	vst v55;
	v21 =	vld.idx.msk [tilespmem:v57+s3+$0x0], $0xffff  }
0x92: {  	[tilespmem:s30+$0x16800] =	vst v56;
	v22 =	vld.idx.msk [tilespmem:v31+s3+$0x0], $0xffff  }
0x93: {  	v27 =	vor.u32 $0x200, v6;
	[tilespmem:s30+$0x16810] =	vst v58;
	v23 =	vld.idx.msk [tilespmem:v32+s3+$0x0], $0xffff  }
0x94: {  	v24 =	vld.idx.msk [tilespmem:v24+s3+$0x0], $0xffff;
	[tilespmem:s30+$0x16820] =	vst v59  }
0x95: {  	v28 =	vld.idx.msk [tilespmem:v33+s3+$0x0], $0xffff;
	[tilespmem:s30+$0x16830] =	vst v25  }
0x96: {  	v25 =	vld.idx.msk [tilespmem:v34+s3+$0x0], $0xffff;
	[tilespmem:s30+$0x16840] =	vst v26  }
0x97: {  	v26 =	vld.idx.msk [tilespmem:v35+s3+$0x0], $0xffff;
	[tilespmem:s30+$0x17870] =	vst v21  }
0x98: {  	[tilespmem:s30+$0x16850] =	vst v22;
	v21 =	vld.idx.msk [tilespmem:v27+s3+$0x0], $0xffff  }
0x99: {  	v22 =	vld.idx.msk [tilespmem:v36+s3+$0x0], $0xffff;
	[tilespmem:s30+$0x16860] =	vst v23  }
0x9a: {  	[tilespmem:s30+$0x17000] =	vst v24;
	v23 =	vld.idx.msk [tilespmem:v37+s3+$0x0], $0xffff;
	v24 =	vor.u32 $0x280, v6  }
0x9b: {  	[tilespmem:s30+$0x17010] =	vst v28;
	v27 =	vld.idx.msk [tilespmem:v39+s3+$0x0], $0xffff  }
0x9c: {  	v28 =	vld.idx.msk [tilespmem:v38+s3+$0x0], $0xffff;
	[tilespmem:s30+$0x17020] =	vst v25  }
0x9d: {  	v25 =	vld.idx.msk [tilespmem:v40+s3+$0x0], $0xffff;
	[tilespmem:s30+$0x17030] =	vst v26  }
0x9e: {  	v26 =	vld.idx.msk [tilespmem:v41+s3+$0x0], $0xffff;
	[tilespmem:s30+$0x18070] =	vst v21  }
0x9f: {  	[tilespmem:s30+$0x17040] =	vst v22;
	v21 =	vld.idx.msk [tilespmem:v24+s3+$0x0], $0xffff  }
0xa0: {  	v22 =	vld.idx.msk [tilespmem:v42+s3+$0x0], $0xffff;
	[tilespmem:s30+$0x17050] =	vst v23  }
0xa1: {  	v24 =	vor.u32 $0x300, v6;
	v23 =	vld.idx.msk [tilespmem:v43+s3+$0x0], $0xffff;
	[tilespmem:s30+$0x17060] =	vst v27  }
0xa2: {  	[tilespmem:s30+$0x17800] =	vst v28;
	v27 =	vld.idx.msk [tilespmem:v44+s3+$0x0], $0xffff  }
0xa3: {  	[tilespmem:s30+$0x17810] =	vst v25;
	v25 =	vld.idx.msk [tilespmem:v45+s3+$0x0], $0xffff  }
0xa4: {  	v28 =	vld.idx.msk [tilespmem:v46+s3+$0x0], $0xffff;
	[tilespmem:s30+$0x17820] =	vst v26  }
0xa5: {  	v26 =	vld.idx.msk [tilespmem:v47+s3+$0x0], $0xffff;
	[tilespmem:s30+$0x18870] =	vst v21  }
0xa6: {  	[tilespmem:s30+$0x17830] =	vst v22;
	v21 =	vld.idx.msk [tilespmem:v24+s3+$0x0], $0xffff  }
0xa7: {  	v22 =	vld.idx.msk [tilespmem:v48+s3+$0x0], $0xffff;
	[tilespmem:s30+$0x17840] =	vst v23  }
0xa8: {  	v6 =	vor.u32 $0x380, v6;
	v23 =	vld.idx.msk [tilespmem:v49+s3+$0x0], $0xffff;
	[tilespmem:s30+$0x17850] =	vst v27  }
0xa9: {  	v24 =	vld.idx.msk [tilespmem:v50+s3+$0x0], $0xffff;
	[tilespmem:s30+$0x17860] =	vst v25  }
0xaa: {  	[tilespmem:s30+$0x18000] =	vst v28;
	v25 =	vld.idx.msk [tilespmem:v51+s3+$0x0], $0xffff  }
0xab: {  	[tilespmem:s30+$0x18010] =	vst v26;
	v26 =	vld.idx.msk [tilespmem:v53+s3+$0x0], $0xffff  }
0xac: {  	v27 =	vld.idx.msk [tilespmem:v52+s3+$0x0], $0xffff;
	[tilespmem:s30+$0x19070] =	vst v21  }
0xad: {  	[tilespmem:s30+$0x18020] =	vst v22;
	v6 =	vld.idx.msk [tilespmem:v6+s3+$0x0], $0xffff  }
0xae: {  	v18 =	vld.idx.msk [tilespmem:v18+s3+$0x0], $0xffff;
	[tilespmem:s30+$0x18030] =	vst v23  }
0xaf: {  	v20 =	vld.idx.msk [tilespmem:v20+s3+$0x0], $0xffff;
	[tilespmem:s30+$0x18040] =	vst v24  }
0xb0: {  	v19 =	vld.idx.msk [tilespmem:v19+s3+$0x0], $0xffff;
	[tilespmem:s30+$0x18050] =	vst v25  }
0xb1: {  	v15 =	vld.idx.msk [tilespmem:v15+s3+$0x0], $0xffff;
	[tilespmem:s30+$0x18060] =	vst v26  }
.Ltmp2:
0xb2: {  	[tilespmem:s30+$0x18800] =	vst v27;
	v17 =	vld.idx.msk [tilespmem:v17+s3+$0x0], $0xffff;
	(pc) =	sbr.rel @p1 .LBB2_3-.Ltmp2, $4  }
0xb3: {  	v16 =	vld.idx.msk [tilespmem:v16+s3+$0x0], $0xffff;
	[tilespmem:s30+$0x19870] =	vst v6  }
0xb4: {  	v14 =	vld.idx.msk [tilespmem:v14+s3+$0x0], $0xffff;
	[tilespmem:s30+$0x18810] =	vst v18  }
0xb5: {  	v18 =	vld.idx.msk [tilespmem:v13+s3+$0x0], $0xffff;
	[tilespmem:s30+$0x18820] =	vst v20  }
0xb6: {  	s0 =	sadd.s32 $0x400, s0;
	s14 =	sadd.s32 $0x40, s14;
	v6 =	vld.idx.msk [tilespmem:v12+s3+$0x0], $0xffff;
	[tilespmem:s30+$0x18830] =	vst v19  }
0xb7: {  	_ =	sdelay $0x2  }
0xb8: {  	[tilespmem:s30+$0x18840] =	vst v15  }
0xb9: {  	v11 =	vld.idx.msk [tilespmem:v11+s3+$0x0], $0xffff;
	[tilespmem:s30+$0x18850] =	vst v17  }
0xba: {  	v10 =	vld.idx.msk [tilespmem:v10+s3+$0x0], $0xffff;
	[tilespmem:s30+$0x18860] =	vst v16  }
0xbb: {  	v8 =	vld.idx.msk [tilespmem:v8+s3+$0x0], $0xffff;
	[tilespmem:s30+$0x19000] =	vst v14  }
0xbc: {  	v9 =	vld.idx.msk [tilespmem:v9+s3+$0x0], $0xffff;
	[tilespmem:s30+$0x19010] =	vst v18  }
0xbd: {  	[tilespmem:s30+$0x19020] =	vst v6;
	v6 =	vld.idx.msk [tilespmem:v7+s3+$0x0], $0xffff  }
0xbe: {  	v5 =	vld.idx.msk [tilespmem:v5+s3+$0x0], $0xffff;
	[tilespmem:s30+$0x19030] =	vst v11  }
0xbf: {  	v4 =	vld.idx.msk [tilespmem:v4+s3+$0x0], $0xffff;
	[tilespmem:s30+$0x19040] =	vst v10  }
0xc0: {  	v3 =	vld.idx.msk [tilespmem:v3+s3+$0x0], $0xffff;
	[tilespmem:s30+$0x19050] =	vst v8  }
0xc1: {  	[tilespmem:s30+$0x19060] =	vst v9;
	v2 =	vld.idx.msk [tilespmem:v2+s3+$0x0], $0xffff  }
0xc2: {  	v1 =	vld.idx.msk [tilespmem:v1+s3+$0x0], $0xffff;
	[tilespmem:s30+$0x19800] =	vst v6  }
0xc3: {  	v0 =	vld.idx.msk [tilespmem:v0+s3+$0x0], $0xffff;
	[tilespmem:s30+$0x19810] =	vst v5  }
0xc4: {  	[tilespmem:s30+$0x19820] =	vst v4  }
0xc5: {  	s28 =	sshll.u32 s25, $0xD;
	[tilespmem:s30+$0x19830] =	vst v3  }
0xc6: {  	s0 =	sadd.s32 s8, s28;
	[tilespmem:s30+$0x19840] =	vst v2  }
0xc7: {  	s29 =	sshrl.u32 s0, $0x3;
	[tilespmem:s30+$0x19850] =	vst v1  }
0xc8: {  	s0 =	sadd.s32 s2, s29;
	[tilespmem:s30+$0x19860] =	vst v0  }
0xc9: {  	[hbm4b:s0+s17] =	stream.strided.scatter [tilespmem:s19], [sflag:$0x3], $0x4000, s18, s17, $0x38;
	[tilespmem:$0x1E000] =	vst v63  }
0xca: {  	s0 =	simm.s32 @!p0 $0x4  }
0xcb: {  	s31 =	simm.s32 $0x0;
	s1 =	simm.s32 $0x0;
	_ =	swait.ge @!p0 [sflag:s0], $0x4000  }
0xcc: {  	s6 =	sand.u32 $0x380, s31;
	s1 =	sand.u32 $0x400, s1;
	[sflag:s0] =	ssyncset.done @!p0 $0x0  }
0xcd: {  	s14 =	sand.u32 $0x400, s31;
	s13 =	sor.u32 s6, s1;
	[sflag:s0] =	ssyncadd.s32 @!p0 $0xFFFFC000  }
0xce: {  	s30 =	sor.u32 s6, s14;
	v0 =	vld [tilespmem:s13+$0x14800]  }
0xcf: {  	v5 =	vld [tilespmem:s30+$0x14830]  }
0xd0: {  	v6 =	vld [tilespmem:s30+$0x14840]  }
0xd1: {  	v1 =	vld [tilespmem:s30+$0x14810]  }
0xd2: {  	v3 =	vld [tilespmem:s30+$0x14820];
	_ =	sdelay $0x1  }
0xd3: {  	v7 =	vld [tilespmem:s30+$0x14850];
	v2 =	vshll.u32 v0, $0x3;
	v0 =	vand.u32 $0x7F, v0;
	v9 =	vshll.u32 v5, $0x3  }
0xd4: {  	v13 =	vshll.u32 v6, $0x3;
	v5 =	vand.u32 $0x7F, v5;
	v2 =	vand.u32 $0xFFFFFC00, v2  }
0xd5: {  	v9 =	vand.u32 $0xFFFFFC00, v9;
	v4 =	vor.u32 v0, v2;
	v0 =	vshll.u32 v1, $0x3  }
0xd6: {  	v8 =	vld [tilespmem:s30+$0x14860];
	v2 =	vshll.u32 v3, $0x3;
	v1 =	vand.u32 $0x7F, v1;
	v0 =	vand.u32 $0xFFFFFC00, v0  }
0xd7: {  	v12 =	vld [tilespmem:s30+$0x14870];
	v3 =	vand.u32 $0x7F, v3;
	v2 =	vand.u32 $0xFFFFFC00, v2;
	v0 =	vor.u32 v1, v0  }
0xd8: {  	v1 =	vshll.u32 v7, $0x3;
	v2 =	vor.u32 v3, v2;
	v3 =	vand.u32 $0x7F, v6  }
0xd9: {  	v7 =	vand.u32 $0x7F, v7;
	v6 =	vand.u32 $0xFFFFFC00, v1;
	v1 =	vor.u32 v5, v9  }
0xda: {  	v13 =	vand.u32 $0xFFFFFC00, v13;
	v7 =	vor.u32 v7, v6;
	v10 =	vld.idx.msk [tilespmem:v4+s3+$0x0], $0xffff  }
0xdb: {  	v11 =	vor.u32 $0x80, v4;
	v5 =	vshll.u32 v8, $0x3;
	v3 =	vor.u32 v3, v13  }
0xdc: {  	v8 =	vand.u32 $0x7F, v8;
	v9 =	vshll.u32 v12, $0x3;
	v5 =	vand.u32 $0xFFFFFC00, v5  }
0xdd: {  	v9 =	vand.u32 $0xFFFFFC00, v9;
	v14 =	vor.u32 v8, v5;
	v8 =	vand.u32 $0x7F, v12;
	v5 =	vld.idx.msk [tilespmem:v0+s3+$0x0], $0xffff  }
0xde: {  	v15 =	vor.u32 v8, v9;
	v9 =	vor.u32 $0x80, v0;
	v8 =	vld.idx.msk [tilespmem:v1+s3+$0x0], $0xffff  }
0xdf: {  	v17 =	vor.u32 $0x80, v1;
	v16 =	vld.idx.msk [tilespmem:v7+s3+$0x0], $0xffff;
	[tilespmem:s13+$0x1A000] =	vst v10  }
0xe0: {  	v6 =	vld.idx.msk [tilespmem:v11+s3+$0x0], $0xffff  }
0xe1: {  	v11 =	vld.idx.msk [tilespmem:v2+s3+$0x0], $0xffff  }
0xe2: {  	v12 =	vld.idx.msk [tilespmem:v3+s3+$0x0], $0xffff;
	v10 =	vor.u32 $0x100, v4;
	[tilespmem:s30+$0x1A010] =	vst v5  }
0xe3: {  	v13 =	vor.u32 $0x80, v2;
	v9 =	vld.idx.msk [tilespmem:v9+s3+$0x0], $0xffff;
	[tilespmem:s30+$0x1A030] =	vst v8  }
0xe4: {  	v18 =	vor.u32 $0x80, v3;
	v17 =	vld.idx.msk [tilespmem:v17+s3+$0x0], $0xffff;
	[tilespmem:s30+$0x1A050] =	vst v16  }
0xe5: {  	v5 =	vor.u32 $0x80, v7;
	[tilespmem:s13+$0x1A800] =	vst v6;
	v6 =	vld.idx.msk [tilespmem:v14+s3+$0x0], $0xffff  }
0xe6: {  	v16 =	vor.u32 $0x100, v0;
	[tilespmem:s30+$0x1A020] =	vst v11;
	v11 =	vld.idx.msk [tilespmem:v15+s3+$0x0], $0xffff  }
0xe7: {  	v8 =	vor.u32 $0x80, v14;
	v10 =	vld.idx.msk [tilespmem:v10+s3+$0x0], $0xffff  }
0xe8: {  	v19 =	vor.u32 $0x180, v4;
	[tilespmem:s30+$0x1A040] =	vst v12;
	v13 =	vld.idx.msk [tilespmem:v13+s3+$0x0], $0xffff  }
0xe9: {  	v12 =	vor.u32 $0x80, v15;
	v18 =	vld.idx.msk [tilespmem:v18+s3+$0x0], $0xffff;
	[tilespmem:s30+$0x1A810] =	vst v9  }
0xea: {  	v5 =	vld.idx.msk [tilespmem:v5+s3+$0x0], $0xffff;
	[tilespmem:s30+$0x1A060] =	vst v6;
	v6 =	vor.u32 $0x100, v2  }
0xeb: {  	v16 =	vld.idx.msk [tilespmem:v16+s3+$0x0], $0xffff;
	[tilespmem:s30+$0x1A070] =	vst v11;
	v11 =	vor.u32 $0x100, v3  }
0xec: {  	[tilespmem:s13+$0x1B000] =	vst v10;
	v10 =	vor.u32 $0x100, v1;
	v8 =	vld.idx.msk [tilespmem:v8+s3+$0x0], $0xffff  }
0xed: {  	[tilespmem:s30+$0x1A820] =	vst v13;
	v13 =	vor.u32 $0x100, v7;
	v19 =	vld.idx.msk [tilespmem:v19+s3+$0x0], $0xffff  }
0xee: {  	[tilespmem:s30+$0x1A830] =	vst v17;
	v17 =	vor.u32 $0x100, v14;
	v12 =	vld.idx.msk [tilespmem:v12+s3+$0x0], $0xffff  }
0xef: {  	v9 =	vor.u32 $0x200, v4;
	[tilespmem:s30+$0x1A840] =	vst v18;
	v6 =	vld.idx.msk [tilespmem:v6+s3+$0x0], $0xffff  }
0xf0: {  	[tilespmem:s30+$0x1A850] =	vst v5;
	v5 =	vor.u32 $0x180, v0;
	v11 =	vld.idx.msk [tilespmem:v11+s3+$0x0], $0xffff  }
0xf1: {  	v18 =	vor.u32 $0x100, v15;
	v10 =	vld.idx.msk [tilespmem:v10+s3+$0x0], $0xffff;
	[tilespmem:s30+$0x1A860] =	vst v8  }
0xf2: {  	v13 =	vld.idx.msk [tilespmem:v13+s3+$0x0], $0xffff;
	[tilespmem:s13+$0x1B800] =	vst v19;
	v19 =	vor.u32 $0x180, v2  }
0xf3: {  	[tilespmem:s30+$0x1B010] =	vst v16;
	v8 =	vor.u32 $0x180, v1;
	v16 =	vld.idx.msk [tilespmem:v17+s3+$0x0], $0xffff  }
0xf4: {  	[tilespmem:s30+$0x1A870] =	vst v12;
	v17 =	vor.u32 $0x180, v3;
	v9 =	vld.idx.msk [tilespmem:v9+s3+$0x0], $0xffff  }
0xf5: {  	v12 =	vor.u32 $0x280, v4;
	v5 =	vld.idx.msk [tilespmem:v5+s3+$0x0], $0xffff;
	[tilespmem:s30+$0x1B020] =	vst v6  }
0xf6: {  	v6 =	vld.idx.msk [tilespmem:v18+s3+$0x0], $0xffff;
	v18 =	vor.u32 $0x180, v7;
	[tilespmem:s30+$0x1B040] =	vst v11  }
0xf7: {  	[tilespmem:s30+$0x1B030] =	vst v10;
	v10 =	vor.u32 $0x180, v14;
	v19 =	vld.idx.msk [tilespmem:v19+s3+$0x0], $0xffff  }
0xf8: {  	v11 =	vor.u32 $0x180, v15;
	[tilespmem:s30+$0x1B050] =	vst v13;
	v8 =	vld.idx.msk [tilespmem:v8+s3+$0x0], $0xffff  }
0xf9: {  	v17 =	vld.idx.msk [tilespmem:v17+s3+$0x0], $0xffff;
	[tilespmem:s13+$0x1C000] =	vst v9;
	v9 =	vor.u32 $0x200, v0  }
0xfa: {  	v13 =	vor.u32 $0x200, v2;
	[tilespmem:s30+$0x1B810] =	vst v5;
	v12 =	vld.idx.msk [tilespmem:v12+s3+$0x0], $0xffff  }
0xfb: {  	[tilespmem:s30+$0x1B060] =	vst v16;
	v16 =	vor.u32 $0x300, v4;
	v18 =	vld.idx.msk [tilespmem:v18+s3+$0x0], $0xffff  }
0xfc: {  	[tilespmem:s30+$0x1B070] =	vst v6;
	v6 =	vor.u32 $0x200, v1;
	v5 =	vld.idx.msk [tilespmem:v10+s3+$0x0], $0xffff  }
0xfd: {  	v10 =	vor.u32 $0x200, v3;
	v11 =	vld.idx.msk [tilespmem:v11+s3+$0x0], $0xffff;
	[tilespmem:s30+$0x1B820] =	vst v19  }
0xfe: {  	v19 =	vor.u32 $0x200, v7;
	[tilespmem:s30+$0x1B830] =	vst v8;
	v9 =	vld.idx.msk [tilespmem:v9+s3+$0x0], $0xffff  }
0xff: {  	v8 =	vor.u32 $0x200, v14;
	[tilespmem:s13+$0x1C800] =	vst v12;
	v12 =	vld.idx.msk [tilespmem:v13+s3+$0x0], $0xffff  }
0x100: {  	[tilespmem:s30+$0x1B840] =	vst v17;
	v13 =	vor.u32 $0x200, v15;
	v16 =	vld.idx.msk [tilespmem:v16+s3+$0x0], $0xffff  }
0x101: {  	v17 =	vor.u32 $0x280, v0;
	v6 =	vld.idx.msk [tilespmem:v6+s3+$0x0], $0xffff;
	[tilespmem:s30+$0x1B850] =	vst v18  }
0x102: {  	v4 =	vor.u32 $0x380, v4;
	v10 =	vld.idx.msk [tilespmem:v10+s3+$0x0], $0xffff;
	[tilespmem:s30+$0x1B860] =	vst v5  }
0x103: {  	v5 =	vor.u32 $0x280, v2;
	[tilespmem:s30+$0x1B870] =	vst v11;
	v18 =	vld.idx.msk [tilespmem:v19+s3+$0x0], $0xffff  }
0x104: {  	v11 =	vor.u32 $0x280, v1;
	v8 =	vld.idx.msk [tilespmem:v8+s3+$0x0], $0xffff;
	[tilespmem:s30+$0x1C010] =	vst v9  }
0x105: {  	v9 =	vor.u32 $0x280, v3;
	[tilespmem:s30+$0x1C020] =	vst v12;
	v21 =	vld.idx.msk [tilespmem:v13+s3+$0x0], $0xffff  }
0x106: {  	v22 =	vor.u32 $0x280, v7;
	[tilespmem:s13+$0x1D000] =	vst v16;
	v16 =	vld.idx.msk [tilespmem:v17+s3+$0x0], $0xffff  }
0x107: {  	v23 =	vor.u32 $0x280, v14;
	[tilespmem:s30+$0x1C030] =	vst v6;
	v24 =	vld.idx.msk [tilespmem:v4+s3+$0x0], $0xffff  }
0x108: {  	v25 =	vor.u32 $0x280, v15;
	v26 =	vld.idx.msk [tilespmem:v5+s3+$0x0], $0xffff;
	[tilespmem:s30+$0x1C040] =	vst v10  }
0x109: {  	v27 =	vor.u32 $0x300, v0;
	v20 =	vld.idx.msk [tilespmem:v11+s3+$0x0], $0xffff;
	[tilespmem:s30+$0x1C050] =	vst v18  }
0x10a: {  	v13 =	vor.u32 $0x300, v2;
	[tilespmem:s30+$0x1C060] =	vst v8;
	v19 =	vld.idx.msk [tilespmem:v9+s3+$0x0], $0xffff  }
0x10b: {  	v12 =	vor.u32 $0x300, v1;
	v6 =	vor.u32 $0x380, v0;
	v0 =	vor.u32 $0x380, v15;
	v17 =	vld.idx.msk [tilespmem:v22+s3+$0x0], $0xffff;
	[tilespmem:s30+$0x1C070] =	vst v21  }
0x10c: {  	v11 =	vor.u32 $0x300, v3;
	v10 =	vor.u32 $0x300, v7;
	v5 =	vor.u32 $0x380, v2;
	v18 =	vld.idx.msk [tilespmem:v23+s3+$0x0], $0xffff;
	[tilespmem:s30+$0x1C810] =	vst v16  }
0x10d: {  	v4 =	vor.u32 $0x380, v1;
	v3 =	vor.u32 $0x380, v3;
	v2 =	vor.u32 $0x380, v7;
	v16 =	vld.idx.msk [tilespmem:v25+s3+$0x0], $0xffff;
	[tilespmem:s13+$0x1D800] =	vst v24  }
0x10e: {  	s1 =	simm.s32 $0x0;
	s14 =	simm.s32 $0x0;
	s0 =	simm.s32 $0x400;
	v1 =	vor.u32 $0x380, v14;
	v8 =	vor.u32 $0x300, v14;
	v9 =	vor.u32 $0x300, v15;
	v7 =	vld.idx.msk [tilespmem:v27+s3+$0x0], $0xffff;
	[tilespmem:s30+$0x1C820] =	vst v26  }
.LBB2_5:
0x10f: {  	s7 =	sand.u32 $0x400, s0;
	v13 =	vld.idx.msk [tilespmem:v13+s3+$0x0], $0xffff;
	[tilespmem:s30+$0x1C830] =	vst v20;
	s31 =	sadd.s32 $0x80, s31  }
0x110: {  	s1 =	sadd.s32 $0x8, s1;
	s14 =	sadd.s32 $0x40, s14;
	s6 =	sshll.u32 s31, $0x3;
	v12 =	vld.idx.msk [tilespmem:v12+s3+$0x0], $0xffff;
	[tilespmem:s30+$0x1C840] =	vst v19  }
0x111: {  	s13 =	sand.u32 $0x380, s14;
	p0 =	slt.u32 s1, $0x78;
	s6 =	sand.u32 $0x400, s6;
	v11 =	vld.idx.msk [tilespmem:v11+s3+$0x0], $0xffff;
	[tilespmem:s30+$0x1C850] =	vst v17  }
0x112: {  	s7 =	sor.u32 s13, s7;
	s6 =	sor.u32 s13, s6;
	v10 =	vld.idx.msk [tilespmem:v10+s3+$0x0], $0xffff;
	[tilespmem:s30+$0x1C860] =	vst v18  }
0x113: {  	v14 =	vld [tilespmem:s6+$0x14800];
	[tilespmem:s30+$0x1C870] =	vst v16  }
0x114: {  	v15 =	vld [tilespmem:s7+$0x14810];
	[tilespmem:s30+$0x1D010] =	vst v7  }
0x115: {  	v16 =	vld [tilespmem:s7+$0x14820];
	[tilespmem:s30+$0x1D020] =	vst v13  }
0x116: {  	v13 =	vld [tilespmem:s7+$0x14830];
	[tilespmem:s30+$0x1D030] =	vst v12  }
0x117: {  	v12 =	vld [tilespmem:s7+$0x14840];
	[tilespmem:s30+$0x1D040] =	vst v11  }
0x118: {  	v7 =	vshll.u32 v14, $0x3;
	v11 =	vld [tilespmem:s7+$0x14850];
	[tilespmem:s30+$0x1D050] =	vst v10  }
0x119: {  	v10 =	vand.u32 $0x7F, v14;
	v7 =	vand.u32 $0xFFFFFC00, v7;
	v14 =	vshll.u32 v15, $0x3;
	v17 =	vld [tilespmem:s7+$0x14860]  }
0x11a: {  	v7 =	vor.u32 v10, v7;
	v10 =	vand.u32 $0xFFFFFC00, v14;
	v14 =	vshll.u32 v16, $0x3;
	v18 =	vld [tilespmem:s7+$0x14870]  }
0x11b: {  	v15 =	vand.u32 $0x7F, v15;
	v14 =	vand.u32 $0xFFFFFC00, v14;
	v19 =	vshll.u32 v13, $0x3;
	v8 =	vld.idx.msk [tilespmem:v8+s3+$0x0], $0xffff  }
0x11c: {  	v16 =	vand.u32 $0x7F, v16;
	v19 =	vand.u32 $0xFFFFFC00, v19;
	v20 =	vshll.u32 v12, $0x3;
	v9 =	vld.idx.msk [tilespmem:v9+s3+$0x0], $0xffff  }
0x11d: {  	v13 =	vand.u32 $0x7F, v13;
	v20 =	vand.u32 $0xFFFFFC00, v20;
	v21 =	vshll.u32 v11, $0x3;
	v6 =	vld.idx.msk [tilespmem:v6+s3+$0x0], $0xffff  }
0x11e: {  	v12 =	vand.u32 $0x7F, v12;
	v21 =	vand.u32 $0xFFFFFC00, v21;
	v22 =	vshll.u32 v17, $0x3;
	v5 =	vld.idx.msk [tilespmem:v5+s3+$0x0], $0xffff  }
0x11f: {  	v11 =	vand.u32 $0x7F, v11;
	v23 =	vld.idx.msk [tilespmem:v7+s3+$0x0], $0xffff;
	v22 =	vand.u32 $0xFFFFFC00, v22;
	v24 =	vshll.u32 v18, $0x3  }
0x120: {  	v17 =	vand.u32 $0x7F, v17;
	v18 =	vand.u32 $0x7F, v18;
	v24 =	vand.u32 $0xFFFFFC00, v24;
	v4 =	vld.idx.msk [tilespmem:v4+s3+$0x0], $0xffff  }
0x121: {  	v25 =	vor.u32 $0x80, v7;
	v26 =	vor.u32 v15, v10;
	v27 =	vor.u32 v16, v14;
	v3 =	vld.idx.msk [tilespmem:v3+s3+$0x0], $0xffff;
	[tilespmem:s30+$0x1D060] =	vst v8  }
0x122: {  	v28 =	vor.u32 v13, v19;
	v29 =	vor.u32 v12, v20;
	v21 =	vor.u32 v11, v21;
	[tilespmem:s30+$0x1D070] =	vst v9  }
0x123: {  	v22 =	vor.u32 v17, v22;
	v8 =	vor.u32 $0x80, v26;
	v24 =	vor.u32 v18, v24;
	[tilespmem:s30+$0x1D810] =	vst v6;
	v2 =	vld.idx.msk [tilespmem:v2+s3+$0x0], $0xffff  }
0x124: {  	v30 =	vor.u32 $0x80, v29;
	v9 =	vor.u32 $0x80, v28;
	v6 =	vor.u32 $0x80, v27;
	[tilespmem:s30+$0x1D820] =	vst v5;
	v1 =	vld.idx.msk [tilespmem:v1+s3+$0x0], $0xffff  }
0x125: {  	v31 =	vor.u32 $0x80, v22;
	v32 =	vor.u32 $0x80, v24;
	[tilespmem:s6+$0x1A000] =	vst v23;
	v23 =	vor.u32 $0x80, v21;
	v0 =	vld.idx.msk [tilespmem:v0+s3+$0x0], $0xffff  }
0x126: {  	v33 =	vor.u32 $0x100, v27;
	v34 =	vor.u32 $0x100, v28;
	v5 =	vld.idx.msk [tilespmem:v25+s3+$0x0], $0xffff;
	v25 =	vor.u32 $0x100, v26;
	[tilespmem:s30+$0x1D830] =	vst v4  }
0x127: {  	v35 =	vor.u32 $0x100, v29;
	v36 =	vor.u32 $0x100, v21;
	v37 =	vor.u32 $0x100, v22;
	v4 =	vld.idx.msk [tilespmem:v26+s3+$0x0], $0xffff;
	[tilespmem:s30+$0x1D840] =	vst v3  }
0x128: {  	v38 =	vor.u32 $0x180, v26;
	v39 =	vor.u32 $0x100, v24;
	v3 =	vor.u32 $0x100, v7;
	v10 =	vld.idx.msk [tilespmem:v27+s3+$0x0], $0xffff  }
0x129: {  	v40 =	vor.u32 $0x180, v27;
	v41 =	vor.u32 $0x180, v28;
	v42 =	vor.u32 $0x180, v29;
	v11 =	vld.idx.msk [tilespmem:v28+s3+$0x0], $0xffff;
	[tilespmem:s30+$0x1D850] =	vst v2  }
0x12a: {  	v43 =	vor.u32 $0x180, v21;
	v44 =	vor.u32 $0x180, v22;
	v45 =	vor.u32 $0x180, v24;
	v2 =	vld.idx.msk [tilespmem:v29+s3+$0x0], $0xffff;
	[tilespmem:s30+$0x1D860] =	vst v1  }
0x12b: {  	v46 =	vor.u32 $0x200, v26;
	v47 =	vor.u32 $0x200, v27;
	v48 =	vor.u32 $0x200, v28;
	v1 =	vld.idx.msk [tilespmem:v21+s3+$0x0], $0xffff;
	[tilespmem:s30+$0x1D870] =	vst v0;
	s30 =	smov.u32 s7  }
0x12c: {  	v49 =	vor.u32 $0x200, v29;
	v50 =	vor.u32 $0x200, v21;
	v51 =	vor.u32 $0x200, v22;
	[tilespmem:s6+$0x1A800] =	vst v5;
	v0 =	vld.idx.msk [tilespmem:v22+s3+$0x0], $0xffff  }
0x12d: {  	v52 =	vor.u32 $0x280, v26;
	v19 =	vor.u32 $0x280, v27;
	v53 =	vor.u32 $0x200, v24;
	v3 =	vld.idx.msk [tilespmem:v3+s3+$0x0], $0xffff;
	[tilespmem:s30+$0x1A010] =	vst v4  }
0x12e: {  	v20 =	vor.u32 $0x280, v28;
	v17 =	vor.u32 $0x280, v29;
	v15 =	vor.u32 $0x280, v21;
	[tilespmem:s30+$0x1A020] =	vst v10;
	v54 =	vld.idx.msk [tilespmem:v24+s3+$0x0], $0xffff  }
0x12f: {  	v55 =	vor.u32 $0x180, v7;
	v18 =	vor.u32 $0x280, v22;
	v16 =	vor.u32 $0x280, v24;
	v56 =	vld.idx.msk [tilespmem:v8+s3+$0x0], $0xffff;
	[tilespmem:s30+$0x1A030] =	vst v11  }
0x130: {  	v14 =	vor.u32 $0x300, v26;
	v13 =	vor.u32 $0x300, v27;
	v12 =	vor.u32 $0x300, v28;
	v57 =	vld.idx.msk [tilespmem:v6+s3+$0x0], $0xffff;
	[tilespmem:s30+$0x1A040] =	vst v2  }
0x131: {  	v10 =	vor.u32 $0x300, v21;
	v11 =	vor.u32 $0x300, v29;
	v8 =	vor.u32 $0x300, v22;
	v58 =	vld.idx.msk [tilespmem:v9+s3+$0x0], $0xffff;
	[tilespmem:s30+$0x1A050] =	vst v1  }
0x132: {  	v5 =	vor.u32 $0x380, v27;
	v6 =	vor.u32 $0x380, v26;
	v9 =	vor.u32 $0x300, v24;
	v26 =	vld.idx.msk [tilespmem:v30+s3+$0x0], $0xffff;
	[tilespmem:s30+$0x1A060] =	vst v0  }
0x133: {  	v4 =	vor.u32 $0x380, v28;
	v2 =	vor.u32 $0x380, v21;
	[tilespmem:s6+$0x1B000] =	vst v3;
	v3 =	vor.u32 $0x380, v29;
	v23 =	vld.idx.msk [tilespmem:v23+s3+$0x0], $0xffff  }
0x134: {  	v1 =	vor.u32 $0x380, v22;
	v0 =	vor.u32 $0x380, v24;
	v21 =	vld.idx.msk [tilespmem:v55+s3+$0x0], $0xffff;
	[tilespmem:s30+$0x1A070] =	vst v54  }
0x135: {  	[tilespmem:s30+$0x1A810] =	vst v56;
	v22 =	vld.idx.msk [tilespmem:v31+s3+$0x0], $0xffff  }
0x136: {  	v24 =	vor.u32 $0x200, v7;
	[tilespmem:s30+$0x1A820] =	vst v57;
	v27 =	vld.idx.msk [tilespmem:v32+s3+$0x0], $0xffff  }
0x137: {  	v25 =	vld.idx.msk [tilespmem:v25+s3+$0x0], $0xffff;
	[tilespmem:s30+$0x1A830] =	vst v58  }
0x138: {  	v28 =	vld.idx.msk [tilespmem:v33+s3+$0x0], $0xffff;
	[tilespmem:s30+$0x1A840] =	vst v26  }
0x139: {  	v26 =	vld.idx.msk [tilespmem:v34+s3+$0x0], $0xffff;
	[tilespmem:s30+$0x1A850] =	vst v23  }
0x13a: {  	[tilespmem:s6+$0x1B800] =	vst v21;
	v21 =	vld.idx.msk [tilespmem:v35+s3+$0x0], $0xffff  }
0x13b: {  	v23 =	vld.idx.msk [tilespmem:v24+s3+$0x0], $0xffff;
	[tilespmem:s30+$0x1A860] =	vst v22  }
0x13c: {  	v22 =	vld.idx.msk [tilespmem:v36+s3+$0x0], $0xffff;
	[tilespmem:s30+$0x1A870] =	vst v27  }
0x13d: {  	v24 =	vor.u32 $0x280, v7;
	[tilespmem:s30+$0x1B010] =	vst v25;
	v25 =	vld.idx.msk [tilespmem:v37+s3+$0x0], $0xffff  }
0x13e: {  	[tilespmem:s30+$0x1B020] =	vst v28;
	v27 =	vld.idx.msk [tilespmem:v39+s3+$0x0], $0xffff  }
0x13f: {  	v28 =	vld.idx.msk [tilespmem:v38+s3+$0x0], $0xffff;
	[tilespmem:s30+$0x1B030] =	vst v26  }
0x140: {  	v26 =	vld.idx.msk [tilespmem:v40+s3+$0x0], $0xffff;
	[tilespmem:s30+$0x1B040] =	vst v21  }
0x141: {  	[tilespmem:s6+$0x1C000] =	vst v23;
	v21 =	vld.idx.msk [tilespmem:v41+s3+$0x0], $0xffff  }
0x142: {  	v23 =	vld.idx.msk [tilespmem:v24+s3+$0x0], $0xffff;
	[tilespmem:s30+$0x1B050] =	vst v22  }
0x143: {  	v22 =	vld.idx.msk [tilespmem:v42+s3+$0x0], $0xffff;
	[tilespmem:s30+$0x1B060] =	vst v25  }
0x144: {  	v24 =	vor.u32 $0x300, v7;
	v25 =	vld.idx.msk [tilespmem:v43+s3+$0x0], $0xffff;
	[tilespmem:s30+$0x1B070] =	vst v27  }
0x145: {  	[tilespmem:s30+$0x1B810] =	vst v28;
	v27 =	vld.idx.msk [tilespmem:v44+s3+$0x0], $0xffff  }
0x146: {  	[tilespmem:s30+$0x1B820] =	vst v26;
	v26 =	vld.idx.msk [tilespmem:v45+s3+$0x0], $0xffff  }
0x147: {  	v28 =	vld.idx.msk [tilespmem:v46+s3+$0x0], $0xffff;
	[tilespmem:s30+$0x1B830] =	vst v21  }
0x148: {  	[tilespmem:s6+$0x1C800] =	vst v23;
	v21 =	vld.idx.msk [tilespmem:v47+s3+$0x0], $0xffff  }
0x149: {  	v23 =	vld.idx.msk [tilespmem:v24+s3+$0x0], $0xffff;
	[tilespmem:s30+$0x1B840] =	vst v22  }
0x14a: {  	v22 =	vld.idx.msk [tilespmem:v48+s3+$0x0], $0xffff;
	[tilespmem:s30+$0x1B850] =	vst v25  }
0x14b: {  	v7 =	vor.u32 $0x380, v7;
	v24 =	vld.idx.msk [tilespmem:v49+s3+$0x0], $0xffff;
	[tilespmem:s30+$0x1B860] =	vst v27  }
0x14c: {  	v25 =	vld.idx.msk [tilespmem:v50+s3+$0x0], $0xffff;
	[tilespmem:s30+$0x1B870] =	vst v26  }
0x14d: {  	[tilespmem:s30+$0x1C010] =	vst v28;
	v26 =	vld.idx.msk [tilespmem:v51+s3+$0x0], $0xffff  }
0x14e: {  	[tilespmem:s30+$0x1C020] =	vst v21;
	v21 =	vld.idx.msk [tilespmem:v53+s3+$0x0], $0xffff  }
0x14f: {  	[tilespmem:s6+$0x1D000] =	vst v23;
	v23 =	vld.idx.msk [tilespmem:v52+s3+$0x0], $0xffff  }
0x150: {  	v7 =	vld.idx.msk [tilespmem:v7+s3+$0x0], $0xffff;
	[tilespmem:s30+$0x1C030] =	vst v22  }
0x151: {  	v22 =	vld.idx.msk [tilespmem:v19+s3+$0x0], $0xffff;
	[tilespmem:s30+$0x1C040] =	vst v24  }
0x152: {  	v20 =	vld.idx.msk [tilespmem:v20+s3+$0x0], $0xffff;
	[tilespmem:s30+$0x1C050] =	vst v25  }
.Ltmp3:
0x153: {  	v19 =	vld.idx.msk [tilespmem:v17+s3+$0x0], $0xffff;
	[tilespmem:s30+$0x1C060] =	vst v26;
	(pc) =	sbr.rel @p0 .LBB2_5-.Ltmp3, $4  }
0x154: {  	v17 =	vld.idx.msk [tilespmem:v15+s3+$0x0], $0xffff;
	[tilespmem:s30+$0x1C070] =	vst v21  }
0x155: {  	[tilespmem:s30+$0x1C810] =	vst v23;
	v18 =	vld.idx.msk [tilespmem:v18+s3+$0x0], $0xffff  }
0x156: {  	[tilespmem:s6+$0x1D800] =	vst v7;
	v16 =	vld.idx.msk [tilespmem:v16+s3+$0x0], $0xffff  }
0x157: {  	s0 =	sadd.s32 $0x400, s0;
	v7 =	vld.idx.msk [tilespmem:v14+s3+$0x0], $0xffff;
	[tilespmem:s30+$0x1C820] =	vst v22  }
0x158: {  	_ =	sdelay $0x2  }
0x159: {  	[tilespmem:s30+$0x1C830] =	vst v20  }
0x15a: {  	v13 =	vld.idx.msk [tilespmem:v13+s3+$0x0], $0xffff;
	[tilespmem:s30+$0x1C840] =	vst v19  }
0x15b: {  	v12 =	vld.idx.msk [tilespmem:v12+s3+$0x0], $0xffff;
	[tilespmem:s30+$0x1C850] =	vst v17  }
0x15c: {  	v11 =	vld.idx.msk [tilespmem:v11+s3+$0x0], $0xffff;
	[tilespmem:s30+$0x1C860] =	vst v18  }
0x15d: {  	v10 =	vld.idx.msk [tilespmem:v10+s3+$0x0], $0xffff;
	[tilespmem:s30+$0x1C870] =	vst v16  }
0x15e: {  	[tilespmem:s30+$0x1D010] =	vst v7;
	v7 =	vld.idx.msk [tilespmem:v8+s3+$0x0], $0xffff  }
0x15f: {  	v8 =	vld.idx.msk [tilespmem:v9+s3+$0x0], $0xffff;
	[tilespmem:s30+$0x1D020] =	vst v13  }
0x160: {  	v6 =	vld.idx.msk [tilespmem:v6+s3+$0x0], $0xffff;
	[tilespmem:s30+$0x1D030] =	vst v12  }
0x161: {  	[tilespmem:s30+$0x1D040] =	vst v11;
	v5 =	vld.idx.msk [tilespmem:v5+s3+$0x0], $0xffff  }
0x162: {  	[tilespmem:s30+$0x1D050] =	vst v10;
	v4 =	vld.idx.msk [tilespmem:v4+s3+$0x0], $0xffff  }
0x163: {  	v3 =	vld.idx.msk [tilespmem:v3+s3+$0x0], $0xffff;
	[tilespmem:s30+$0x1D060] =	vst v7  }
0x164: {  	v2 =	vld.idx.msk [tilespmem:v2+s3+$0x0], $0xffff;
	[tilespmem:s30+$0x1D070] =	vst v8  }
0x165: {  	[tilespmem:s30+$0x1D810] =	vst v6;
	v1 =	vld.idx.msk [tilespmem:v1+s3+$0x0], $0xffff  }
0x166: {  	v0 =	vld.idx.msk [tilespmem:v0+s3+$0x0], $0xffff;
	[tilespmem:s30+$0x1D820] =	vst v5  }
0x167: {  	[tilespmem:s30+$0x1D830] =	vst v4  }
0x168: {  	[tilespmem:s30+$0x1D840] =	vst v3  }
0x169: {  	[tilespmem:s30+$0x1D850] =	vst v2  }
0x16a: {  	[tilespmem:s30+$0x1D860] =	vst v1  }
0x16b: {  	s0 =	sadd.s32 s29, s9;
	p0 =	seq.s32 s25, $0xF;
	[tilespmem:s30+$0x1D870] =	vst v0  }
0x16c: {  	[hbm4b:s0+s17] =	stream.strided.scatter [tilespmem:s20], [sflag:$0x4], $0x4000, s18, s17, $0x38;
	[tilespmem:$0x1E000] =	vst v63  }
0x16d: {  	s1 =	simm.s32 @!p0 $0x0;
	s6 =	simm.s32 @!p0 $0x14000;
	s0 =	sadd.s32 @!p0 s26, s10  }
0x16e: {  	[tilespmem:s6], [sflag:$0x1] =	stream.linear.gather @!p0 [hbm4b:s0+s1], $0x1000, $0x38;
	[tilespmem:$0x1E000] =	vst v63  }
0x16f: {  	_ =	swait.ge [sflag:s21], $0x1000  }
0x170: {  	[sflag:s21] =	ssyncset.done $0x0  }
0x171: {  	[sflag:s21] =	ssyncadd.s32 $0xFFFFF000  }
0x172: {  	s30 =	simm.s32 $0x0;
	_ =	swait.ge [sflag:s22], $0x4000  }
0x173: {  	s31 =	sand.u32 $0x400, s30;
	s0 =	sand.u32 $0x380, s30;
	[sflag:s22] =	ssyncset.done $0x0  }
0x174: {  	s29 =	sor.u32 s0, s31;
	[sflag:s22] =	ssyncadd.s32 $0xFFFFC000  }
0x175: {  	v0 =	vld [tilespmem:s29+$0x15070]  }
0x176: {  	v5 =	vld [tilespmem:s29+$0x15020]  }
0x177: {  	v6 =	vld [tilespmem:s29+$0x15030]  }
0x178: {  	v1 =	vld [tilespmem:s29+$0x15000]  }
0x179: {  	v3 =	vld [tilespmem:s29+$0x15010];
	_ =	sdelay $0x1  }
0x17a: {  	v7 =	vld [tilespmem:s29+$0x15040];
	v2 =	vshll.u32 v0, $0x3;
	v0 =	vand.u32 $0x7F, v0  }
0x17b: {  	v9 =	vshll.u32 v5, $0x3;
	v12 =	vshll.u32 v6, $0x3;
	v2 =	vand.u32 $0xFFFFFC00, v2  }
0x17c: {  	v5 =	vand.u32 $0x7F, v5;
	v9 =	vand.u32 $0xFFFFFC00, v9;
	v4 =	vor.u32 v0, v2  }
0x17d: {  	v8 =	vld [tilespmem:s29+$0x15050];
	v0 =	vshll.u32 v1, $0x3;
	v2 =	vshll.u32 v3, $0x3;
	v1 =	vand.u32 $0x7F, v1  }
0x17e: {  	v13 =	vld [tilespmem:s29+$0x15060];
	v3 =	vand.u32 $0x7F, v3;
	v0 =	vand.u32 $0xFFFFFC00, v0;
	v2 =	vand.u32 $0xFFFFFC00, v2  }
0x17f: {  	v0 =	vor.u32 v1, v0;
	v1 =	vshll.u32 v7, $0x3;
	v2 =	vor.u32 v3, v2  }
0x180: {  	v3 =	vand.u32 $0x7F, v6;
	v6 =	vand.u32 $0xFFFFFC00, v1;
	v1 =	vor.u32 v5, v9  }
0x181: {  	v12 =	vand.u32 $0xFFFFFC00, v12;
	v11 =	vor.u32 $0x80, v4;
	v7 =	vand.u32 $0x7F, v7;
	v10 =	vld.idx.msk [tilespmem:v4+s3+$0x0], $0xffff  }
0x182: {  	v5 =	vshll.u32 v8, $0x3;
	v3 =	vor.u32 v3, v12;
	v8 =	vand.u32 $0x7F, v8  }
0x183: {  	v9 =	vshll.u32 v13, $0x3;
	v5 =	vand.u32 $0xFFFFFC00, v5;
	v6 =	vor.u32 v7, v6  }
0x184: {  	v9 =	vand.u32 $0xFFFFFC00, v9;
	v12 =	vor.u32 v8, v5;
	v8 =	vand.u32 $0x7F, v13;
	v5 =	vld.idx.msk [tilespmem:v0+s3+$0x0], $0xffff  }
0x185: {  	v13 =	vor.u32 v8, v9;
	v8 =	vld.idx.msk [tilespmem:v1+s3+$0x0], $0xffff  }
0x186: {  	v9 =	vor.u32 $0x80, v0;
	[tilespmem:s29+$0x16070] =	vst v10;
	v10 =	vld.idx.msk [tilespmem:v2+s3+$0x0], $0xffff  }
0x187: {  	v7 =	vld.idx.msk [tilespmem:v11+s3+$0x0], $0xffff  }
0x188: {  	v17 =	vor.u32 $0x80, v1;
	v14 =	vld.idx.msk [tilespmem:v3+s3+$0x0], $0xffff  }
0x189: {  	v16 =	vld.idx.msk [tilespmem:v6+s3+$0x0], $0xffff;
	v11 =	vor.u32 $0x100, v4;
	[tilespmem:s29+$0x16000] =	vst v5  }
0x18a: {  	v15 =	vor.u32 $0x80, v2;
	v18 =	vld.idx.msk [tilespmem:v12+s3+$0x0], $0xffff;
	[tilespmem:s29+$0x16020] =	vst v8  }
0x18b: {  	v19 =	vor.u32 $0x80, v12;
	v9 =	vld.idx.msk [tilespmem:v9+s3+$0x0], $0xffff;
	[tilespmem:s29+$0x16010] =	vst v10  }
0x18c: {  	v10 =	vld.idx.msk [tilespmem:v13+s3+$0x0], $0xffff;
	[tilespmem:s29+$0x16870] =	vst v7;
	v7 =	vor.u32 $0x80, v3  }
0x18d: {  	[tilespmem:s29+$0x16030] =	vst v14;
	v14 =	vor.u32 $0x80, v13;
	v17 =	vld.idx.msk [tilespmem:v17+s3+$0x0], $0xffff  }
0x18e: {  	[tilespmem:s29+$0x16040] =	vst v16;
	v5 =	vld.idx.msk [tilespmem:v11+s3+$0x0], $0xffff;
	v11 =	vor.u32 $0x80, v6  }
0x18f: {  	v8 =	vor.u32 $0x180, v4;
	[tilespmem:s29+$0x16050] =	vst v18;
	v15 =	vld.idx.msk [tilespmem:v15+s3+$0x0], $0xffff  }
0x190: {  	v16 =	vor.u32 $0x100, v0;
	[tilespmem:s29+$0x16800] =	vst v9;
	v9 =	vld.idx.msk [tilespmem:v19+s3+$0x0], $0xffff  }
0x191: {  	v18 =	vor.u32 $0x100, v2;
	[tilespmem:s29+$0x16060] =	vst v10;
	v7 =	vld.idx.msk [tilespmem:v7+s3+$0x0], $0xffff  }
0x192: {  	[tilespmem:s29+$0x16820] =	vst v17;
	v17 =	vor.u32 $0x100, v12;
	v14 =	vld.idx.msk [tilespmem:v14+s3+$0x0], $0xffff  }
0x193: {  	v11 =	vld.idx.msk [tilespmem:v11+s3+$0x0], $0xffff;
	[tilespmem:s29+$0x17070] =	vst v5;
	v5 =	vor.u32 $0x100, v1  }
0x194: {  	v10 =	vor.u32 $0x100, v3;
	[tilespmem:s29+$0x16810] =	vst v15;
	v8 =	vld.idx.msk [tilespmem:v8+s3+$0x0], $0xffff  }
0x195: {  	v19 =	vor.u32 $0x100, v6;
	v16 =	vld.idx.msk [tilespmem:v16+s3+$0x0], $0xffff;
	[tilespmem:s29+$0x16850] =	vst v9  }
0x196: {  	v15 =	vor.u32 $0x200, v4;
	v18 =	vld.idx.msk [tilespmem:v18+s3+$0x0], $0xffff;
	[tilespmem:s29+$0x16830] =	vst v7  }
0x197: {  	v7 =	vor.u32 $0x100, v13;
	[tilespmem:s29+$0x16860] =	vst v14;
	v14 =	vld.idx.msk [tilespmem:v17+s3+$0x0], $0xffff  }
0x198: {  	v5 =	vld.idx.msk [tilespmem:v5+s3+$0x0], $0xffff;
	[tilespmem:s29+$0x16840] =	vst v11;
	v11 =	vor.u32 $0x180, v0  }
0x199: {  	v10 =	vld.idx.msk [tilespmem:v10+s3+$0x0], $0xffff;
	[tilespmem:s29+$0x17870] =	vst v8;
	v8 =	vor.u32 $0x180, v2  }
0x19a: {  	v17 =	vor.u32 $0x180, v3;
	v19 =	vld.idx.msk [tilespmem:v19+s3+$0x0], $0xffff  }
0x19b: {  	[tilespmem:s29+$0x17000] =	vst v16;
	v9 =	vld.idx.msk [tilespmem:v15+s3+$0x0], $0xffff;
	v15 =	vor.u32 $0x180, v1  }
0x19c: {  	[tilespmem:s29+$0x17010] =	vst v18;
	v18 =	vor.u32 $0x180, v6;
	v7 =	vld.idx.msk [tilespmem:v7+s3+$0x0], $0xffff  }
0x19d: {  	v16 =	vor.u32 $0x280, v4;
	v11 =	vld.idx.msk [tilespmem:v11+s3+$0x0], $0xffff;
	[tilespmem:s29+$0x17020] =	vst v5  }
0x19e: {  	v5 =	vor.u32 $0x180, v12;
	[tilespmem:s29+$0x17030] =	vst v10;
	v8 =	vld.idx.msk [tilespmem:v8+s3+$0x0], $0xffff  }
0x19f: {  	v10 =	vor.u32 $0x180, v13;
	[tilespmem:s29+$0x17040] =	vst v19;
	v17 =	vld.idx.msk [tilespmem:v17+s3+$0x0], $0xffff  }
0x1a0: {  	v15 =	vld.idx.msk [tilespmem:v15+s3+$0x0], $0xffff;
	[tilespmem:s29+$0x18070] =	vst v9;
	v9 =	vor.u32 $0x200, v0  }
0x1a1: {  	[tilespmem:s29+$0x17050] =	vst v14;
	v19 =	vor.u32 $0x200, v2;
	v14 =	vld.idx.msk [tilespmem:v18+s3+$0x0], $0xffff  }
0x1a2: {  	v18 =	vor.u32 $0x200, v1;
	v16 =	vld.idx.msk [tilespmem:v16+s3+$0x0], $0xffff;
	[tilespmem:s29+$0x17060] =	vst v7  }
0x1a3: {  	v7 =	vor.u32 $0x300, v4;
	[tilespmem:s29+$0x17800] =	vst v11;
	v5 =	vld.idx.msk [tilespmem:v5+s3+$0x0], $0xffff  }
0x1a4: {  	v11 =	vor.u32 $0x200, v3;
	[tilespmem:s29+$0x17810] =	vst v8;
	v8 =	vld.idx.msk [tilespmem:v10+s3+$0x0], $0xffff  }
0x1a5: {  	v10 =	vor.u32 $0x200, v6;
	[tilespmem:s29+$0x17830] =	vst v17;
	v9 =	vld.idx.msk [tilespmem:v9+s3+$0x0], $0xffff  }
0x1a6: {  	[tilespmem:s29+$0x17820] =	vst v15;
	v15 =	vor.u32 $0x200, v12;
	v19 =	vld.idx.msk [tilespmem:v19+s3+$0x0], $0xffff  }
0x1a7: {  	[tilespmem:s29+$0x18870] =	vst v16;
	v16 =	vor.u32 $0x200, v13;
	v18 =	vld.idx.msk [tilespmem:v18+s3+$0x0], $0xffff  }
0x1a8: {  	v17 =	vor.u32 $0x280, v0;
	[tilespmem:s29+$0x17840] =	vst v14;
	v7 =	vld.idx.msk [tilespmem:v7+s3+$0x0], $0xffff  }
0x1a9: {  	v4 =	vor.u32 $0x380, v4;
	v11 =	vld.idx.msk [tilespmem:v11+s3+$0x0], $0xffff;
	[tilespmem:s29+$0x17850] =	vst v5  }
0x1aa: {  	v5 =	vor.u32 $0x280, v2;
	v10 =	vld.idx.msk [tilespmem:v10+s3+$0x0], $0xffff;
	[tilespmem:s29+$0x17860] =	vst v8  }
0x1ab: {  	v8 =	vor.u32 $0x280, v1;
	[tilespmem:s29+$0x18000] =	vst v9;
	v9 =	vld.idx.msk [tilespmem:v15+s3+$0x0], $0xffff  }
0x1ac: {  	v14 =	vor.u32 $0x280, v3;
	[tilespmem:s29+$0x18010] =	vst v19;
	v16 =	vld.idx.msk [tilespmem:v16+s3+$0x0], $0xffff  }
0x1ad: {  	v15 =	vor.u32 $0x280, v6;
	v17 =	vld.idx.msk [tilespmem:v17+s3+$0x0], $0xffff;
	[tilespmem:s29+$0x19070] =	vst v7  }
0x1ae: {  	[tilespmem:s29+$0x18020] =	vst v18;
	v7 =	vor.u32 $0x280, v12;
	v4 =	vld.idx.msk [tilespmem:v4+s3+$0x0], $0xffff  }
0x1af: {  	v18 =	vor.u32 $0x280, v13;
	v19 =	vld.idx.msk [tilespmem:v5+s3+$0x0], $0xffff;
	[tilespmem:s29+$0x18030] =	vst v11  }
0x1b0: {  	v20 =	vor.u32 $0x300, v0;
	v21 =	vld.idx.msk [tilespmem:v8+s3+$0x0], $0xffff;
	[tilespmem:s29+$0x18040] =	vst v10  }
0x1b1: {  	v22 =	vor.u32 $0x300, v2;
	v23 =	vld.idx.msk [tilespmem:v14+s3+$0x0], $0xffff;
	[tilespmem:s29+$0x18050] =	vst v9  }
0x1b2: {  	v24 =	vor.u32 $0x300, v1;
	v15 =	vld.idx.msk [tilespmem:v15+s3+$0x0], $0xffff;
	[tilespmem:s29+$0x18060] =	vst v16  }
0x1b3: {  	v11 =	vor.u32 $0x300, v3;
	[tilespmem:s29+$0x18800] =	vst v17;
	v17 =	vld.idx.msk [tilespmem:v7+s3+$0x0], $0xffff  }
0x1b4: {  	v10 =	vor.u32 $0x300, v6;
	v16 =	vld.idx.msk [tilespmem:v18+s3+$0x0], $0xffff;
	[tilespmem:s29+$0x19870] =	vst v4  }
0x1b5: {  	v5 =	vor.u32 $0x380, v2;
	v3 =	vor.u32 $0x380, v3;
	v2 =	vor.u32 $0x380, v6;
	v14 =	vld.idx.msk [tilespmem:v20+s3+$0x0], $0xffff;
	[tilespmem:s29+$0x18810] =	vst v19  }
0x1b6: {  	v8 =	vor.u32 $0x300, v12;
	v9 =	vor.u32 $0x300, v13;
	v7 =	vor.u32 $0x380, v0;
	v18 =	vld.idx.msk [tilespmem:v22+s3+$0x0], $0xffff;
	[tilespmem:s29+$0x18820] =	vst v21  }
0x1b7: {  	s14 =	simm.s32 $0x40;
	s1 =	simm.s32 $0x0;
	s0 =	simm.s32 $0x400;
	v0 =	vor.u32 $0x380, v13;
	v4 =	vor.u32 $0x380, v1;
	v1 =	vor.u32 $0x380, v12;
	[tilespmem:s29+$0x18830] =	vst v23;
	v6 =	vld.idx.msk [tilespmem:v24+s3+$0x0], $0xffff  }
.LBB2_7:
0x1b8: {  	s6 =	sand.u32 $0x400, s0;
	s7 =	sand.u32 $0x380, s14;
	s1 =	sadd.s32 $0x8, s1;
	v11 =	vld.idx.msk [tilespmem:v11+s3+$0x0], $0xffff;
	[tilespmem:s29+$0x18840] =	vst v15  }
0x1b9: {  	s6 =	sor.u32 s7, s6;
	p1 =	slt.u32 s1, $0x78;
	v10 =	vld.idx.msk [tilespmem:v10+s3+$0x0], $0xffff;
	[tilespmem:s29+$0x18850] =	vst v17  }
0x1ba: {  	v12 =	vld [tilespmem:s6+$0x15070];
	[tilespmem:s29+$0x18860] =	vst v16  }
0x1bb: {  	v13 =	vld [tilespmem:s6+$0x15000];
	[tilespmem:s29+$0x19000] =	vst v14  }
0x1bc: {  	v14 =	vld [tilespmem:s6+$0x15010];
	[tilespmem:s29+$0x19010] =	vst v18  }
0x1bd: {  	v15 =	vld [tilespmem:s6+$0x15020];
	[tilespmem:s29+$0x19020] =	vst v6  }
0x1be: {  	v16 =	vld [tilespmem:s6+$0x15030];
	[tilespmem:s29+$0x19030] =	vst v11  }
0x1bf: {  	v11 =	vld [tilespmem:s6+$0x15040];
	v6 =	vshll.u32 v12, $0x3;
	[tilespmem:s29+$0x19040] =	vst v10  }
0x1c0: {  	v12 =	vand.u32 $0x7F, v12;
	v10 =	vshll.u32 v13, $0x3;
	v17 =	vld [tilespmem:s6+$0x15050];
	v6 =	vand.u32 $0xFFFFFC00, v6  }
0x1c1: {  	v10 =	vand.u32 $0xFFFFFC00, v10;
	v18 =	vshll.u32 v14, $0x3;
	v19 =	vld [tilespmem:s6+$0x15060];
	v6 =	vor.u32 v12, v6  }
0x1c2: {  	v12 =	vand.u32 $0x7F, v13;
	v13 =	vand.u32 $0xFFFFFC00, v18;
	v18 =	vshll.u32 v15, $0x3;
	v8 =	vld.idx.msk [tilespmem:v8+s3+$0x0], $0xffff  }
0x1c3: {  	v14 =	vand.u32 $0x7F, v14;
	v18 =	vand.u32 $0xFFFFFC00, v18;
	v20 =	vshll.u32 v16, $0x3;
	v9 =	vld.idx.msk [tilespmem:v9+s3+$0x0], $0xffff  }
0x1c4: {  	v15 =	vand.u32 $0x7F, v15;
	v20 =	vand.u32 $0xFFFFFC00, v20;
	v21 =	vshll.u32 v11, $0x3;
	v7 =	vld.idx.msk [tilespmem:v7+s3+$0x0], $0xffff  }
0x1c5: {  	v16 =	vand.u32 $0x7F, v16;
	v21 =	vand.u32 $0xFFFFFC00, v21;
	v22 =	vshll.u32 v17, $0x3;
	v5 =	vld.idx.msk [tilespmem:v5+s3+$0x0], $0xffff  }
0x1c6: {  	v11 =	vand.u32 $0x7F, v11;
	v22 =	vand.u32 $0xFFFFFC00, v22;
	v23 =	vshll.u32 v19, $0x3;
	v24 =	vld.idx.msk [tilespmem:v6+s3+$0x0], $0xffff  }
0x1c7: {  	v17 =	vand.u32 $0x7F, v17;
	v19 =	vand.u32 $0x7F, v19;
	v23 =	vand.u32 $0xFFFFFC00, v23;
	v4 =	vld.idx.msk [tilespmem:v4+s3+$0x0], $0xffff  }
0x1c8: {  	v25 =	vor.u32 v12, v10;
	v10 =	vor.u32 $0x80, v6;
	v26 =	vor.u32 v14, v13;
	v3 =	vld.idx.msk [tilespmem:v3+s3+$0x0], $0xffff;
	[tilespmem:s29+$0x19050] =	vst v8  }
0x1c9: {  	v27 =	vor.u32 v15, v18;
	v28 =	vor.u32 v16, v20;
	v21 =	vor.u32 v11, v21;
	[tilespmem:s29+$0x19060] =	vst v9  }
0x1ca: {  	v22 =	vor.u32 v17, v22;
	v8 =	vor.u32 $0x80, v25;
	v23 =	vor.u32 v19, v23;
	[tilespmem:s29+$0x19800] =	vst v7;
	v2 =	vld.idx.msk [tilespmem:v2+s3+$0x0], $0xffff  }
0x1cb: {  	v29 =	vor.u32 $0x80, v28;
	v9 =	vor.u32 $0x80, v27;
	v7 =	vor.u32 $0x80, v26;
	[tilespmem:s29+$0x19810] =	vst v5;
	v1 =	vld.idx.msk [tilespmem:v1+s3+$0x0], $0xffff  }
0x1cc: {  	v30 =	vor.u32 $0x80, v21;
	v31 =	vor.u32 $0x80, v22;
	v32 =	vor.u32 $0x80, v23;
	[tilespmem:s6+$0x16070] =	vst v24;
	v0 =	vld.idx.msk [tilespmem:v0+s3+$0x0], $0xffff  }
0x1cd: {  	v33 =	vor.u32 $0x100, v26;
	v34 =	vor.u32 $0x100, v27;
	v24 =	vor.u32 $0x100, v25;
	v5 =	vld.idx.msk [tilespmem:v10+s3+$0x0], $0xffff;
	[tilespmem:s29+$0x19820] =	vst v4  }
0x1ce: {  	v35 =	vor.u32 $0x100, v28;
	v36 =	vor.u32 $0x100, v21;
	v37 =	vor.u32 $0x100, v22;
	v4 =	vld.idx.msk [tilespmem:v25+s3+$0x0], $0xffff;
	[tilespmem:s29+$0x19830] =	vst v3  }
0x1cf: {  	v38 =	vor.u32 $0x180, v25;
	v39 =	vor.u32 $0x100, v23;
	v10 =	vor.u32 $0x100, v6;
	v3 =	vld.idx.msk [tilespmem:v26+s3+$0x0], $0xffff  }
0x1d0: {  	v40 =	vor.u32 $0x180, v26;
	v41 =	vor.u32 $0x180, v27;
	v42 =	vor.u32 $0x180, v28;
	v11 =	vld.idx.msk [tilespmem:v27+s3+$0x0], $0xffff;
	[tilespmem:s29+$0x19840] =	vst v2  }
0x1d1: {  	v43 =	vor.u32 $0x180, v21;
	v44 =	vor.u32 $0x180, v22;
	v45 =	vor.u32 $0x180, v23;
	v2 =	vld.idx.msk [tilespmem:v28+s3+$0x0], $0xffff;
	[tilespmem:s29+$0x19850] =	vst v1  }
0x1d2: {  	v46 =	vor.u32 $0x200, v25;
	v47 =	vor.u32 $0x200, v26;
	v48 =	vor.u32 $0x200, v27;
	v1 =	vld.idx.msk [tilespmem:v21+s3+$0x0], $0xffff;
	[tilespmem:s29+$0x19860] =	vst v0;
	s29 =	smov.u32 s6  }
0x1d3: {  	v49 =	vor.u32 $0x200, v28;
	v50 =	vor.u32 $0x200, v21;
	v51 =	vor.u32 $0x200, v22;
	v0 =	vld.idx.msk [tilespmem:v22+s3+$0x0], $0xffff;
	[tilespmem:s29+$0x16870] =	vst v5  }
0x1d4: {  	v52 =	vor.u32 $0x280, v25;
	v18 =	vor.u32 $0x280, v26;
	v53 =	vor.u32 $0x200, v23;
	[tilespmem:s29+$0x16000] =	vst v4;
	v54 =	vld.idx.msk [tilespmem:v10+s3+$0x0], $0xffff  }
0x1d5: {  	v20 =	vor.u32 $0x280, v27;
	v15 =	vor.u32 $0x280, v21;
	v19 =	vor.u32 $0x280, v28;
	[tilespmem:s29+$0x16010] =	vst v3;
	v55 =	vld.idx.msk [tilespmem:v23+s3+$0x0], $0xffff  }
0x1d6: {  	v57 =	vor.u32 $0x180, v6;
	v17 =	vor.u32 $0x280, v22;
	v16 =	vor.u32 $0x280, v23;
	v56 =	vld.idx.msk [tilespmem:v8+s3+$0x0], $0xffff;
	[tilespmem:s29+$0x16020] =	vst v11  }
0x1d7: {  	v14 =	vor.u32 $0x300, v25;
	v13 =	vor.u32 $0x300, v26;
	v12 =	vor.u32 $0x300, v27;
	v58 =	vld.idx.msk [tilespmem:v7+s3+$0x0], $0xffff;
	[tilespmem:s29+$0x16030] =	vst v2  }
0x1d8: {  	v10 =	vor.u32 $0x300, v21;
	v11 =	vor.u32 $0x300, v28;
	v8 =	vor.u32 $0x300, v22;
	v59 =	vld.idx.msk [tilespmem:v9+s3+$0x0], $0xffff;
	[tilespmem:s29+$0x16040] =	vst v1  }
0x1d9: {  	v5 =	vor.u32 $0x380, v26;
	v7 =	vor.u32 $0x380, v25;
	v9 =	vor.u32 $0x300, v23;
	v25 =	vld.idx.msk [tilespmem:v29+s3+$0x0], $0xffff;
	[tilespmem:s29+$0x16050] =	vst v0  }
0x1da: {  	v4 =	vor.u32 $0x380, v27;
	v3 =	vor.u32 $0x380, v28;
	v2 =	vor.u32 $0x380, v21;
	v26 =	vld.idx.msk [tilespmem:v30+s3+$0x0], $0xffff;
	[tilespmem:s29+$0x17070] =	vst v54  }
0x1db: {  	v1 =	vor.u32 $0x380, v22;
	v0 =	vor.u32 $0x380, v23;
	[tilespmem:s29+$0x16060] =	vst v55;
	v21 =	vld.idx.msk [tilespmem:v57+s3+$0x0], $0xffff  }
0x1dc: {  	[tilespmem:s29+$0x16800] =	vst v56;
	v22 =	vld.idx.msk [tilespmem:v31+s3+$0x0], $0xffff  }
0x1dd: {  	v27 =	vor.u32 $0x200, v6;
	[tilespmem:s29+$0x16810] =	vst v58;
	v23 =	vld.idx.msk [tilespmem:v32+s3+$0x0], $0xffff  }
0x1de: {  	v24 =	vld.idx.msk [tilespmem:v24+s3+$0x0], $0xffff;
	[tilespmem:s29+$0x16820] =	vst v59  }
0x1df: {  	v28 =	vld.idx.msk [tilespmem:v33+s3+$0x0], $0xffff;
	[tilespmem:s29+$0x16830] =	vst v25  }
0x1e0: {  	v25 =	vld.idx.msk [tilespmem:v34+s3+$0x0], $0xffff;
	[tilespmem:s29+$0x16840] =	vst v26  }
0x1e1: {  	v26 =	vld.idx.msk [tilespmem:v35+s3+$0x0], $0xffff;
	[tilespmem:s29+$0x17870] =	vst v21  }
0x1e2: {  	[tilespmem:s29+$0x16850] =	vst v22;
	v21 =	vld.idx.msk [tilespmem:v27+s3+$0x0], $0xffff  }
0x1e3: {  	v22 =	vld.idx.msk [tilespmem:v36+s3+$0x0], $0xffff;
	[tilespmem:s29+$0x16860] =	vst v23  }
0x1e4: {  	[tilespmem:s29+$0x17000] =	vst v24;
	v23 =	vld.idx.msk [tilespmem:v37+s3+$0x0], $0xffff;
	v24 =	vor.u32 $0x280, v6  }
0x1e5: {  	[tilespmem:s29+$0x17010] =	vst v28;
	v27 =	vld.idx.msk [tilespmem:v39+s3+$0x0], $0xffff  }
0x1e6: {  	v28 =	vld.idx.msk [tilespmem:v38+s3+$0x0], $0xffff;
	[tilespmem:s29+$0x17020] =	vst v25  }
0x1e7: {  	v25 =	vld.idx.msk [tilespmem:v40+s3+$0x0], $0xffff;
	[tilespmem:s29+$0x17030] =	vst v26  }
0x1e8: {  	v26 =	vld.idx.msk [tilespmem:v41+s3+$0x0], $0xffff;
	[tilespmem:s29+$0x18070] =	vst v21  }
0x1e9: {  	[tilespmem:s29+$0x17040] =	vst v22;
	v21 =	vld.idx.msk [tilespmem:v24+s3+$0x0], $0xffff  }
0x1ea: {  	v22 =	vld.idx.msk [tilespmem:v42+s3+$0x0], $0xffff;
	[tilespmem:s29+$0x17050] =	vst v23  }
0x1eb: {  	v24 =	vor.u32 $0x300, v6;
	v23 =	vld.idx.msk [tilespmem:v43+s3+$0x0], $0xffff;
	[tilespmem:s29+$0x17060] =	vst v27  }
0x1ec: {  	[tilespmem:s29+$0x17800] =	vst v28;
	v27 =	vld.idx.msk [tilespmem:v44+s3+$0x0], $0xffff  }
0x1ed: {  	[tilespmem:s29+$0x17810] =	vst v25;
	v25 =	vld.idx.msk [tilespmem:v45+s3+$0x0], $0xffff  }
0x1ee: {  	v28 =	vld.idx.msk [tilespmem:v46+s3+$0x0], $0xffff;
	[tilespmem:s29+$0x17820] =	vst v26  }
0x1ef: {  	v26 =	vld.idx.msk [tilespmem:v47+s3+$0x0], $0xffff;
	[tilespmem:s29+$0x18870] =	vst v21  }
0x1f0: {  	[tilespmem:s29+$0x17830] =	vst v22;
	v21 =	vld.idx.msk [tilespmem:v24+s3+$0x0], $0xffff  }
0x1f1: {  	v22 =	vld.idx.msk [tilespmem:v48+s3+$0x0], $0xffff;
	[tilespmem:s29+$0x17840] =	vst v23  }
0x1f2: {  	v6 =	vor.u32 $0x380, v6;
	v23 =	vld.idx.msk [tilespmem:v49+s3+$0x0], $0xffff;
	[tilespmem:s29+$0x17850] =	vst v27  }
0x1f3: {  	v24 =	vld.idx.msk [tilespmem:v50+s3+$0x0], $0xffff;
	[tilespmem:s29+$0x17860] =	vst v25  }
0x1f4: {  	[tilespmem:s29+$0x18000] =	vst v28;
	v25 =	vld.idx.msk [tilespmem:v51+s3+$0x0], $0xffff  }
0x1f5: {  	[tilespmem:s29+$0x18010] =	vst v26;
	v26 =	vld.idx.msk [tilespmem:v53+s3+$0x0], $0xffff  }
0x1f6: {  	v27 =	vld.idx.msk [tilespmem:v52+s3+$0x0], $0xffff;
	[tilespmem:s29+$0x19070] =	vst v21  }
0x1f7: {  	[tilespmem:s29+$0x18020] =	vst v22;
	v6 =	vld.idx.msk [tilespmem:v6+s3+$0x0], $0xffff  }
0x1f8: {  	v18 =	vld.idx.msk [tilespmem:v18+s3+$0x0], $0xffff;
	[tilespmem:s29+$0x18030] =	vst v23  }
0x1f9: {  	v20 =	vld.idx.msk [tilespmem:v20+s3+$0x0], $0xffff;
	[tilespmem:s29+$0x18040] =	vst v24  }
0x1fa: {  	v19 =	vld.idx.msk [tilespmem:v19+s3+$0x0], $0xffff;
	[tilespmem:s29+$0x18050] =	vst v25  }
0x1fb: {  	v15 =	vld.idx.msk [tilespmem:v15+s3+$0x0], $0xffff;
	[tilespmem:s29+$0x18060] =	vst v26  }
.Ltmp4:
0x1fc: {  	[tilespmem:s29+$0x18800] =	vst v27;
	v17 =	vld.idx.msk [tilespmem:v17+s3+$0x0], $0xffff;
	(pc) =	sbr.rel @p1 .LBB2_7-.Ltmp4, $4  }
0x1fd: {  	v16 =	vld.idx.msk [tilespmem:v16+s3+$0x0], $0xffff;
	[tilespmem:s29+$0x19870] =	vst v6  }
0x1fe: {  	v14 =	vld.idx.msk [tilespmem:v14+s3+$0x0], $0xffff;
	[tilespmem:s29+$0x18810] =	vst v18  }
0x1ff: {  	v18 =	vld.idx.msk [tilespmem:v13+s3+$0x0], $0xffff;
	[tilespmem:s29+$0x18820] =	vst v20  }
0x200: {  	s0 =	sadd.s32 $0x400, s0;
	s14 =	sadd.s32 $0x40, s14;
	v6 =	vld.idx.msk [tilespmem:v12+s3+$0x0], $0xffff;
	[tilespmem:s29+$0x18830] =	vst v19  }
0x201: {  	_ =	sdelay $0x2  }
0x202: {  	[tilespmem:s29+$0x18840] =	vst v15  }
0x203: {  	v11 =	vld.idx.msk [tilespmem:v11+s3+$0x0], $0xffff;
	[tilespmem:s29+$0x18850] =	vst v17  }
0x204: {  	v10 =	vld.idx.msk [tilespmem:v10+s3+$0x0], $0xffff;
	[tilespmem:s29+$0x18860] =	vst v16  }
0x205: {  	v8 =	vld.idx.msk [tilespmem:v8+s3+$0x0], $0xffff;
	[tilespmem:s29+$0x19000] =	vst v14  }
0x206: {  	v9 =	vld.idx.msk [tilespmem:v9+s3+$0x0], $0xffff;
	[tilespmem:s29+$0x19010] =	vst v18  }
0x207: {  	[tilespmem:s29+$0x19020] =	vst v6;
	v6 =	vld.idx.msk [tilespmem:v7+s3+$0x0], $0xffff  }
0x208: {  	v5 =	vld.idx.msk [tilespmem:v5+s3+$0x0], $0xffff;
	[tilespmem:s29+$0x19030] =	vst v11  }
0x209: {  	v4 =	vld.idx.msk [tilespmem:v4+s3+$0x0], $0xffff;
	[tilespmem:s29+$0x19040] =	vst v10  }
0x20a: {  	v3 =	vld.idx.msk [tilespmem:v3+s3+$0x0], $0xffff;
	[tilespmem:s29+$0x19050] =	vst v8  }
0x20b: {  	[tilespmem:s29+$0x19060] =	vst v9;
	v2 =	vld.idx.msk [tilespmem:v2+s3+$0x0], $0xffff  }
0x20c: {  	v1 =	vld.idx.msk [tilespmem:v1+s3+$0x0], $0xffff;
	[tilespmem:s29+$0x19800] =	vst v6  }
0x20d: {  	v0 =	vld.idx.msk [tilespmem:v0+s3+$0x0], $0xffff;
	[tilespmem:s29+$0x19810] =	vst v5  }
0x20e: {  	[tilespmem:s29+$0x19820] =	vst v4  }
0x20f: {  	[tilespmem:s29+$0x19830] =	vst v3  }
0x210: {  	s0 =	sadd.s32 s11, s28;
	[tilespmem:s29+$0x19840] =	vst v2  }
0x211: {  	s28 =	sshrl.u32 s0, $0x3;
	[tilespmem:s29+$0x19850] =	vst v1  }
0x212: {  	s0 =	sadd.s32 s2, s28;
	[tilespmem:s29+$0x19860] =	vst v0  }
0x213: {  	[hbm4b:s0+s17] =	stream.strided.scatter [tilespmem:s19], [sflag:$0x3], $0x4000, s18, s17, $0x38;
	[tilespmem:$0x1E000] =	vst v63  }
0x214: {  	s30 =	simm.s32 $0x0;
	s31 =	simm.s32 $0x0;
	_ =	swait.ge [sflag:s23], $0x4000  }
0x215: {  	s1 =	sand.u32 $0x380, s30;
	s0 =	sand.u32 $0x400, s31;
	[sflag:s23] =	ssyncset.done $0x0  }
0x216: {  	s6 =	sand.u32 $0x400, s30;
	s0 =	sor.u32 s1, s0;
	[sflag:s23] =	ssyncadd.s32 $0xFFFFC000  }
0x217: {  	s29 =	sor.u32 s1, s6;
	v0 =	vld [tilespmem:s0+$0x15800]  }
0x218: {  	v5 =	vld [tilespmem:s29+$0x15830]  }
0x219: {  	v6 =	vld [tilespmem:s29+$0x15840]  }
0x21a: {  	v1 =	vld [tilespmem:s29+$0x15810]  }
0x21b: {  	v3 =	vld [tilespmem:s29+$0x15820];
	_ =	sdelay $0x1  }
0x21c: {  	v7 =	vld [tilespmem:s29+$0x15850];
	v2 =	vshll.u32 v0, $0x3;
	v0 =	vand.u32 $0x7F, v0;
	v9 =	vshll.u32 v5, $0x3  }
0x21d: {  	v13 =	vshll.u32 v6, $0x3;
	v5 =	vand.u32 $0x7F, v5;
	v2 =	vand.u32 $0xFFFFFC00, v2  }
0x21e: {  	v9 =	vand.u32 $0xFFFFFC00, v9;
	v4 =	vor.u32 v0, v2;
	v0 =	vshll.u32 v1, $0x3  }
0x21f: {  	v8 =	vld [tilespmem:s29+$0x15860];
	v2 =	vshll.u32 v3, $0x3;
	v1 =	vand.u32 $0x7F, v1;
	v0 =	vand.u32 $0xFFFFFC00, v0  }
0x220: {  	v12 =	vld [tilespmem:s29+$0x15870];
	v3 =	vand.u32 $0x7F, v3;
	v2 =	vand.u32 $0xFFFFFC00, v2;
	v0 =	vor.u32 v1, v0  }
0x221: {  	v1 =	vshll.u32 v7, $0x3;
	v2 =	vor.u32 v3, v2;
	v3 =	vand.u32 $0x7F, v6  }
0x222: {  	v7 =	vand.u32 $0x7F, v7;
	v6 =	vand.u32 $0xFFFFFC00, v1;
	v1 =	vor.u32 v5, v9  }
0x223: {  	v13 =	vand.u32 $0xFFFFFC00, v13;
	v7 =	vor.u32 v7, v6;
	v10 =	vld.idx.msk [tilespmem:v4+s3+$0x0], $0xffff  }
0x224: {  	v11 =	vor.u32 $0x80, v4;
	v5 =	vshll.u32 v8, $0x3;
	v3 =	vor.u32 v3, v13  }
0x225: {  	v8 =	vand.u32 $0x7F, v8;
	v9 =	vshll.u32 v12, $0x3;
	v5 =	vand.u32 $0xFFFFFC00, v5  }
0x226: {  	v9 =	vand.u32 $0xFFFFFC00, v9;
	v14 =	vor.u32 v8, v5;
	v8 =	vand.u32 $0x7F, v12;
	v5 =	vld.idx.msk [tilespmem:v0+s3+$0x0], $0xffff  }
0x227: {  	v15 =	vor.u32 v8, v9;
	v9 =	vor.u32 $0x80, v0;
	v8 =	vld.idx.msk [tilespmem:v1+s3+$0x0], $0xffff  }
0x228: {  	v17 =	vor.u32 $0x80, v1;
	v16 =	vld.idx.msk [tilespmem:v7+s3+$0x0], $0xffff;
	[tilespmem:s0+$0x1A000] =	vst v10  }
0x229: {  	v6 =	vld.idx.msk [tilespmem:v11+s3+$0x0], $0xffff  }
0x22a: {  	v11 =	vld.idx.msk [tilespmem:v2+s3+$0x0], $0xffff  }
0x22b: {  	v12 =	vld.idx.msk [tilespmem:v3+s3+$0x0], $0xffff;
	v10 =	vor.u32 $0x100, v4;
	[tilespmem:s29+$0x1A010] =	vst v5  }
0x22c: {  	v13 =	vor.u32 $0x80, v2;
	v9 =	vld.idx.msk [tilespmem:v9+s3+$0x0], $0xffff;
	[tilespmem:s29+$0x1A030] =	vst v8  }
0x22d: {  	v18 =	vor.u32 $0x80, v3;
	v17 =	vld.idx.msk [tilespmem:v17+s3+$0x0], $0xffff;
	[tilespmem:s29+$0x1A050] =	vst v16  }
0x22e: {  	v5 =	vor.u32 $0x80, v7;
	[tilespmem:s0+$0x1A800] =	vst v6;
	v6 =	vld.idx.msk [tilespmem:v14+s3+$0x0], $0xffff  }
0x22f: {  	v16 =	vor.u32 $0x100, v0;
	[tilespmem:s29+$0x1A020] =	vst v11;
	v11 =	vld.idx.msk [tilespmem:v15+s3+$0x0], $0xffff  }
0x230: {  	v8 =	vor.u32 $0x80, v14;
	v10 =	vld.idx.msk [tilespmem:v10+s3+$0x0], $0xffff  }
0x231: {  	v19 =	vor.u32 $0x180, v4;
	[tilespmem:s29+$0x1A040] =	vst v12;
	v13 =	vld.idx.msk [tilespmem:v13+s3+$0x0], $0xffff  }
0x232: {  	v12 =	vor.u32 $0x80, v15;
	v18 =	vld.idx.msk [tilespmem:v18+s3+$0x0], $0xffff;
	[tilespmem:s29+$0x1A810] =	vst v9  }
0x233: {  	v5 =	vld.idx.msk [tilespmem:v5+s3+$0x0], $0xffff;
	[tilespmem:s29+$0x1A060] =	vst v6;
	v6 =	vor.u32 $0x100, v2  }
0x234: {  	v16 =	vld.idx.msk [tilespmem:v16+s3+$0x0], $0xffff;
	[tilespmem:s29+$0x1A070] =	vst v11;
	v11 =	vor.u32 $0x100, v3  }
0x235: {  	[tilespmem:s0+$0x1B000] =	vst v10;
	v10 =	vor.u32 $0x100, v1;
	v8 =	vld.idx.msk [tilespmem:v8+s3+$0x0], $0xffff  }
0x236: {  	[tilespmem:s29+$0x1A820] =	vst v13;
	v13 =	vor.u32 $0x100, v7;
	v19 =	vld.idx.msk [tilespmem:v19+s3+$0x0], $0xffff  }
0x237: {  	[tilespmem:s29+$0x1A830] =	vst v17;
	v17 =	vor.u32 $0x100, v14;
	v12 =	vld.idx.msk [tilespmem:v12+s3+$0x0], $0xffff  }
0x238: {  	v9 =	vor.u32 $0x200, v4;
	[tilespmem:s29+$0x1A840] =	vst v18;
	v6 =	vld.idx.msk [tilespmem:v6+s3+$0x0], $0xffff  }
0x239: {  	[tilespmem:s29+$0x1A850] =	vst v5;
	v5 =	vor.u32 $0x180, v0;
	v11 =	vld.idx.msk [tilespmem:v11+s3+$0x0], $0xffff  }
0x23a: {  	v18 =	vor.u32 $0x100, v15;
	v10 =	vld.idx.msk [tilespmem:v10+s3+$0x0], $0xffff;
	[tilespmem:s29+$0x1A860] =	vst v8  }
0x23b: {  	v13 =	vld.idx.msk [tilespmem:v13+s3+$0x0], $0xffff;
	[tilespmem:s0+$0x1B800] =	vst v19;
	v19 =	vor.u32 $0x180, v2  }
0x23c: {  	[tilespmem:s29+$0x1B010] =	vst v16;
	v8 =	vor.u32 $0x180, v1;
	v16 =	vld.idx.msk [tilespmem:v17+s3+$0x0], $0xffff  }
0x23d: {  	[tilespmem:s29+$0x1A870] =	vst v12;
	v17 =	vor.u32 $0x180, v3;
	v9 =	vld.idx.msk [tilespmem:v9+s3+$0x0], $0xffff  }
0x23e: {  	v12 =	vor.u32 $0x280, v4;
	v5 =	vld.idx.msk [tilespmem:v5+s3+$0x0], $0xffff;
	[tilespmem:s29+$0x1B020] =	vst v6  }
0x23f: {  	v6 =	vld.idx.msk [tilespmem:v18+s3+$0x0], $0xffff;
	v18 =	vor.u32 $0x180, v7;
	[tilespmem:s29+$0x1B040] =	vst v11  }
0x240: {  	[tilespmem:s29+$0x1B030] =	vst v10;
	v10 =	vor.u32 $0x180, v14;
	v19 =	vld.idx.msk [tilespmem:v19+s3+$0x0], $0xffff  }
0x241: {  	v11 =	vor.u32 $0x180, v15;
	[tilespmem:s29+$0x1B050] =	vst v13;
	v8 =	vld.idx.msk [tilespmem:v8+s3+$0x0], $0xffff  }
0x242: {  	v17 =	vld.idx.msk [tilespmem:v17+s3+$0x0], $0xffff;
	[tilespmem:s0+$0x1C000] =	vst v9;
	v9 =	vor.u32 $0x200, v0  }
0x243: {  	v13 =	vor.u32 $0x200, v2;
	[tilespmem:s29+$0x1B810] =	vst v5;
	v12 =	vld.idx.msk [tilespmem:v12+s3+$0x0], $0xffff  }
0x244: {  	[tilespmem:s29+$0x1B060] =	vst v16;
	v16 =	vor.u32 $0x300, v4;
	v18 =	vld.idx.msk [tilespmem:v18+s3+$0x0], $0xffff  }
0x245: {  	[tilespmem:s29+$0x1B070] =	vst v6;
	v6 =	vor.u32 $0x200, v1;
	v5 =	vld.idx.msk [tilespmem:v10+s3+$0x0], $0xffff  }
0x246: {  	v10 =	vor.u32 $0x200, v3;
	v11 =	vld.idx.msk [tilespmem:v11+s3+$0x0], $0xffff;
	[tilespmem:s29+$0x1B820] =	vst v19  }
0x247: {  	v19 =	vor.u32 $0x200, v7;
	[tilespmem:s29+$0x1B830] =	vst v8;
	v9 =	vld.idx.msk [tilespmem:v9+s3+$0x0], $0xffff  }
0x248: {  	v8 =	vor.u32 $0x200, v14;
	[tilespmem:s0+$0x1C800] =	vst v12;
	v12 =	vld.idx.msk [tilespmem:v13+s3+$0x0], $0xffff  }
0x249: {  	[tilespmem:s29+$0x1B840] =	vst v17;
	v13 =	vor.u32 $0x200, v15;
	v16 =	vld.idx.msk [tilespmem:v16+s3+$0x0], $0xffff  }
0x24a: {  	v17 =	vor.u32 $0x280, v0;
	v6 =	vld.idx.msk [tilespmem:v6+s3+$0x0], $0xffff;
	[tilespmem:s29+$0x1B850] =	vst v18  }
0x24b: {  	v4 =	vor.u32 $0x380, v4;
	v10 =	vld.idx.msk [tilespmem:v10+s3+$0x0], $0xffff;
	[tilespmem:s29+$0x1B860] =	vst v5  }
0x24c: {  	v5 =	vor.u32 $0x280, v2;
	[tilespmem:s29+$0x1B870] =	vst v11;
	v18 =	vld.idx.msk [tilespmem:v19+s3+$0x0], $0xffff  }
0x24d: {  	v11 =	vor.u32 $0x280, v1;
	v8 =	vld.idx.msk [tilespmem:v8+s3+$0x0], $0xffff;
	[tilespmem:s29+$0x1C010] =	vst v9  }
0x24e: {  	v9 =	vor.u32 $0x280, v3;
	[tilespmem:s29+$0x1C020] =	vst v12;
	v21 =	vld.idx.msk [tilespmem:v13+s3+$0x0], $0xffff  }
0x24f: {  	v22 =	vor.u32 $0x280, v7;
	[tilespmem:s0+$0x1D000] =	vst v16;
	v16 =	vld.idx.msk [tilespmem:v17+s3+$0x0], $0xffff  }
0x250: {  	v23 =	vor.u32 $0x280, v14;
	[tilespmem:s29+$0x1C030] =	vst v6;
	v24 =	vld.idx.msk [tilespmem:v4+s3+$0x0], $0xffff  }
0x251: {  	v25 =	vor.u32 $0x280, v15;
	v26 =	vld.idx.msk [tilespmem:v5+s3+$0x0], $0xffff;
	[tilespmem:s29+$0x1C040] =	vst v10  }
0x252: {  	v27 =	vor.u32 $0x300, v0;
	v20 =	vld.idx.msk [tilespmem:v11+s3+$0x0], $0xffff;
	[tilespmem:s29+$0x1C050] =	vst v18  }
0x253: {  	v13 =	vor.u32 $0x300, v2;
	[tilespmem:s29+$0x1C060] =	vst v8;
	v19 =	vld.idx.msk [tilespmem:v9+s3+$0x0], $0xffff  }
0x254: {  	v12 =	vor.u32 $0x300, v1;
	v6 =	vor.u32 $0x380, v0;
	v0 =	vor.u32 $0x380, v15;
	v17 =	vld.idx.msk [tilespmem:v22+s3+$0x0], $0xffff;
	[tilespmem:s29+$0x1C070] =	vst v21  }
0x255: {  	v11 =	vor.u32 $0x300, v3;
	v10 =	vor.u32 $0x300, v7;
	v5 =	vor.u32 $0x380, v2;
	v18 =	vld.idx.msk [tilespmem:v23+s3+$0x0], $0xffff;
	[tilespmem:s29+$0x1C810] =	vst v16  }
0x256: {  	v4 =	vor.u32 $0x380, v1;
	v3 =	vor.u32 $0x380, v3;
	v2 =	vor.u32 $0x380, v7;
	v16 =	vld.idx.msk [tilespmem:v25+s3+$0x0], $0xffff;
	[tilespmem:s0+$0x1D800] =	vst v24  }
0x257: {  	s14 =	simm.s32 $0x0;
	s1 =	simm.s32 $0x0;
	v1 =	vor.u32 $0x380, v14;
	v8 =	vor.u32 $0x300, v14;
	v9 =	vor.u32 $0x300, v15;
	v7 =	vld.idx.msk [tilespmem:v27+s3+$0x0], $0xffff;
	[tilespmem:s29+$0x1C820] =	vst v26;
	s0 =	simm.s32 $0x400  }
.LBB2_9:
0x258: {  	s7 =	sand.u32 $0x400, s0;
	v13 =	vld.idx.msk [tilespmem:v13+s3+$0x0], $0xffff;
	[tilespmem:s29+$0x1C830] =	vst v20;
	s30 =	sadd.s32 $0x80, s30  }
0x259: {  	s1 =	sadd.s32 $0x8, s1;
	s14 =	sadd.s32 $0x40, s14;
	s6 =	sshll.u32 s30, $0x3;
	v12 =	vld.idx.msk [tilespmem:v12+s3+$0x0], $0xffff;
	[tilespmem:s29+$0x1C840] =	vst v19  }
0x25a: {  	s13 =	sand.u32 $0x380, s14;
	p1 =	slt.u32 s1, $0x78;
	s6 =	sand.u32 $0x400, s6;
	v11 =	vld.idx.msk [tilespmem:v11+s3+$0x0], $0xffff;
	[tilespmem:s29+$0x1C850] =	vst v17  }
0x25b: {  	s7 =	sor.u32 s13, s7;
	s6 =	sor.u32 s13, s6;
	v10 =	vld.idx.msk [tilespmem:v10+s3+$0x0], $0xffff;
	[tilespmem:s29+$0x1C860] =	vst v18  }
0x25c: {  	v14 =	vld [tilespmem:s6+$0x15800];
	[tilespmem:s29+$0x1C870] =	vst v16  }
0x25d: {  	v15 =	vld [tilespmem:s7+$0x15810];
	[tilespmem:s29+$0x1D010] =	vst v7  }
0x25e: {  	v16 =	vld [tilespmem:s7+$0x15820];
	[tilespmem:s29+$0x1D020] =	vst v13  }
0x25f: {  	v13 =	vld [tilespmem:s7+$0x15830];
	[tilespmem:s29+$0x1D030] =	vst v12  }
0x260: {  	v12 =	vld [tilespmem:s7+$0x15840];
	[tilespmem:s29+$0x1D040] =	vst v11  }
0x261: {  	v7 =	vshll.u32 v14, $0x3;
	v11 =	vld [tilespmem:s7+$0x15850];
	[tilespmem:s29+$0x1D050] =	vst v10  }
0x262: {  	v10 =	vand.u32 $0x7F, v14;
	v7 =	vand.u32 $0xFFFFFC00, v7;
	v14 =	vshll.u32 v15, $0x3;
	v17 =	vld [tilespmem:s7+$0x15860]  }
0x263: {  	v7 =	vor.u32 v10, v7;
	v10 =	vand.u32 $0xFFFFFC00, v14;
	v14 =	vshll.u32 v16, $0x3;
	v18 =	vld [tilespmem:s7+$0x15870]  }
0x264: {  	v15 =	vand.u32 $0x7F, v15;
	v14 =	vand.u32 $0xFFFFFC00, v14;
	v19 =	vshll.u32 v13, $0x3;
	v8 =	vld.idx.msk [tilespmem:v8+s3+$0x0], $0xffff  }
0x265: {  	v16 =	vand.u32 $0x7F, v16;
	v19 =	vand.u32 $0xFFFFFC00, v19;
	v20 =	vshll.u32 v12, $0x3;
	v9 =	vld.idx.msk [tilespmem:v9+s3+$0x0], $0xffff  }
0x266: {  	v13 =	vand.u32 $0x7F, v13;
	v20 =	vand.u32 $0xFFFFFC00, v20;
	v21 =	vshll.u32 v11, $0x3;
	v6 =	vld.idx.msk [tilespmem:v6+s3+$0x0], $0xffff  }
0x267: {  	v12 =	vand.u32 $0x7F, v12;
	v21 =	vand.u32 $0xFFFFFC00, v21;
	v22 =	vshll.u32 v17, $0x3;
	v5 =	vld.idx.msk [tilespmem:v5+s3+$0x0], $0xffff  }
0x268: {  	v11 =	vand.u32 $0x7F, v11;
	v23 =	vld.idx.msk [tilespmem:v7+s3+$0x0], $0xffff;
	v22 =	vand.u32 $0xFFFFFC00, v22;
	v24 =	vshll.u32 v18, $0x3  }
0x269: {  	v17 =	vand.u32 $0x7F, v17;
	v18 =	vand.u32 $0x7F, v18;
	v24 =	vand.u32 $0xFFFFFC00, v24;
	v4 =	vld.idx.msk [tilespmem:v4+s3+$0x0], $0xffff  }
0x26a: {  	v25 =	vor.u32 $0x80, v7;
	v26 =	vor.u32 v15, v10;
	v27 =	vor.u32 v16, v14;
	v3 =	vld.idx.msk [tilespmem:v3+s3+$0x0], $0xffff;
	[tilespmem:s29+$0x1D060] =	vst v8  }
0x26b: {  	v28 =	vor.u32 v13, v19;
	v29 =	vor.u32 v12, v20;
	v21 =	vor.u32 v11, v21;
	[tilespmem:s29+$0x1D070] =	vst v9  }
0x26c: {  	v22 =	vor.u32 v17, v22;
	v8 =	vor.u32 $0x80, v26;
	v24 =	vor.u32 v18, v24;
	[tilespmem:s29+$0x1D810] =	vst v6;
	v2 =	vld.idx.msk [tilespmem:v2+s3+$0x0], $0xffff  }
0x26d: {  	v30 =	vor.u32 $0x80, v29;
	v9 =	vor.u32 $0x80, v28;
	v6 =	vor.u32 $0x80, v27;
	[tilespmem:s29+$0x1D820] =	vst v5;
	v1 =	vld.idx.msk [tilespmem:v1+s3+$0x0], $0xffff  }
0x26e: {  	v31 =	vor.u32 $0x80, v22;
	v32 =	vor.u32 $0x80, v24;
	[tilespmem:s6+$0x1A000] =	vst v23;
	v23 =	vor.u32 $0x80, v21;
	v0 =	vld.idx.msk [tilespmem:v0+s3+$0x0], $0xffff  }
0x26f: {  	v33 =	vor.u32 $0x100, v27;
	v34 =	vor.u32 $0x100, v28;
	v5 =	vld.idx.msk [tilespmem:v25+s3+$0x0], $0xffff;
	v25 =	vor.u32 $0x100, v26;
	[tilespmem:s29+$0x1D830] =	vst v4  }
0x270: {  	v35 =	vor.u32 $0x100, v29;
	v36 =	vor.u32 $0x100, v21;
	v37 =	vor.u32 $0x100, v22;
	v4 =	vld.idx.msk [tilespmem:v26+s3+$0x0], $0xffff;
	[tilespmem:s29+$0x1D840] =	vst v3  }
0x271: {  	v38 =	vor.u32 $0x180, v26;
	v39 =	vor.u32 $0x100, v24;
	v3 =	vor.u32 $0x100, v7;
	v10 =	vld.idx.msk [tilespmem:v27+s3+$0x0], $0xffff  }
0x272: {  	v40 =	vor.u32 $0x180, v27;
	v41 =	vor.u32 $0x180, v28;
	v42 =	vor.u32 $0x180, v29;
	v11 =	vld.idx.msk [tilespmem:v28+s3+$0x0], $0xffff;
	[tilespmem:s29+$0x1D850] =	vst v2  }
0x273: {  	v43 =	vor.u32 $0x180, v21;
	v44 =	vor.u32 $0x180, v22;
	v45 =	vor.u32 $0x180, v24;
	v2 =	vld.idx.msk [tilespmem:v29+s3+$0x0], $0xffff;
	[tilespmem:s29+$0x1D860] =	vst v1  }
0x274: {  	v46 =	vor.u32 $0x200, v26;
	v47 =	vor.u32 $0x200, v27;
	v48 =	vor.u32 $0x200, v28;
	v1 =	vld.idx.msk [tilespmem:v21+s3+$0x0], $0xffff;
	[tilespmem:s29+$0x1D870] =	vst v0;
	s29 =	smov.u32 s7  }
0x275: {  	v49 =	vor.u32 $0x200, v29;
	v50 =	vor.u32 $0x200, v21;
	v51 =	vor.u32 $0x200, v22;
	[tilespmem:s6+$0x1A800] =	vst v5;
	v0 =	vld.idx.msk [tilespmem:v22+s3+$0x0], $0xffff  }
0x276: {  	v52 =	vor.u32 $0x280, v26;
	v19 =	vor.u32 $0x280, v27;
	v53 =	vor.u32 $0x200, v24;
	v3 =	vld.idx.msk [tilespmem:v3+s3+$0x0], $0xffff;
	[tilespmem:s29+$0x1A010] =	vst v4  }
0x277: {  	v20 =	vor.u32 $0x280, v28;
	v17 =	vor.u32 $0x280, v29;
	v15 =	vor.u32 $0x280, v21;
	[tilespmem:s29+$0x1A020] =	vst v10;
	v54 =	vld.idx.msk [tilespmem:v24+s3+$0x0], $0xffff  }
0x278: {  	v55 =	vor.u32 $0x180, v7;
	v18 =	vor.u32 $0x280, v22;
	v16 =	vor.u32 $0x280, v24;
	v56 =	vld.idx.msk [tilespmem:v8+s3+$0x0], $0xffff;
	[tilespmem:s29+$0x1A030] =	vst v11  }
0x279: {  	v14 =	vor.u32 $0x300, v26;
	v13 =	vor.u32 $0x300, v27;
	v12 =	vor.u32 $0x300, v28;
	v57 =	vld.idx.msk [tilespmem:v6+s3+$0x0], $0xffff;
	[tilespmem:s29+$0x1A040] =	vst v2  }
0x27a: {  	v10 =	vor.u32 $0x300, v21;
	v11 =	vor.u32 $0x300, v29;
	v8 =	vor.u32 $0x300, v22;
	v58 =	vld.idx.msk [tilespmem:v9+s3+$0x0], $0xffff;
	[tilespmem:s29+$0x1A050] =	vst v1  }
0x27b: {  	v5 =	vor.u32 $0x380, v27;
	v6 =	vor.u32 $0x380, v26;
	v9 =	vor.u32 $0x300, v24;
	v26 =	vld.idx.msk [tilespmem:v30+s3+$0x0], $0xffff;
	[tilespmem:s29+$0x1A060] =	vst v0  }
0x27c: {  	v4 =	vor.u32 $0x380, v28;
	v2 =	vor.u32 $0x380, v21;
	[tilespmem:s6+$0x1B000] =	vst v3;
	v3 =	vor.u32 $0x380, v29;
	v23 =	vld.idx.msk [tilespmem:v23+s3+$0x0], $0xffff  }
0x27d: {  	v1 =	vor.u32 $0x380, v22;
	v0 =	vor.u32 $0x380, v24;
	v21 =	vld.idx.msk [tilespmem:v55+s3+$0x0], $0xffff;
	[tilespmem:s29+$0x1A070] =	vst v54  }
0x27e: {  	[tilespmem:s29+$0x1A810] =	vst v56;
	v22 =	vld.idx.msk [tilespmem:v31+s3+$0x0], $0xffff  }
0x27f: {  	v24 =	vor.u32 $0x200, v7;
	[tilespmem:s29+$0x1A820] =	vst v57;
	v27 =	vld.idx.msk [tilespmem:v32+s3+$0x0], $0xffff  }
0x280: {  	v25 =	vld.idx.msk [tilespmem:v25+s3+$0x0], $0xffff;
	[tilespmem:s29+$0x1A830] =	vst v58  }
0x281: {  	v28 =	vld.idx.msk [tilespmem:v33+s3+$0x0], $0xffff;
	[tilespmem:s29+$0x1A840] =	vst v26  }
0x282: {  	v26 =	vld.idx.msk [tilespmem:v34+s3+$0x0], $0xffff;
	[tilespmem:s29+$0x1A850] =	vst v23  }
0x283: {  	[tilespmem:s6+$0x1B800] =	vst v21;
	v21 =	vld.idx.msk [tilespmem:v35+s3+$0x0], $0xffff  }
0x284: {  	v23 =	vld.idx.msk [tilespmem:v24+s3+$0x0], $0xffff;
	[tilespmem:s29+$0x1A860] =	vst v22  }
0x285: {  	v22 =	vld.idx.msk [tilespmem:v36+s3+$0x0], $0xffff;
	[tilespmem:s29+$0x1A870] =	vst v27  }
0x286: {  	v24 =	vor.u32 $0x280, v7;
	[tilespmem:s29+$0x1B010] =	vst v25;
	v25 =	vld.idx.msk [tilespmem:v37+s3+$0x0], $0xffff  }
0x287: {  	[tilespmem:s29+$0x1B020] =	vst v28;
	v27 =	vld.idx.msk [tilespmem:v39+s3+$0x0], $0xffff  }
0x288: {  	v28 =	vld.idx.msk [tilespmem:v38+s3+$0x0], $0xffff;
	[tilespmem:s29+$0x1B030] =	vst v26  }
0x289: {  	v26 =	vld.idx.msk [tilespmem:v40+s3+$0x0], $0xffff;
	[tilespmem:s29+$0x1B040] =	vst v21  }
0x28a: {  	[tilespmem:s6+$0x1C000] =	vst v23;
	v21 =	vld.idx.msk [tilespmem:v41+s3+$0x0], $0xffff  }
0x28b: {  	v23 =	vld.idx.msk [tilespmem:v24+s3+$0x0], $0xffff;
	[tilespmem:s29+$0x1B050] =	vst v22  }
0x28c: {  	v22 =	vld.idx.msk [tilespmem:v42+s3+$0x0], $0xffff;
	[tilespmem:s29+$0x1B060] =	vst v25  }
0x28d: {  	v24 =	vor.u32 $0x300, v7;
	v25 =	vld.idx.msk [tilespmem:v43+s3+$0x0], $0xffff;
	[tilespmem:s29+$0x1B070] =	vst v27  }
0x28e: {  	[tilespmem:s29+$0x1B810] =	vst v28;
	v27 =	vld.idx.msk [tilespmem:v44+s3+$0x0], $0xffff  }
0x28f: {  	[tilespmem:s29+$0x1B820] =	vst v26;
	v26 =	vld.idx.msk [tilespmem:v45+s3+$0x0], $0xffff  }
0x290: {  	v28 =	vld.idx.msk [tilespmem:v46+s3+$0x0], $0xffff;
	[tilespmem:s29+$0x1B830] =	vst v21  }
0x291: {  	[tilespmem:s6+$0x1C800] =	vst v23;
	v21 =	vld.idx.msk [tilespmem:v47+s3+$0x0], $0xffff  }
0x292: {  	v23 =	vld.idx.msk [tilespmem:v24+s3+$0x0], $0xffff;
	[tilespmem:s29+$0x1B840] =	vst v22  }
0x293: {  	v22 =	vld.idx.msk [tilespmem:v48+s3+$0x0], $0xffff;
	[tilespmem:s29+$0x1B850] =	vst v25  }
0x294: {  	v7 =	vor.u32 $0x380, v7;
	v24 =	vld.idx.msk [tilespmem:v49+s3+$0x0], $0xffff;
	[tilespmem:s29+$0x1B860] =	vst v27  }
0x295: {  	v25 =	vld.idx.msk [tilespmem:v50+s3+$0x0], $0xffff;
	[tilespmem:s29+$0x1B870] =	vst v26  }
0x296: {  	[tilespmem:s29+$0x1C010] =	vst v28;
	v26 =	vld.idx.msk [tilespmem:v51+s3+$0x0], $0xffff  }
0x297: {  	[tilespmem:s29+$0x1C020] =	vst v21;
	v21 =	vld.idx.msk [tilespmem:v53+s3+$0x0], $0xffff  }
0x298: {  	[tilespmem:s6+$0x1D000] =	vst v23;
	v23 =	vld.idx.msk [tilespmem:v52+s3+$0x0], $0xffff  }
0x299: {  	v7 =	vld.idx.msk [tilespmem:v7+s3+$0x0], $0xffff;
	[tilespmem:s29+$0x1C030] =	vst v22  }
0x29a: {  	v22 =	vld.idx.msk [tilespmem:v19+s3+$0x0], $0xffff;
	[tilespmem:s29+$0x1C040] =	vst v24  }
0x29b: {  	v20 =	vld.idx.msk [tilespmem:v20+s3+$0x0], $0xffff;
	[tilespmem:s29+$0x1C050] =	vst v25  }
.Ltmp5:
0x29c: {  	v19 =	vld.idx.msk [tilespmem:v17+s3+$0x0], $0xffff;
	[tilespmem:s29+$0x1C060] =	vst v26;
	(pc) =	sbr.rel @p1 .LBB2_9-.Ltmp5, $4  }
0x29d: {  	v17 =	vld.idx.msk [tilespmem:v15+s3+$0x0], $0xffff;
	[tilespmem:s29+$0x1C070] =	vst v21  }
0x29e: {  	[tilespmem:s29+$0x1C810] =	vst v23;
	v18 =	vld.idx.msk [tilespmem:v18+s3+$0x0], $0xffff  }
0x29f: {  	[tilespmem:s6+$0x1D800] =	vst v7;
	v16 =	vld.idx.msk [tilespmem:v16+s3+$0x0], $0xffff  }
0x2a0: {  	s0 =	sadd.s32 $0x400, s0;
	v7 =	vld.idx.msk [tilespmem:v14+s3+$0x0], $0xffff;
	[tilespmem:s29+$0x1C820] =	vst v22  }
0x2a1: {  	_ =	sdelay $0x2  }
0x2a2: {  	[tilespmem:s29+$0x1C830] =	vst v20  }
0x2a3: {  	v13 =	vld.idx.msk [tilespmem:v13+s3+$0x0], $0xffff;
	[tilespmem:s29+$0x1C840] =	vst v19  }
0x2a4: {  	v12 =	vld.idx.msk [tilespmem:v12+s3+$0x0], $0xffff;
	[tilespmem:s29+$0x1C850] =	vst v17  }
0x2a5: {  	v11 =	vld.idx.msk [tilespmem:v11+s3+$0x0], $0xffff;
	[tilespmem:s29+$0x1C860] =	vst v18  }
0x2a6: {  	v10 =	vld.idx.msk [tilespmem:v10+s3+$0x0], $0xffff;
	[tilespmem:s29+$0x1C870] =	vst v16  }
0x2a7: {  	v62 =	vld.idx.msk [tilespmem:v8+s3+$0x0], $0xffff;
	[tilespmem:s29+$0x1D010] =	vst v7  }
0x2a8: {  	v63 =	vld.idx.msk [tilespmem:v9+s3+$0x0], $0xffff;
	[tilespmem:s29+$0x1D020] =	vst v13  }
0x2a9: {  	v6 =	vld.idx.msk [tilespmem:v6+s3+$0x0], $0xffff;
	[tilespmem:s29+$0x1D030] =	vst v12  }
0x2aa: {  	[tilespmem:s29+$0x1D040] =	vst v11;
	v5 =	vld.idx.msk [tilespmem:v5+s3+$0x0], $0xffff  }
0x2ab: {  	[tilespmem:s29+$0x1D050] =	vst v10;
	v4 =	vld.idx.msk [tilespmem:v4+s3+$0x0], $0xffff  }
0x2ac: {  	v3 =	vld.idx.msk [tilespmem:v3+s3+$0x0], $0xffff;
	[tilespmem:s29+$0x1D060] =	vst v62  }
0x2ad: {  	v2 =	vld.idx.msk [tilespmem:v2+s3+$0x0], $0xffff;
	[tilespmem:s29+$0x1D070] =	vst v63  }
0x2ae: {  	v1 =	vld.idx.msk [tilespmem:v1+s3+$0x0], $0xffff;
	[tilespmem:s29+$0x1D810] =	vst v6  }
0x2af: {  	v0 =	vld.idx.msk [tilespmem:v0+s3+$0x0], $0xffff;
	[tilespmem:s29+$0x1D820] =	vst v5  }
0x2b0: {  	[tilespmem:s29+$0x1D830] =	vst v4  }
.Ltmp6:
0x2b1: {  	[tilespmem:s29+$0x1D840] =	vst v3;
	(pc) =	sbr.rel @p0 .LBB2_12-.Ltmp6, $4  }
0x2b2: {  	[tilespmem:s29+$0x1D850] =	vst v2  }
0x2b3: {  	[tilespmem:s29+$0x1D860] =	vst v1  }
0x2b4: {  	s0 =	sadd.s32 s28, s9;
	[tilespmem:s29+$0x1D870] =	vst v0  }
0x2b5: {  	[hbm4b:s0+s17] =	stream.strided.scatter [tilespmem:s20], [sflag:$0x4], $0x4000, s18, s17, $0x38;
	[tilespmem:$0x1E000] =	vst v63  }
.Ltmp7:
0x2b6: {  	(pc) =	sbr.rel .LBB2_2-.Ltmp7, $3  }
0x2b7: {  	_ =	sdelay $0x1  }
0x2b8: {  	s0 =	sadd.s32 s26, s12;
	s25 =	sadd.s32 $0x1, s25  }
0x2b9: {  	[tilespmem:s15], [sflag:$0x2] =	stream.linear.gather [hbm4b:s0+s3], $0x1000, $0x38;
	[tilespmem:$0x1E000] =	vst v63  }
.LBB2_13:
0x2ba: {  	_ =	sfence.sel $0x180000  }
0x2bb: {  	[bflag:$0x0] =	sbarrier.arrive $0xFFFF  }
0x2bc: {  	_ =	strace $0x90000047  }
0x2bd: {  	s0 =	stileid.u32;
	[bflag:$0x2] =	sbarrier.arrive $0xFFFF  }
0x2be: {  	p0 =	sne.s32 s0, $0x0;
	s0 =	rddreg [dreg:$0x3]  }
0x2bf: {  	s0 =	sadd.s32 @!p0 $0x100000, s0  }
0x2c0: {  	[sflag:s0] =	ssyncadd.tile.s32 @!p0 $0x1;
	_ =	shalt  }
.Lfunc_end2:
_tile_overlayer_lowered:
.L_overlay_start_2:
0x2c1: {  	(tag) =	ssettag $0x2  }
0x2c2: {  	s0 =	rddreg [dreg:$0x0];
	s2 =	stileid.u32  }
0x2c3: {  	s1 =	rddreg [dreg:$0x1];
	p0 =	sne.s32 s2, $0x0  }
0x2c4: {  	s3 =	rddreg [dreg:$0x2];
	[bflag:$0x3] =	sbarrier.arrive $0xFFFF;
	s2 =	simm.s32 @!p0 $0x1C05  }
0x2c5: {  	[timem:s3], [sflag:s2] =	dma.local @!p0 [hbm:s0], s1  }
0x2c6: {  	s0 =	simm.s32 @!p0 $0x5  }
0x2c7: {  	_ =	swait.ge @!p0 [sflag:s0], s1  }
0x2c8: {  	s1 =	ssub.s32 @!p0 $0x0, s1;
	[sflag:s0] =	ssyncset.done @!p0 $0x0  }
0x2c9: {  	[sflag:s0] =	ssyncadd.s32 @!p0 s1  }
0x2ca: {  	[bflag:$0x3] =	sbarrier.arrive $0xFFFF  }
0x2cb: {  	_ =	shalt  }

</sc_bundles>
